<compile_context>
chip_gen: v7x
topology: tpu7x:2x2x1
jax: 0.10.2.dev20260603
libtpu: 0.0.44.dev20260713+nightly
codegen_flags: <defaults>
</compile_context>

<pallas_src>
import functools

import jax
import jax.numpy as jnp
from jax import lax
from jax.experimental import pallas as pl
from jax.experimental.pallas import tpu as pltpu
from jax.experimental.pallas import tpu_sc as plsc

_B = 16384
_D = 64
_L = 16

_info = plsc.get_sparse_core_info()
_NC, _NS = _info.num_cores, _info.num_subcores
_NW = _NC * _NS
_N = _B // _NW
_NIDX = _N // 128


def _transe_body(h_idx_hbm, r_idx_hbm, o_idx_hbm, ent_hbm, rel_hbm, out_hbm,
                 h_idx_v, r_idx_v, o_idx_v, h_rows, r_rows, o_rows, out_v,
                 sem):
    wid = lax.axis_index("s") * _NC + lax.axis_index("c")
    ibase = wid * _NIDX

    pltpu.sync_copy(h_idx_hbm.at[pl.ds(ibase, _NIDX)], h_idx_v)
    pltpu.sync_copy(r_idx_hbm.at[pl.ds(ibase, _NIDX)], r_idx_v)
    pltpu.sync_copy(o_idx_hbm.at[pl.ds(ibase, _NIDX)], o_idx_v)

    copies = []
    for j in range(_NIDX):
        dst = pl.ds(j * 128, 128)
        copies.append(pltpu.async_copy(ent_hbm.at[h_idx_v.at[j]],
                                       h_rows.at[dst], sem))
        copies.append(pltpu.async_copy(rel_hbm.at[r_idx_v.at[j]],
                                       r_rows.at[dst], sem))
        copies.append(pltpu.async_copy(ent_hbm.at[o_idx_v.at[j]],
                                       o_rows.at[dst], sem))
    for c in copies:
        c.wait()

    iota = lax.iota(jnp.int32, _L)
    shuf = [jnp.bitwise_xor(iota, k) for k in (1, 2, 4, 8)]

    def group(g, _):
        outvec = jnp.zeros((_L,), jnp.float32)
        for j in range(_L):
            i = g * _L + j
            v = jnp.zeros((_L,), jnp.float32)
            for c in range(_D // _L):
                sl = pl.ds(c * _L, _L)
                v = v + jnp.abs(h_rows[i, sl] + r_rows[i, sl] - o_rows[i, sl])
            for s in shuf:
                v = v + v.at[s].get(mode="promise_in_bounds")
            outvec = jnp.where(iota == j, v, outvec)
        out_v[pl.ds(g * _L, _L)] = outvec
        return 0

    lax.fori_loop(0, _N // _L, group, 0)

    pltpu.sync_copy(out_v, out_hbm.at[pl.ds(wid * _N, _N)])


@jax.jit
def _transe_sc(h_idx, r_idx, o_idx, ent, rel):
    mesh = plsc.VectorSubcoreMesh(core_axis_name="c", subcore_axis_name="s")
    run = functools.partial(
        pl.kernel,
        mesh=mesh,
        compiler_params=pltpu.CompilerParams(use_tc_tiling_on_sc=False),
        out_type=jax.ShapeDtypeStruct((_B,), jnp.float32),
        scratch_types=[
            pltpu.VMEM((_NIDX, 128), jnp.int32),
            pltpu.VMEM((_NIDX, 128), jnp.int32),
            pltpu.VMEM((_NIDX, 128), jnp.int32),
            pltpu.VMEM((_N, _D), jnp.float32),
            pltpu.VMEM((_N, _D), jnp.float32),
            pltpu.VMEM((_N, _D), jnp.float32),
            pltpu.VMEM((_N,), jnp.float32),
            pltpu.SemaphoreType.DMA,
        ],
    )(_transe_body)
    return run(h_idx, r_idx, o_idx, ent, rel)


def kernel(triplets, entity_embeddings, relation_embeddings):
    h_idx = triplets[:, 0].reshape(_B // 128, 128)
    r_idx = triplets[:, 1].reshape(_B // 128, 128)
    o_idx = triplets[:, 2].reshape(_B // 128, 128)
    return _transe_sc(h_idx, r_idx, o_idx,
                      entity_embeddings, relation_embeddings)

# --- scband reference (transcript-rebuilt; emitter-appended) ---
"""Pipeline reference for scband-trans-e-27333171872062 (READ-ONLY COPY).

The authoritative reference and input builder live on the scoring server;
editing this copy changes nothing except your own understanding.
"""

import jax, jax.numpy as jnp
import numpy as np

NUM_ENT = 1000000
NUM_REL = 1000000
DIM = 64
BATCH = 16384


def _xavier_uniform(key, shape):
    fan_in, fan_out = shape[0], shape[1]
    bound = float(np.sqrt(6.0 / (fan_in + fan_out)))
    return jax.random.uniform(key, shape, minval=-bound, maxval=bound, dtype=jnp.float32)


def setup_inputs(seed: int = 0) -> dict:
    key = jax.random.key(seed)
    k1, k2, k3 = jax.random.split(key, 3)
    triplets = jax.random.randint(k1, (BATCH, 3), 0, NUM_ENT, dtype=jnp.int32)
    entity_embeddings = _xavier_uniform(k2, (NUM_ENT, DIM))
    relation_embeddings = _xavier_uniform(k3, (NUM_REL, DIM))
    return {
        "triplets": triplets,
        "entity_embeddings": entity_embeddings,
        "relation_embeddings": relation_embeddings,
    }


def reference(triplets, entity_embeddings, relation_embeddings):
    # TransE scoring: h + r - o, then L1 norm over embedding dim.
    h = jnp.take(entity_embeddings, triplets[:, 0], axis=0)
    r = jnp.take(relation_embeddings, triplets[:, 1], axis=0)
    o = jnp.take(entity_embeddings, triplets[:, 2], axis=0)
    score = h + r - o
    score = jnp.sum(jnp.abs(score), axis=-1)
    return score

if __name__ == "__main__":
    import jax
    _d = setup_inputs()
    print(jax.jit(kernel)(*tuple(_d.values())))

</pallas_src>

<mosaic_0001>
#map = affine_map<(d0, d1) -> (0, 0)>
#map1 = affine_map<(d0, d1) -> (0)>
module attributes {stable_mosaic.version = 14 : i64} {
  func.func @_transe_body(%arg0: i32, %arg1: i32, %arg2: memref<128x128xi32, #tpu.memory_space<hbm>>, %arg3: memref<128x128xi32, #tpu.memory_space<hbm>>, %arg4: memref<128x128xi32, #tpu.memory_space<hbm>>, %arg5: memref<1000000x64xf32, #tpu.memory_space<hbm>>, %arg6: memref<1000000x64xf32, #tpu.memory_space<hbm>>, %arg7: memref<16384xf32, #tpu.memory_space<hbm>>, %arg8: memref<4x128xi32, #tpu.memory_space<vmem>>, %arg9: memref<4x128xi32, #tpu.memory_space<vmem>>, %arg10: memref<4x128xi32, #tpu.memory_space<vmem>>, %arg11: memref<512x64xf32, #tpu.memory_space<vmem>>, %arg12: memref<512x64xf32, #tpu.memory_space<vmem>>, %arg13: memref<512x64xf32, #tpu.memory_space<vmem>>, %arg14: memref<512xf32, #tpu.memory_space<vmem>>, %arg15: memref<!tpu.dma_semaphore, #tpu.memory_space<semaphore_mem>>) attributes {dimension_semantics = [#tpu.dimension_semantics<core_parallel>, #tpu.dimension_semantics<subcore_parallel>], iteration_bounds = array<i64: 2, 16>, scalar_prefetch = 0 : i64, scratch_operands = 8 : i64, tpu.core_type = #tpu.core_type<sc_vector_subcore>, window_params = [{transform_indices = #map}, {transform_indices = #map}, {transform_indices = #map}, {transform_indices = #map}, {transform_indices = #map}, {transform_indices = #map1}]} {
    %mul3A = arith.constant 2 : i32
    %mul3A_0 = arith.muli %arg1, %mul3A : i32
    %add3A = arith.addi %mul3A_0, %arg0 : i32
    %mul3A_1 = arith.constant 4 : i32
    %mul3A_2 = arith.muli %add3A, %mul3A_1 : i32
    "tpu.region"() ({
      %run_scoped3A = tpu.sem_alloc : memref<!tpu.dma_semaphore, #tpu.memory_space<semaphore_mem>>
      %dma_start3A_260 = arith.constant 0 : i32
      %dma_start3A_261 = tpu.memref_slice %arg2[%mul3A_2, %dma_start3A_260] : memref<128x128xi32, #tpu.memory_space<hbm>> -> memref<4x128xi32, #tpu.memory_space<hbm>>
      %dma_start3A_262 = arith.constant 0 : i32
      %dma_start3A_263 = tpu.memref_slice %arg2[%mul3A_2, %dma_start3A_262] : memref<128x128xi32, #tpu.memory_space<hbm>> -> memref<4x128xi32, #tpu.memory_space<hbm>>
      tpu.enqueue_dma source(%dma_start3A_263 : memref<4x128xi32, #tpu.memory_space<hbm>>) target(%arg8 : memref<4x128xi32, #tpu.memory_space<vmem>>) target_semaphore(%run_scoped3A : memref<!tpu.dma_semaphore, #tpu.memory_space<semaphore_mem>>)
      %dma_wait3A_264 = arith.constant 0 : i32
      %dma_wait3A_265 = tpu.memref_slice %arg2[%mul3A_2, %dma_wait3A_264] : memref<128x128xi32, #tpu.memory_space<hbm>> -> memref<4x128xi32, #tpu.memory_space<hbm>>
      %dma_wait3A_266 = arith.constant 0 : i32
      %dma_wait3A_267 = tpu.memref_slice %arg2[%mul3A_2, %dma_wait3A_266] : memref<128x128xi32, #tpu.memory_space<hbm>> -> memref<4x128xi32, #tpu.memory_space<hbm>>
      tpu.wait_dma2 semaphore(%run_scoped3A : memref<!tpu.dma_semaphore, #tpu.memory_space<semaphore_mem>>) src(%dma_wait3A_267 : memref<4x128xi32, #tpu.memory_space<hbm>>) dst(%arg8 : memref<4x128xi32, #tpu.memory_space<vmem>>)
      tpu.yield
    }) : () -> ()
    "tpu.region"() ({
      %run_scoped3A = tpu.sem_alloc : memref<!tpu.dma_semaphore, #tpu.memory_space<semaphore_mem>>
      %dma_start3A_260 = arith.constant 0 : i32
      %dma_start3A_261 = tpu.memref_slice %arg3[%mul3A_2, %dma_start3A_260] : memref<128x128xi32, #tpu.memory_space<hbm>> -> memref<4x128xi32, #tpu.memory_space<hbm>>
      %dma_start3A_262 = arith.constant 0 : i32
      %dma_start3A_263 = tpu.memref_slice %arg3[%mul3A_2, %dma_start3A_262] : memref<128x128xi32, #tpu.memory_space<hbm>> -> memref<4x128xi32, #tpu.memory_space<hbm>>
      tpu.enqueue_dma source(%dma_start3A_263 : memref<4x128xi32, #tpu.memory_space<hbm>>) target(%arg9 : memref<4x128xi32, #tpu.memory_space<vmem>>) target_semaphore(%run_scoped3A : memref<!tpu.dma_semaphore, #tpu.memory_space<semaphore_mem>>)
      %dma_wait3A_264 = arith.constant 0 : i32
      %dma_wait3A_265 = tpu.memref_slice %arg3[%mul3A_2, %dma_wait3A_264] : memref<128x128xi32, #tpu.memory_space<hbm>> -> memref<4x128xi32, #tpu.memory_space<hbm>>
      %dma_wait3A_266 = arith.constant 0 : i32
      %dma_wait3A_267 = tpu.memref_slice %arg3[%mul3A_2, %dma_wait3A_266] : memref<128x128xi32, #tpu.memory_space<hbm>> -> memref<4x128xi32, #tpu.memory_space<hbm>>
      tpu.wait_dma2 semaphore(%run_scoped3A : memref<!tpu.dma_semaphore, #tpu.memory_space<semaphore_mem>>) src(%dma_wait3A_267 : memref<4x128xi32, #tpu.memory_space<hbm>>) dst(%arg9 : memref<4x128xi32, #tpu.memory_space<vmem>>)
      tpu.yield
    }) : () -> ()
    "tpu.region"() ({
      %run_scoped3A = tpu.sem_alloc : memref<!tpu.dma_semaphore, #tpu.memory_space<semaphore_mem>>
      %dma_start3A_260 = arith.constant 0 : i32
      %dma_start3A_261 = tpu.memref_slice %arg4[%mul3A_2, %dma_start3A_260] : memref<128x128xi32, #tpu.memory_space<hbm>> -> memref<4x128xi32, #tpu.memory_space<hbm>>
      %dma_start3A_262 = arith.constant 0 : i32
      %dma_start3A_263 = tpu.memref_slice %arg4[%mul3A_2, %dma_start3A_262] : memref<128x128xi32, #tpu.memory_space<hbm>> -> memref<4x128xi32, #tpu.memory_space<hbm>>
      tpu.enqueue_dma source(%dma_start3A_263 : memref<4x128xi32, #tpu.memory_space<hbm>>) target(%arg10 : memref<4x128xi32, #tpu.memory_space<vmem>>) target_semaphore(%run_scoped3A : memref<!tpu.dma_semaphore, #tpu.memory_space<semaphore_mem>>)
      %dma_wait3A_264 = arith.constant 0 : i32
      %dma_wait3A_265 = tpu.memref_slice %arg4[%mul3A_2, %dma_wait3A_264] : memref<128x128xi32, #tpu.memory_space<hbm>> -> memref<4x128xi32, #tpu.memory_space<hbm>>
      %dma_wait3A_266 = arith.constant 0 : i32
      %dma_wait3A_267 = tpu.memref_slice %arg4[%mul3A_2, %dma_wait3A_266] : memref<128x128xi32, #tpu.memory_space<hbm>> -> memref<4x128xi32, #tpu.memory_space<hbm>>
      tpu.wait_dma2 semaphore(%run_scoped3A : memref<!tpu.dma_semaphore, #tpu.memory_space<semaphore_mem>>) src(%dma_wait3A_267 : memref<4x128xi32, #tpu.memory_space<hbm>>) dst(%arg10 : memref<4x128xi32, #tpu.memory_space<vmem>>)
      tpu.yield
    }) : () -> ()
    %dma_start3A = arith.constant 0 : i32
    %dma_start3A_3 = arith.constant 0 : i32
    %dma_start3A_4 = arith.constant 0 : i32
    %dma_start3A_5 = tpu.memref_slice %arg11[%dma_start3A_3, %dma_start3A_4] : memref<512x64xf32, #tpu.memory_space<vmem>> -> memref<128x64xf32, #tpu.memory_space<vmem>>
    %dma_start3A_6 = arith.constant 0 : i32
    %dma_start3A_7 = tpu.memref_slice %arg8[%dma_start3A, %dma_start3A_6] : memref<4x128xi32, #tpu.memory_space<vmem>> -> memref<1x128xi32, #tpu.memory_space<vmem>>
    %dma_start3A_8 = tpu.memref_squeeze %dma_start3A_7 : memref<1x128xi32, #tpu.memory_space<vmem>> -> memref<128xi32, #tpu.memory_space<vmem>>
    %dma_start3A_9 = arith.constant 0 : i32
    %dma_start3A_10 = arith.constant 0 : i32
    %dma_start3A_11 = tpu.memref_slice %arg5[%dma_start3A_9, %dma_start3A_10] : memref<1000000x64xf32, #tpu.memory_space<hbm>> -> memref<1000000x64xf32, #tpu.memory_space<hbm>>
    tpu.enqueue_indirect_dma source(%dma_start3A_11 : memref<1000000x64xf32, #tpu.memory_space<hbm>>) target(%dma_start3A_5 : memref<128x64xf32, #tpu.memory_space<vmem>>) offsets(%dma_start3A_8 : memref<128xi32, #tpu.memory_space<vmem>>) semaphore(%arg15 : memref<!tpu.dma_semaphore, #tpu.memory_space<semaphore_mem>>)
    %dma_start3A_12 = arith.constant 0 : i32
    %dma_start3A_13 = arith.constant 0 : i32
    %dma_start3A_14 = arith.constant 0 : i32
    %dma_start3A_15 = tpu.memref_slice %arg12[%dma_start3A_13, %dma_start3A_14] : memref<512x64xf32, #tpu.memory_space<vmem>> -> memref<128x64xf32, #tpu.memory_space<vmem>>
    %dma_start3A_16 = arith.constant 0 : i32
    %dma_start3A_17 = tpu.memref_slice %arg9[%dma_start3A_12, %dma_start3A_16] : memref<4x128xi32, #tpu.memory_space<vmem>> -> memref<1x128xi32, #tpu.memory_space<vmem>>
    %dma_start3A_18 = tpu.memref_squeeze %dma_start3A_17 : memref<1x128xi32, #tpu.memory_space<vmem>> -> memref<128xi32, #tpu.memory_space<vmem>>
    %dma_start3A_19 = arith.constant 0 : i32
    %dma_start3A_20 = arith.constant 0 : i32
    %dma_start3A_21 = tpu.memref_slice %arg6[%dma_start3A_19, %dma_start3A_20] : memref<1000000x64xf32, #tpu.memory_space<hbm>> -> memref<1000000x64xf32, #tpu.memory_space<hbm>>
    tpu.enqueue_indirect_dma source(%dma_start3A_21 : memref<1000000x64xf32, #tpu.memory_space<hbm>>) target(%dma_start3A_15 : memref<128x64xf32, #tpu.memory_space<vmem>>) offsets(%dma_start3A_18 : memref<128xi32, #tpu.memory_space<vmem>>) semaphore(%arg15 : memref<!tpu.dma_semaphore, #tpu.memory_space<semaphore_mem>>)
    %dma_start3A_22 = arith.constant 0 : i32
    %dma_start3A_23 = arith.constant 0 : i32
    %dma_start3A_24 = arith.constant 0 : i32
    %dma_start3A_25 = tpu.memref_slice %arg13[%dma_start3A_23, %dma_start3A_24] : memref<512x64xf32, #tpu.memory_space<vmem>> -> memref<128x64xf32, #tpu.memory_space<vmem>>
    %dma_start3A_26 = arith.constant 0 : i32
    %dma_start3A_27 = tpu.memref_slice %arg10[%dma_start3A_22, %dma_start3A_26] : memref<4x128xi32, #tpu.memory_space<vmem>> -> memref<1x128xi32, #tpu.memory_space<vmem>>
    %dma_start3A_28 = tpu.memref_squeeze %dma_start3A_27 : memref<1x128xi32, #tpu.memory_space<vmem>> -> memref<128xi32, #tpu.memory_space<vmem>>
    %dma_start3A_29 = arith.constant 0 : i32
    %dma_start3A_30 = arith.constant 0 : i32
    %dma_start3A_31 = tpu.memref_slice %arg5[%dma_start3A_29, %dma_start3A_30] : memref<1000000x64xf32, #tpu.memory_space<hbm>> -> memref<1000000x64xf32, #tpu.memory_space<hbm>>
    tpu.enqueue_indirect_dma source(%dma_start3A_31 : memref<1000000x64xf32, #tpu.memory_space<hbm>>) target(%dma_start3A_25 : memref<128x64xf32, #tpu.memory_space<vmem>>) offsets(%dma_start3A_28 : memref<128xi32, #tpu.memory_space<vmem>>) semaphore(%arg15 : memref<!tpu.dma_semaphore, #tpu.memory_space<semaphore_mem>>)
    %dma_start3A_32 = arith.constant 1 : i32
    %dma_start3A_33 = arith.constant 128 : i32
    %dma_start3A_34 = arith.constant 0 : i32
    %dma_start3A_35 = tpu.memref_slice %arg11[%dma_start3A_33, %dma_start3A_34] : memref<512x64xf32, #tpu.memory_space<vmem>> -> memref<128x64xf32, #tpu.memory_space<vmem>>
    %dma_start3A_36 = arith.constant 0 : i32
    %dma_start3A_37 = tpu.memref_slice %arg8[%dma_start3A_32, %dma_start3A_36] : memref<4x128xi32, #tpu.memory_space<vmem>> -> memref<1x128xi32, #tpu.memory_space<vmem>>
    %dma_start3A_38 = tpu.memref_squeeze %dma_start3A_37 : memref<1x128xi32, #tpu.memory_space<vmem>> -> memref<128xi32, #tpu.memory_space<vmem>>
    %dma_start3A_39 = arith.constant 0 : i32
    %dma_start3A_40 = arith.constant 0 : i32
    %dma_start3A_41 = tpu.memref_slice %arg5[%dma_start3A_39, %dma_start3A_40] : memref<1000000x64xf32, #tpu.memory_space<hbm>> -> memref<1000000x64xf32, #tpu.memory_space<hbm>>
    tpu.enqueue_indirect_dma source(%dma_start3A_41 : memref<1000000x64xf32, #tpu.memory_space<hbm>>) target(%dma_start3A_35 : memref<128x64xf32, #tpu.memory_space<vmem>>) offsets(%dma_start3A_38 : memref<128xi32, #tpu.memory_space<vmem>>) semaphore(%arg15 : memref<!tpu.dma_semaphore, #tpu.memory_space<semaphore_mem>>)
    %dma_start3A_42 = arith.constant 1 : i32
    %dma_start3A_43 = arith.constant 128 : i32
    %dma_start3A_44 = arith.constant 0 : i32
    %dma_start3A_45 = tpu.memref_slice %arg12[%dma_start3A_43, %dma_start3A_44] : memref<512x64xf32, #tpu.memory_space<vmem>> -> memref<128x64xf32, #tpu.memory_space<vmem>>
    %dma_start3A_46 = arith.constant 0 : i32
    %dma_start3A_47 = tpu.memref_slice %arg9[%dma_start3A_42, %dma_start3A_46] : memref<4x128xi32, #tpu.memory_space<vmem>> -> memref<1x128xi32, #tpu.memory_space<vmem>>
    %dma_start3A_48 = tpu.memref_squeeze %dma_start3A_47 : memref<1x128xi32, #tpu.memory_space<vmem>> -> memref<128xi32, #tpu.memory_space<vmem>>
    %dma_start3A_49 = arith.constant 0 : i32
    %dma_start3A_50 = arith.constant 0 : i32
    %dma_start3A_51 = tpu.memref_slice %arg6[%dma_start3A_49, %dma_start3A_50] : memref<1000000x64xf32, #tpu.memory_space<hbm>> -> memref<1000000x64xf32, #tpu.memory_space<hbm>>
    tpu.enqueue_indirect_dma source(%dma_start3A_51 : memref<1000000x64xf32, #tpu.memory_space<hbm>>) target(%dma_start3A_45 : memref<128x64xf32, #tpu.memory_space<vmem>>) offsets(%dma_start3A_48 : memref<128xi32, #tpu.memory_space<vmem>>) semaphore(%arg15 : memref<!tpu.dma_semaphore, #tpu.memory_space<semaphore_mem>>)
    %dma_start3A_52 = arith.constant 1 : i32
    %dma_start3A_53 = arith.constant 128 : i32
    %dma_start3A_54 = arith.constant 0 : i32
    %dma_start3A_55 = tpu.memref_slice %arg13[%dma_start3A_53, %dma_start3A_54] : memref<512x64xf32, #tpu.memory_space<vmem>> -> memref<128x64xf32, #tpu.memory_space<vmem>>
    %dma_start3A_56 = arith.constant 0 : i32
    %dma_start3A_57 = tpu.memref_slice %arg10[%dma_start3A_52, %dma_start3A_56] : memref<4x128xi32, #tpu.memory_space<vmem>> -> memref<1x128xi32, #tpu.memory_space<vmem>>
    %dma_start3A_58 = tpu.memref_squeeze %dma_start3A_57 : memref<1x128xi32, #tpu.memory_space<vmem>> -> memref<128xi32, #tpu.memory_space<vmem>>
    %dma_start3A_59 = arith.constant 0 : i32
    %dma_start3A_60 = arith.constant 0 : i32
    %dma_start3A_61 = tpu.memref_slice %arg5[%dma_start3A_59, %dma_start3A_60] : memref<1000000x64xf32, #tpu.memory_space<hbm>> -> memref<1000000x64xf32, #tpu.memory_space<hbm>>
    tpu.enqueue_indirect_dma source(%dma_start3A_61 : memref<1000000x64xf32, #tpu.memory_space<hbm>>) target(%dma_start3A_55 : memref<128x64xf32, #tpu.memory_space<vmem>>) offsets(%dma_start3A_58 : memref<128xi32, #tpu.memory_space<vmem>>) semaphore(%arg15 : memref<!tpu.dma_semaphore, #tpu.memory_space<semaphore_mem>>)
    %dma_start3A_62 = arith.constant 2 : i32
    %dma_start3A_63 = arith.constant 256 : i32
    %dma_start3A_64 = arith.constant 0 : i32
    %dma_start3A_65 = tpu.memref_slice %arg11[%dma_start3A_63, %dma_start3A_64] : memref<512x64xf32, #tpu.memory_space<vmem>> -> memref<128x64xf32, #tpu.memory_space<vmem>>
    %dma_start3A_66 = arith.constant 0 : i32
    %dma_start3A_67 = tpu.memref_slice %arg8[%dma_start3A_62, %dma_start3A_66] : memref<4x128xi32, #tpu.memory_space<vmem>> -> memref<1x128xi32, #tpu.memory_space<vmem>>
    %dma_start3A_68 = tpu.memref_squeeze %dma_start3A_67 : memref<1x128xi32, #tpu.memory_space<vmem>> -> memref<128xi32, #tpu.memory_space<vmem>>
    %dma_start3A_69 = arith.constant 0 : i32
    %dma_start3A_70 = arith.constant 0 : i32
    %dma_start3A_71 = tpu.memref_slice %arg5[%dma_start3A_69, %dma_start3A_70] : memref<1000000x64xf32, #tpu.memory_space<hbm>> -> memref<1000000x64xf32, #tpu.memory_space<hbm>>
    tpu.enqueue_indirect_dma source(%dma_start3A_71 : memref<1000000x64xf32, #tpu.memory_space<hbm>>) target(%dma_start3A_65 : memref<128x64xf32, #tpu.memory_space<vmem>>) offsets(%dma_start3A_68 : memref<128xi32, #tpu.memory_space<vmem>>) semaphore(%arg15 : memref<!tpu.dma_semaphore, #tpu.memory_space<semaphore_mem>>)
    %dma_start3A_72 = arith.constant 2 : i32
    %dma_start3A_73 = arith.constant 256 : i32
    %dma_start3A_74 = arith.constant 0 : i32
    %dma_start3A_75 = tpu.memref_slice %arg12[%dma_start3A_73, %dma_start3A_74] : memref<512x64xf32, #tpu.memory_space<vmem>> -> memref<128x64xf32, #tpu.memory_space<vmem>>
    %dma_start3A_76 = arith.constant 0 : i32
    %dma_start3A_77 = tpu.memref_slice %arg9[%dma_start3A_72, %dma_start3A_76] : memref<4x128xi32, #tpu.memory_space<vmem>> -> memref<1x128xi32, #tpu.memory_space<vmem>>
    %dma_start3A_78 = tpu.memref_squeeze %dma_start3A_77 : memref<1x128xi32, #tpu.memory_space<vmem>> -> memref<128xi32, #tpu.memory_space<vmem>>
    %dma_start3A_79 = arith.constant 0 : i32
    %dma_start3A_80 = arith.constant 0 : i32
    %dma_start3A_81 = tpu.memref_slice %arg6[%dma_start3A_79, %dma_start3A_80] : memref<1000000x64xf32, #tpu.memory_space<hbm>> -> memref<1000000x64xf32, #tpu.memory_space<hbm>>
    tpu.enqueue_indirect_dma source(%dma_start3A_81 : memref<1000000x64xf32, #tpu.memory_space<hbm>>) target(%dma_start3A_75 : memref<128x64xf32, #tpu.memory_space<vmem>>) offsets(%dma_start3A_78 : memref<128xi32, #tpu.memory_space<vmem>>) semaphore(%arg15 : memref<!tpu.dma_semaphore, #tpu.memory_space<semaphore_mem>>)
    %dma_start3A_82 = arith.constant 2 : i32
    %dma_start3A_83 = arith.constant 256 : i32
    %dma_start3A_84 = arith.constant 0 : i32
    %dma_start3A_85 = tpu.memref_slice %arg13[%dma_start3A_83, %dma_start3A_84] : memref<512x64xf32, #tpu.memory_space<vmem>> -> memref<128x64xf32, #tpu.memory_space<vmem>>
    %dma_start3A_86 = arith.constant 0 : i32
    %dma_start3A_87 = tpu.memref_slice %arg10[%dma_start3A_82, %dma_start3A_86] : memref<4x128xi32, #tpu.memory_space<vmem>> -> memref<1x128xi32, #tpu.memory_space<vmem>>
    %dma_start3A_88 = tpu.memref_squeeze %dma_start3A_87 : memref<1x128xi32, #tpu.memory_space<vmem>> -> memref<128xi32, #tpu.memory_space<vmem>>
    %dma_start3A_89 = arith.constant 0 : i32
    %dma_start3A_90 = arith.constant 0 : i32
    %dma_start3A_91 = tpu.memref_slice %arg5[%dma_start3A_89, %dma_start3A_90] : memref<1000000x64xf32, #tpu.memory_space<hbm>> -> memref<1000000x64xf32, #tpu.memory_space<hbm>>
    tpu.enqueue_indirect_dma source(%dma_start3A_91 : memref<1000000x64xf32, #tpu.memory_space<hbm>>) target(%dma_start3A_85 : memref<128x64xf32, #tpu.memory_space<vmem>>) offsets(%dma_start3A_88 : memref<128xi32, #tpu.memory_space<vmem>>) semaphore(%arg15 : memref<!tpu.dma_semaphore, #tpu.memory_space<semaphore_mem>>)
    %dma_start3A_92 = arith.constant 3 : i32
    %dma_start3A_93 = arith.constant 384 : i32
    %dma_start3A_94 = arith.constant 0 : i32
    %dma_start3A_95 = tpu.memref_slice %arg11[%dma_start3A_93, %dma_start3A_94] : memref<512x64xf32, #tpu.memory_space<vmem>> -> memref<128x64xf32, #tpu.memory_space<vmem>>
    %dma_start3A_96 = arith.constant 0 : i32
    %dma_start3A_97 = tpu.memref_slice %arg8[%dma_start3A_92, %dma_start3A_96] : memref<4x128xi32, #tpu.memory_space<vmem>> -> memref<1x128xi32, #tpu.memory_space<vmem>>
    %dma_start3A_98 = tpu.memref_squeeze %dma_start3A_97 : memref<1x128xi32, #tpu.memory_space<vmem>> -> memref<128xi32, #tpu.memory_space<vmem>>
    %dma_start3A_99 = arith.constant 0 : i32
    %dma_start3A_100 = arith.constant 0 : i32
    %dma_start3A_101 = tpu.memref_slice %arg5[%dma_start3A_99, %dma_start3A_100] : memref<1000000x64xf32, #tpu.memory_space<hbm>> -> memref<1000000x64xf32, #tpu.memory_space<hbm>>
    tpu.enqueue_indirect_dma source(%dma_start3A_101 : memref<1000000x64xf32, #tpu.memory_space<hbm>>) target(%dma_start3A_95 : memref<128x64xf32, #tpu.memory_space<vmem>>) offsets(%dma_start3A_98 : memref<128xi32, #tpu.memory_space<vmem>>) semaphore(%arg15 : memref<!tpu.dma_semaphore, #tpu.memory_space<semaphore_mem>>)
    %dma_start3A_102 = arith.constant 3 : i32
    %dma_start3A_103 = arith.constant 384 : i32
    %dma_start3A_104 = arith.constant 0 : i32
    %dma_start3A_105 = tpu.memref_slice %arg12[%dma_start3A_103, %dma_start3A_104] : memref<512x64xf32, #tpu.memory_space<vmem>> -> memref<128x64xf32, #tpu.memory_space<vmem>>
    %dma_start3A_106 = arith.constant 0 : i32
    %dma_start3A_107 = tpu.memref_slice %arg9[%dma_start3A_102, %dma_start3A_106] : memref<4x128xi32, #tpu.memory_space<vmem>> -> memref<1x128xi32, #tpu.memory_space<vmem>>
    %dma_start3A_108 = tpu.memref_squeeze %dma_start3A_107 : memref<1x128xi32, #tpu.memory_space<vmem>> -> memref<128xi32, #tpu.memory_space<vmem>>
    %dma_start3A_109 = arith.constant 0 : i32
    %dma_start3A_110 = arith.constant 0 : i32
    %dma_start3A_111 = tpu.memref_slice %arg6[%dma_start3A_109, %dma_start3A_110] : memref<1000000x64xf32, #tpu.memory_space<hbm>> -> memref<1000000x64xf32, #tpu.memory_space<hbm>>
    tpu.enqueue_indirect_dma source(%dma_start3A_111 : memref<1000000x64xf32, #tpu.memory_space<hbm>>) target(%dma_start3A_105 : memref<128x64xf32, #tpu.memory_space<vmem>>) offsets(%dma_start3A_108 : memref<128xi32, #tpu.memory_space<vmem>>) semaphore(%arg15 : memref<!tpu.dma_semaphore, #tpu.memory_space<semaphore_mem>>)
    %dma_start3A_112 = arith.constant 3 : i32
    %dma_start3A_113 = arith.constant 384 : i32
    %dma_start3A_114 = arith.constant 0 : i32
    %dma_start3A_115 = tpu.memref_slice %arg13[%dma_start3A_113, %dma_start3A_114] : memref<512x64xf32, #tpu.memory_space<vmem>> -> memref<128x64xf32, #tpu.memory_space<vmem>>
    %dma_start3A_116 = arith.constant 0 : i32
    %dma_start3A_117 = tpu.memref_slice %arg10[%dma_start3A_112, %dma_start3A_116] : memref<4x128xi32, #tpu.memory_space<vmem>> -> memref<1x128xi32, #tpu.memory_space<vmem>>
    %dma_start3A_118 = tpu.memref_squeeze %dma_start3A_117 : memref<1x128xi32, #tpu.memory_space<vmem>> -> memref<128xi32, #tpu.memory_space<vmem>>
    %dma_start3A_119 = arith.constant 0 : i32
    %dma_start3A_120 = arith.constant 0 : i32
    %dma_start3A_121 = tpu.memref_slice %arg5[%dma_start3A_119, %dma_start3A_120] : memref<1000000x64xf32, #tpu.memory_space<hbm>> -> memref<1000000x64xf32, #tpu.memory_space<hbm>>
    tpu.enqueue_indirect_dma source(%dma_start3A_121 : memref<1000000x64xf32, #tpu.memory_space<hbm>>) target(%dma_start3A_115 : memref<128x64xf32, #tpu.memory_space<vmem>>) offsets(%dma_start3A_118 : memref<128xi32, #tpu.memory_space<vmem>>) semaphore(%arg15 : memref<!tpu.dma_semaphore, #tpu.memory_space<semaphore_mem>>)
    %dma_wait3A = arith.constant 0 : i32
    %dma_wait3A_122 = arith.constant 0 : i32
    %dma_wait3A_123 = arith.constant 0 : i32
    %dma_wait3A_124 = tpu.memref_slice %arg11[%dma_wait3A_122, %dma_wait3A_123] : memref<512x64xf32, #tpu.memory_space<vmem>> -> memref<128x64xf32, #tpu.memory_space<vmem>>
    %dma_wait3A_125 = arith.constant 0 : i32
    %dma_wait3A_126 = tpu.memref_slice %arg8[%dma_wait3A, %dma_wait3A_125] : memref<4x128xi32, #tpu.memory_space<vmem>> -> memref<1x128xi32, #tpu.memory_space<vmem>>
    %dma_wait3A_127 = tpu.memref_squeeze %dma_wait3A_126 : memref<1x128xi32, #tpu.memory_space<vmem>> -> memref<128xi32, #tpu.memory_space<vmem>>
    %dma_wait3A_128 = arith.constant 0 : i32
    %dma_wait3A_129 = arith.constant 0 : i32
    %dma_wait3A_130 = tpu.memref_slice %arg5[%dma_wait3A_128, %dma_wait3A_129] : memref<1000000x64xf32, #tpu.memory_space<hbm>> -> memref<1000000x64xf32, #tpu.memory_space<hbm>>
    tpu.wait_indirect_dma semaphore(%arg15 : memref<!tpu.dma_semaphore, #tpu.memory_space<semaphore_mem>>) src(%dma_wait3A_130 : memref<1000000x64xf32, #tpu.memory_space<hbm>>) dst(%dma_wait3A_124 : memref<128x64xf32, #tpu.memory_space<vmem>>)
    %dma_wait3A_131 = arith.constant 0 : i32
    %dma_wait3A_132 = arith.constant 0 : i32
    %dma_wait3A_133 = arith.constant 0 : i32
    %dma_wait3A_134 = tpu.memref_slice %arg12[%dma_wait3A_132, %dma_wait3A_133] : memref<512x64xf32, #tpu.memory_space<vmem>> -> memref<128x64xf32, #tpu.memory_space<vmem>>
    %dma_wait3A_135 = arith.constant 0 : i32
    %dma_wait3A_136 = tpu.memref_slice %arg9[%dma_wait3A_131, %dma_wait3A_135] : memref<4x128xi32, #tpu.memory_space<vmem>> -> memref<1x128xi32, #tpu.memory_space<vmem>>
    %dma_wait3A_137 = tpu.memref_squeeze %dma_wait3A_136 : memref<1x128xi32, #tpu.memory_space<vmem>> -> memref<128xi32, #tpu.memory_space<vmem>>
    %dma_wait3A_138 = arith.constant 0 : i32
    %dma_wait3A_139 = arith.constant 0 : i32
    %dma_wait3A_140 = tpu.memref_slice %arg6[%dma_wait3A_138, %dma_wait3A_139] : memref<1000000x64xf32, #tpu.memory_space<hbm>> -> memref<1000000x64xf32, #tpu.memory_space<hbm>>
    tpu.wait_indirect_dma semaphore(%arg15 : memref<!tpu.dma_semaphore, #tpu.memory_space<semaphore_mem>>) src(%dma_wait3A_140 : memref<1000000x64xf32, #tpu.memory_space<hbm>>) dst(%dma_wait3A_134 : memref<128x64xf32, #tpu.memory_space<vmem>>)
    %dma_wait3A_141 = arith.constant 0 : i32
    %dma_wait3A_142 = arith.constant 0 : i32
    %dma_wait3A_143 = arith.constant 0 : i32
    %dma_wait3A_144 = tpu.memref_slice %arg13[%dma_wait3A_142, %dma_wait3A_143] : memref<512x64xf32, #tpu.memory_space<vmem>> -> memref<128x64xf32, #tpu.memory_space<vmem>>
    %dma_wait3A_145 = arith.constant 0 : i32
    %dma_wait3A_146 = tpu.memref_slice %arg10[%dma_wait3A_141, %dma_wait3A_145] : memref<4x128xi32, #tpu.memory_space<vmem>> -> memref<1x128xi32, #tpu.memory_space<vmem>>
    %dma_wait3A_147 = tpu.memref_squeeze %dma_wait3A_146 : memref<1x128xi32, #tpu.memory_space<vmem>> -> memref<128xi32, #tpu.memory_space<vmem>>
    %dma_wait3A_148 = arith.constant 0 : i32
    %dma_wait3A_149 = arith.constant 0 : i32
    %dma_wait3A_150 = tpu.memref_slice %arg5[%dma_wait3A_148, %dma_wait3A_149] : memref<1000000x64xf32, #tpu.memory_space<hbm>> -> memref<1000000x64xf32, #tpu.memory_space<hbm>>
    tpu.wait_indirect_dma semaphore(%arg15 : memref<!tpu.dma_semaphore, #tpu.memory_space<semaphore_mem>>) src(%dma_wait3A_150 : memref<1000000x64xf32, #tpu.memory_space<hbm>>) dst(%dma_wait3A_144 : memref<128x64xf32, #tpu.memory_space<vmem>>)
    %dma_wait3A_151 = arith.constant 1 : i32
    %dma_wait3A_152 = arith.constant 128 : i32
    %dma_wait3A_153 = arith.constant 0 : i32
    %dma_wait3A_154 = tpu.memref_slice %arg11[%dma_wait3A_152, %dma_wait3A_153] : memref<512x64xf32, #tpu.memory_space<vmem>> -> memref<128x64xf32, #tpu.memory_space<vmem>>
    %dma_wait3A_155 = arith.constant 0 : i32
    %dma_wait3A_156 = tpu.memref_slice %arg8[%dma_wait3A_151, %dma_wait3A_155] : memref<4x128xi32, #tpu.memory_space<vmem>> -> memref<1x128xi32, #tpu.memory_space<vmem>>
    %dma_wait3A_157 = tpu.memref_squeeze %dma_wait3A_156 : memref<1x128xi32, #tpu.memory_space<vmem>> -> memref<128xi32, #tpu.memory_space<vmem>>
    %dma_wait3A_158 = arith.constant 0 : i32
    %dma_wait3A_159 = arith.constant 0 : i32
    %dma_wait3A_160 = tpu.memref_slice %arg5[%dma_wait3A_158, %dma_wait3A_159] : memref<1000000x64xf32, #tpu.memory_space<hbm>> -> memref<1000000x64xf32, #tpu.memory_space<hbm>>
    tpu.wait_indirect_dma semaphore(%arg15 : memref<!tpu.dma_semaphore, #tpu.memory_space<semaphore_mem>>) src(%dma_wait3A_160 : memref<1000000x64xf32, #tpu.memory_space<hbm>>) dst(%dma_wait3A_154 : memref<128x64xf32, #tpu.memory_space<vmem>>)
    %dma_wait3A_161 = arith.constant 1 : i32
    %dma_wait3A_162 = arith.constant 128 : i32
    %dma_wait3A_163 = arith.constant 0 : i32
    %dma_wait3A_164 = tpu.memref_slice %arg12[%dma_wait3A_162, %dma_wait3A_163] : memref<512x64xf32, #tpu.memory_space<vmem>> -> memref<128x64xf32, #tpu.memory_space<vmem>>
    %dma_wait3A_165 = arith.constant 0 : i32
    %dma_wait3A_166 = tpu.memref_slice %arg9[%dma_wait3A_161, %dma_wait3A_165] : memref<4x128xi32, #tpu.memory_space<vmem>> -> memref<1x128xi32, #tpu.memory_space<vmem>>
    %dma_wait3A_167 = tpu.memref_squeeze %dma_wait3A_166 : memref<1x128xi32, #tpu.memory_space<vmem>> -> memref<128xi32, #tpu.memory_space<vmem>>
    %dma_wait3A_168 = arith.constant 0 : i32
    %dma_wait3A_169 = arith.constant 0 : i32
    %dma_wait3A_170 = tpu.memref_slice %arg6[%dma_wait3A_168, %dma_wait3A_169] : memref<1000000x64xf32, #tpu.memory_space<hbm>> -> memref<1000000x64xf32, #tpu.memory_space<hbm>>
    tpu.wait_indirect_dma semaphore(%arg15 : memref<!tpu.dma_semaphore, #tpu.memory_space<semaphore_mem>>) src(%dma_wait3A_170 : memref<1000000x64xf32, #tpu.memory_space<hbm>>) dst(%dma_wait3A_164 : memref<128x64xf32, #tpu.memory_space<vmem>>)
    %dma_wait3A_171 = arith.constant 1 : i32
    %dma_wait3A_172 = arith.constant 128 : i32
    %dma_wait3A_173 = arith.constant 0 : i32
    %dma_wait3A_174 = tpu.memref_slice %arg13[%dma_wait3A_172, %dma_wait3A_173] : memref<512x64xf32, #tpu.memory_space<vmem>> -> memref<128x64xf32, #tpu.memory_space<vmem>>
    %dma_wait3A_175 = arith.constant 0 : i32
    %dma_wait3A_176 = tpu.memref_slice %arg10[%dma_wait3A_171, %dma_wait3A_175] : memref<4x128xi32, #tpu.memory_space<vmem>> -> memref<1x128xi32, #tpu.memory_space<vmem>>
    %dma_wait3A_177 = tpu.memref_squeeze %dma_wait3A_176 : memref<1x128xi32, #tpu.memory_space<vmem>> -> memref<128xi32, #tpu.memory_space<vmem>>
    %dma_wait3A_178 = arith.constant 0 : i32
    %dma_wait3A_179 = arith.constant 0 : i32
    %dma_wait3A_180 = tpu.memref_slice %arg5[%dma_wait3A_178, %dma_wait3A_179] : memref<1000000x64xf32, #tpu.memory_space<hbm>> -> memref<1000000x64xf32, #tpu.memory_space<hbm>>
    tpu.wait_indirect_dma semaphore(%arg15 : memref<!tpu.dma_semaphore, #tpu.memory_space<semaphore_mem>>) src(%dma_wait3A_180 : memref<1000000x64xf32, #tpu.memory_space<hbm>>) dst(%dma_wait3A_174 : memref<128x64xf32, #tpu.memory_space<vmem>>)
    %dma_wait3A_181 = arith.constant 2 : i32
    %dma_wait3A_182 = arith.constant 256 : i32
    %dma_wait3A_183 = arith.constant 0 : i32
    %dma_wait3A_184 = tpu.memref_slice %arg11[%dma_wait3A_182, %dma_wait3A_183] : memref<512x64xf32, #tpu.memory_space<vmem>> -> memref<128x64xf32, #tpu.memory_space<vmem>>
    %dma_wait3A_185 = arith.constant 0 : i32
    %dma_wait3A_186 = tpu.memref_slice %arg8[%dma_wait3A_181, %dma_wait3A_185] : memref<4x128xi32, #tpu.memory_space<vmem>> -> memref<1x128xi32, #tpu.memory_space<vmem>>
    %dma_wait3A_187 = tpu.memref_squeeze %dma_wait3A_186 : memref<1x128xi32, #tpu.memory_space<vmem>> -> memref<128xi32, #tpu.memory_space<vmem>>
    %dma_wait3A_188 = arith.constant 0 : i32
    %dma_wait3A_189 = arith.constant 0 : i32
    %dma_wait3A_190 = tpu.memref_slice %arg5[%dma_wait3A_188, %dma_wait3A_189] : memref<1000000x64xf32, #tpu.memory_space<hbm>> -> memref<1000000x64xf32, #tpu.memory_space<hbm>>
    tpu.wait_indirect_dma semaphore(%arg15 : memref<!tpu.dma_semaphore, #tpu.memory_space<semaphore_mem>>) src(%dma_wait3A_190 : memref<1000000x64xf32, #tpu.memory_space<hbm>>) dst(%dma_wait3A_184 : memref<128x64xf32, #tpu.memory_space<vmem>>)
    %dma_wait3A_191 = arith.constant 2 : i32
    %dma_wait3A_192 = arith.constant 256 : i32
    %dma_wait3A_193 = arith.constant 0 : i32
    %dma_wait3A_194 = tpu.memref_slice %arg12[%dma_wait3A_192, %dma_wait3A_193] : memref<512x64xf32, #tpu.memory_space<vmem>> -> memref<128x64xf32, #tpu.memory_space<vmem>>
    %dma_wait3A_195 = arith.constant 0 : i32
    %dma_wait3A_196 = tpu.memref_slice %arg9[%dma_wait3A_191, %dma_wait3A_195] : memref<4x128xi32, #tpu.memory_space<vmem>> -> memref<1x128xi32, #tpu.memory_space<vmem>>
    %dma_wait3A_197 = tpu.memref_squeeze %dma_wait3A_196 : memref<1x128xi32, #tpu.memory_space<vmem>> -> memref<128xi32, #tpu.memory_space<vmem>>
    %dma_wait3A_198 = arith.constant 0 : i32
    %dma_wait3A_199 = arith.constant 0 : i32
    %dma_wait3A_200 = tpu.memref_slice %arg6[%dma_wait3A_198, %dma_wait3A_199] : memref<1000000x64xf32, #tpu.memory_space<hbm>> -> memref<1000000x64xf32, #tpu.memory_space<hbm>>
    tpu.wait_indirect_dma semaphore(%arg15 : memref<!tpu.dma_semaphore, #tpu.memory_space<semaphore_mem>>) src(%dma_wait3A_200 : memref<1000000x64xf32, #tpu.memory_space<hbm>>) dst(%dma_wait3A_194 : memref<128x64xf32, #tpu.memory_space<vmem>>)
    %dma_wait3A_201 = arith.constant 2 : i32
    %dma_wait3A_202 = arith.constant 256 : i32
    %dma_wait3A_203 = arith.constant 0 : i32
    %dma_wait3A_204 = tpu.memref_slice %arg13[%dma_wait3A_202, %dma_wait3A_203] : memref<512x64xf32, #tpu.memory_space<vmem>> -> memref<128x64xf32, #tpu.memory_space<vmem>>
    %dma_wait3A_205 = arith.constant 0 : i32
    %dma_wait3A_206 = tpu.memref_slice %arg10[%dma_wait3A_201, %dma_wait3A_205] : memref<4x128xi32, #tpu.memory_space<vmem>> -> memref<1x128xi32, #tpu.memory_space<vmem>>
    %dma_wait3A_207 = tpu.memref_squeeze %dma_wait3A_206 : memref<1x128xi32, #tpu.memory_space<vmem>> -> memref<128xi32, #tpu.memory_space<vmem>>
    %dma_wait3A_208 = arith.constant 0 : i32
    %dma_wait3A_209 = arith.constant 0 : i32
    %dma_wait3A_210 = tpu.memref_slice %arg5[%dma_wait3A_208, %dma_wait3A_209] : memref<1000000x64xf32, #tpu.memory_space<hbm>> -> memref<1000000x64xf32, #tpu.memory_space<hbm>>
    tpu.wait_indirect_dma semaphore(%arg15 : memref<!tpu.dma_semaphore, #tpu.memory_space<semaphore_mem>>) src(%dma_wait3A_210 : memref<1000000x64xf32, #tpu.memory_space<hbm>>) dst(%dma_wait3A_204 : memref<128x64xf32, #tpu.memory_space<vmem>>)
    %dma_wait3A_211 = arith.constant 3 : i32
    %dma_wait3A_212 = arith.constant 384 : i32
    %dma_wait3A_213 = arith.constant 0 : i32
    %dma_wait3A_214 = tpu.memref_slice %arg11[%dma_wait3A_212, %dma_wait3A_213] : memref<512x64xf32, #tpu.memory_space<vmem>> -> memref<128x64xf32, #tpu.memory_space<vmem>>
    %dma_wait3A_215 = arith.constant 0 : i32
    %dma_wait3A_216 = tpu.memref_slice %arg8[%dma_wait3A_211, %dma_wait3A_215] : memref<4x128xi32, #tpu.memory_space<vmem>> -> memref<1x128xi32, #tpu.memory_space<vmem>>
    %dma_wait3A_217 = tpu.memref_squeeze %dma_wait3A_216 : memref<1x128xi32, #tpu.memory_space<vmem>> -> memref<128xi32, #tpu.memory_space<vmem>>
    %dma_wait3A_218 = arith.constant 0 : i32
    %dma_wait3A_219 = arith.constant 0 : i32
    %dma_wait3A_220 = tpu.memref_slice %arg5[%dma_wait3A_218, %dma_wait3A_219] : memref<1000000x64xf32, #tpu.memory_space<hbm>> -> memref<1000000x64xf32, #tpu.memory_space<hbm>>
    tpu.wait_indirect_dma semaphore(%arg15 : memref<!tpu.dma_semaphore, #tpu.memory_space<semaphore_mem>>) src(%dma_wait3A_220 : memref<1000000x64xf32, #tpu.memory_space<hbm>>) dst(%dma_wait3A_214 : memref<128x64xf32, #tpu.memory_space<vmem>>)
    %dma_wait3A_221 = arith.constant 3 : i32
    %dma_wait3A_222 = arith.constant 384 : i32
    %dma_wait3A_223 = arith.constant 0 : i32
    %dma_wait3A_224 = tpu.memref_slice %arg12[%dma_wait3A_222, %dma_wait3A_223] : memref<512x64xf32, #tpu.memory_space<vmem>> -> memref<128x64xf32, #tpu.memory_space<vmem>>
    %dma_wait3A_225 = arith.constant 0 : i32
    %dma_wait3A_226 = tpu.memref_slice %arg9[%dma_wait3A_221, %dma_wait3A_225] : memref<4x128xi32, #tpu.memory_space<vmem>> -> memref<1x128xi32, #tpu.memory_space<vmem>>
    %dma_wait3A_227 = tpu.memref_squeeze %dma_wait3A_226 : memref<1x128xi32, #tpu.memory_space<vmem>> -> memref<128xi32, #tpu.memory_space<vmem>>
    %dma_wait3A_228 = arith.constant 0 : i32
    %dma_wait3A_229 = arith.constant 0 : i32
    %dma_wait3A_230 = tpu.memref_slice %arg6[%dma_wait3A_228, %dma_wait3A_229] : memref<1000000x64xf32, #tpu.memory_space<hbm>> -> memref<1000000x64xf32, #tpu.memory_space<hbm>>
    tpu.wait_indirect_dma semaphore(%arg15 : memref<!tpu.dma_semaphore, #tpu.memory_space<semaphore_mem>>) src(%dma_wait3A_230 : memref<1000000x64xf32, #tpu.memory_space<hbm>>) dst(%dma_wait3A_224 : memref<128x64xf32, #tpu.memory_space<vmem>>)
    %dma_wait3A_231 = arith.constant 3 : i32
    %dma_wait3A_232 = arith.constant 384 : i32
    %dma_wait3A_233 = arith.constant 0 : i32
    %dma_wait3A_234 = tpu.memref_slice %arg13[%dma_wait3A_232, %dma_wait3A_233] : memref<512x64xf32, #tpu.memory_space<vmem>> -> memref<128x64xf32, #tpu.memory_space<vmem>>
    %dma_wait3A_235 = arith.constant 0 : i32
    %dma_wait3A_236 = tpu.memref_slice %arg10[%dma_wait3A_231, %dma_wait3A_235] : memref<4x128xi32, #tpu.memory_space<vmem>> -> memref<1x128xi32, #tpu.memory_space<vmem>>
    %dma_wait3A_237 = tpu.memref_squeeze %dma_wait3A_236 : memref<1x128xi32, #tpu.memory_space<vmem>> -> memref<128xi32, #tpu.memory_space<vmem>>
    %dma_wait3A_238 = arith.constant 0 : i32
    %dma_wait3A_239 = arith.constant 0 : i32
    %dma_wait3A_240 = tpu.memref_slice %arg5[%dma_wait3A_238, %dma_wait3A_239] : memref<1000000x64xf32, #tpu.memory_space<hbm>> -> memref<1000000x64xf32, #tpu.memory_space<hbm>>
    tpu.wait_indirect_dma semaphore(%arg15 : memref<!tpu.dma_semaphore, #tpu.memory_space<semaphore_mem>>) src(%dma_wait3A_240 : memref<1000000x64xf32, #tpu.memory_space<hbm>>) dst(%dma_wait3A_234 : memref<128x64xf32, #tpu.memory_space<vmem>>)
    %iota3A = tpu.iota {dimensions = array<i32: 0>} : vector<16xi32>
    %xor3A = arith.constant 1 : i32
    %xor3A_241 = vector.broadcast %xor3A : i32 to vector<16xi32>
    %xor3A_242 = arith.xori %iota3A, %xor3A_241 : vector<16xi32>
    %xor3A_243 = arith.constant 2 : i32
    %xor3A_244 = vector.broadcast %xor3A_243 : i32 to vector<16xi32>
    %xor3A_245 = arith.xori %iota3A, %xor3A_244 : vector<16xi32>
    %xor3A_246 = arith.constant 4 : i32
    %xor3A_247 = vector.broadcast %xor3A_246 : i32 to vector<16xi32>
    %xor3A_248 = arith.xori %iota3A, %xor3A_247 : vector<16xi32>
    %xor3A_249 = arith.constant 8 : i32
    %xor3A_250 = vector.broadcast %xor3A_249 : i32 to vector<16xi32>
    %xor3A_251 = arith.xori %iota3A, %xor3A_250 : vector<16xi32>
    %scan3A = arith.constant 0 : i32
    %scan3A_252 = arith.constant 0 : i32
    %scan3A_253 = arith.constant 32 : i32
    %scan3A_254 = arith.addi %scan3A_252, %scan3A_253 : i32
    %scan3A_255 = arith.constant 1 : i32
    %scan3A_256 = scf.for %scan3A_260 = %scan3A_252 to %scan3A_254 step %scan3A_255 iter_args(%scan3A_261 = %scan3A) -> (i32)  : i32 {
      %broadcast_in_dim3A = arith.constant 0.000000e+00 : f32
      %broadcast_in_dim3A_262 = vector.broadcast %broadcast_in_dim3A : f32 to vector<16xf32>
      %mul3A_263 = arith.constant 16 : i32
      %mul3A_264 = arith.muli %scan3A_260, %mul3A_263 : i32
      %add3A_265 = arith.constant 0 : i32
      %add3A_266 = arith.addi %mul3A_264, %add3A_265 : i32
      %broadcast_in_dim3A_267 = arith.constant 0.000000e+00 : f32
      %broadcast_in_dim3A_268 = vector.broadcast %broadcast_in_dim3A_267 : f32 to vector<16xf32>
      %get3A = arith.index_cast %add3A_266 : i32 to index
      %get3A_269 = arith.constant 0 : index
      %get3A_270 = tpu.vector_load %arg11[%get3A, %get3A_269] {strides = array<i32>} : memref<512x64xf32, #tpu.memory_space<vmem>>, vector<1x16xf32>,
      %get3A_271 = vector.shape_cast %get3A_270 : vector<1x16xf32> to vector<16xf32>
      %get3A_272 = arith.index_cast %add3A_266 : i32 to index
      %get3A_273 = arith.constant 0 : index
      %get3A_274 = tpu.vector_load %arg12[%get3A_272, %get3A_273] {strides = array<i32>} : memref<512x64xf32, #tpu.memory_space<vmem>>, vector<1x16xf32>,
      %get3A_275 = vector.shape_cast %get3A_274 : vector<1x16xf32> to vector<16xf32>
      %add3A_276 = arith.addf %get3A_271, %get3A_275 : vector<16xf32>
      %get3A_277 = arith.index_cast %add3A_266 : i32 to index
      %get3A_278 = arith.constant 0 : index
      %get3A_279 = tpu.vector_load %arg13[%get3A_277, %get3A_278] {strides = array<i32>} : memref<512x64xf32, #tpu.memory_space<vmem>>, vector<1x16xf32>,
      %get3A_280 = vector.shape_cast %get3A_279 : vector<1x16xf32> to vector<16xf32>
      %sub3A = arith.subf %add3A_276, %get3A_280 : vector<16xf32>
      %abs3A = math.absf %sub3A : vector<16xf32>
      %add3A_281 = arith.addf %broadcast_in_dim3A_268, %abs3A : vector<16xf32>
      %get3A_282 = arith.index_cast %add3A_266 : i32 to index
      %get3A_283 = arith.constant 16 : index
      %get3A_284 = tpu.vector_load %arg11[%get3A_282, %get3A_283] {strides = array<i32>} : memref<512x64xf32, #tpu.memory_space<vmem>>, vector<1x16xf32>,
      %get3A_285 = vector.shape_cast %get3A_284 : vector<1x16xf32> to vector<16xf32>
      %get3A_286 = arith.index_cast %add3A_266 : i32 to index
      %get3A_287 = arith.constant 16 : index
      %get3A_288 = tpu.vector_load %arg12[%get3A_286, %get3A_287] {strides = array<i32>} : memref<512x64xf32, #tpu.memory_space<vmem>>, vector<1x16xf32>,
      %get3A_289 = vector.shape_cast %get3A_288 : vector<1x16xf32> to vector<16xf32>
      %add3A_290 = arith.addf %get3A_285, %get3A_289 : vector<16xf32>
      %get3A_291 = arith.index_cast %add3A_266 : i32 to index
      %get3A_292 = arith.constant 16 : index
      %get3A_293 = tpu.vector_load %arg13[%get3A_291, %get3A_292] {strides = array<i32>} : memref<512x64xf32, #tpu.memory_space<vmem>>, vector<1x16xf32>,
      %get3A_294 = vector.shape_cast %get3A_293 : vector<1x16xf32> to vector<16xf32>
      %sub3A_295 = arith.subf %add3A_290, %get3A_294 : vector<16xf32>
      %abs3A_296 = math.absf %sub3A_295 : vector<16xf32>
      %add3A_297 = arith.addf %add3A_281, %abs3A_296 : vector<16xf32>
      %get3A_298 = arith.index_cast %add3A_266 : i32 to index
      %get3A_299 = arith.constant 32 : index
      %get3A_300 = tpu.vector_load %arg11[%get3A_298, %get3A_299] {strides = array<i32>} : memref<512x64xf32, #tpu.memory_space<vmem>>, vector<1x16xf32>,
      %get3A_301 = vector.shape_cast %get3A_300 : vector<1x16xf32> to vector<16xf32>
      %get3A_302 = arith.index_cast %add3A_266 : i32 to index
      %get3A_303 = arith.constant 32 : index
      %get3A_304 = tpu.vector_load %arg12[%get3A_302, %get3A_303] {strides = array<i32>} : memref<512x64xf32, #tpu.memory_space<vmem>>, vector<1x16xf32>,
      %get3A_305 = vector.shape_cast %get3A_304 : vector<1x16xf32> to vector<16xf32>
      %add3A_306 = arith.addf %get3A_301, %get3A_305 : vector<16xf32>
      %get3A_307 = arith.index_cast %add3A_266 : i32 to index
      %get3A_308 = arith.constant 32 : index
      %get3A_309 = tpu.vector_load %arg13[%get3A_307, %get3A_308] {strides = array<i32>} : memref<512x64xf32, #tpu.memory_space<vmem>>, vector<1x16xf32>,
      %get3A_310 = vector.shape_cast %get3A_309 : vector<1x16xf32> to vector<16xf32>
      %sub3A_311 = arith.subf %add3A_306, %get3A_310 : vector<16xf32>
      %abs3A_312 = math.absf %sub3A_311 : vector<16xf32>
      %add3A_313 = arith.addf %add3A_297, %abs3A_312 : vector<16xf32>
      %get3A_314 = arith.index_cast %add3A_266 : i32 to index
      %get3A_315 = arith.constant 48 : index
      %get3A_316 = tpu.vector_load %arg11[%get3A_314, %get3A_315] {strides = array<i32>} : memref<512x64xf32, #tpu.memory_space<vmem>>, vector<1x16xf32>,
      %get3A_317 = vector.shape_cast %get3A_316 : vector<1x16xf32> to vector<16xf32>
      %get3A_318 = arith.index_cast %add3A_266 : i32 to index
      %get3A_319 = arith.constant 48 : index
      %get3A_320 = tpu.vector_load %arg12[%get3A_318, %get3A_319] {strides = array<i32>} : memref<512x64xf32, #tpu.memory_space<vmem>>, vector<1x16xf32>,
      %get3A_321 = vector.shape_cast %get3A_320 : vector<1x16xf32> to vector<16xf32>
      %add3A_322 = arith.addf %get3A_317, %get3A_321 : vector<16xf32>
      %get3A_323 = arith.index_cast %add3A_266 : i32 to index
      %get3A_324 = arith.constant 48 : index
      %get3A_325 = tpu.vector_load %arg13[%get3A_323, %get3A_324] {strides = array<i32>} : memref<512x64xf32, #tpu.memory_space<vmem>>, vector<1x16xf32>,
      %get3A_326 = vector.shape_cast %get3A_325 : vector<1x16xf32> to vector<16xf32>
      %sub3A_327 = arith.subf %add3A_322, %get3A_326 : vector<16xf32>
      %abs3A_328 = math.absf %sub3A_327 : vector<16xf32>
      %add3A_329 = arith.addf %add3A_313, %abs3A_328 : vector<16xf32>
      %lt3A = arith.constant 0 : i32
      %lt3A_330 = vector.broadcast %lt3A : i32 to vector<16xi32>
      %lt3A_331 = arith.cmpi slt, %xor3A_242, %lt3A_330 : vector<16xi32>
      %add3A_332 = arith.constant 16 : i32
      %add3A_333 = vector.broadcast %add3A_332 : i32 to vector<16xi32>
      %add3A_334 = arith.addi %xor3A_242, %add3A_333 : vector<16xi32>
      %select_n3A = arith.select %lt3A_331, %add3A_334, %xor3A_242 : vector<16xi1>, vector<16xi32>
      %broadcast_in_dim3A_335 = vector.shape_cast %select_n3A : vector<16xi32> to vector<16x1xi32>
      %gather3A = vector.shape_cast %broadcast_in_dim3A_335 : vector<16x1xi32> to vector<16xi32>
      %gather3A_336 = tpu.dynamic_gather %add3A_329[%gather3A] in [0] : vector<16xf32>, vector<16xi32> -> vector<16xf32>
      %add3A_337 = arith.addf %add3A_329, %gather3A_336 : vector<16xf32>
      %lt3A_338 = arith.constant 0 : i32
      %lt3A_339 = vector.broadcast %lt3A_338 : i32 to vector<16xi32>
      %lt3A_340 = arith.cmpi slt, %xor3A_245, %lt3A_339 : vector<16xi32>
      %add3A_341 = arith.constant 16 : i32
      %add3A_342 = vector.broadcast %add3A_341 : i32 to vector<16xi32>
      %add3A_343 = arith.addi %xor3A_245, %add3A_342 : vector<16xi32>
      %select_n3A_344 = arith.select %lt3A_340, %add3A_343, %xor3A_245 : vector<16xi1>, vector<16xi32>
      %broadcast_in_dim3A_345 = vector.shape_cast %select_n3A_344 : vector<16xi32> to vector<16x1xi32>
      %gather3A_346 = vector.shape_cast %broadcast_in_dim3A_345 : vector<16x1xi32> to vector<16xi32>
      %gather3A_347 = tpu.dynamic_gather %add3A_337[%gather3A_346] in [0] : vector<16xf32>, vector<16xi32> -> vector<16xf32>
      %add3A_348 = arith.addf %add3A_337, %gather3A_347 : vector<16xf32>
      %lt3A_349 = arith.constant 0 : i32
      %lt3A_350 = vector.broadcast %lt3A_349 : i32 to vector<16xi32>
      %lt3A_351 = arith.cmpi slt, %xor3A_248, %lt3A_350 : vector<16xi32>
      %add3A_352 = arith.constant 16 : i32
      %add3A_353 = vector.broadcast %add3A_352 : i32 to vector<16xi32>
      %add3A_354 = arith.addi %xor3A_248, %add3A_353 : vector<16xi32>
      %select_n3A_355 = arith.select %lt3A_351, %add3A_354, %xor3A_248 : vector<16xi1>, vector<16xi32>
      %broadcast_in_dim3A_356 = vector.shape_cast %select_n3A_355 : vector<16xi32> to vector<16x1xi32>
      %gather3A_357 = vector.shape_cast %broadcast_in_dim3A_356 : vector<16x1xi32> to vector<16xi32>
      %gather3A_358 = tpu.dynamic_gather %add3A_348[%gather3A_357] in [0] : vector<16xf32>, vector<16xi32> -> vector<16xf32>
      %add3A_359 = arith.addf %add3A_348, %gather3A_358 : vector<16xf32>
      %lt3A_360 = arith.constant 0 : i32
      %lt3A_361 = vector.broadcast %lt3A_360 : i32 to vector<16xi32>
      %lt3A_362 = arith.cmpi slt, %xor3A_251, %lt3A_361 : vector<16xi32>
      %add3A_363 = arith.constant 16 : i32
      %add3A_364 = vector.broadcast %add3A_363 : i32 to vector<16xi32>
      %add3A_365 = arith.addi %xor3A_251, %add3A_364 : vector<16xi32>
      %select_n3A_366 = arith.select %lt3A_362, %add3A_365, %xor3A_251 : vector<16xi1>, vector<16xi32>
      %broadcast_in_dim3A_367 = vector.shape_cast %select_n3A_366 : vector<16xi32> to vector<16x1xi32>
      %gather3A_368 = vector.shape_cast %broadcast_in_dim3A_367 : vector<16x1xi32> to vector<16xi32>
      %gather3A_369 = tpu.dynamic_gather %add3A_359[%gather3A_368] in [0] : vector<16xf32>, vector<16xi32> -> vector<16xf32>
      %add3A_370 = arith.addf %add3A_359, %gather3A_369 : vector<16xf32>
      %eq3A = arith.constant 0 : i32
      %eq3A_371 = vector.broadcast %eq3A : i32 to vector<16xi32>
      %eq3A_372 = arith.cmpi eq, %iota3A, %eq3A_371 : vector<16xi32>
      %select_n3A_373 = arith.select %eq3A_372, %add3A_370, %broadcast_in_dim3A_262 : vector<16xi1>, vector<16xf32>
      %mul3A_374 = arith.constant 16 : i32
      %mul3A_375 = arith.muli %scan3A_260, %mul3A_374 : i32
      %add3A_376 = arith.constant 1 : i32
      %add3A_377 = arith.addi %mul3A_375, %add3A_376 : i32
      %broadcast_in_dim3A_378 = arith.constant 0.000000e+00 : f32
      %broadcast_in_dim3A_379 = vector.broadcast %broadcast_in_dim3A_378 : f32 to vector<16xf32>
      %get3A_380 = arith.index_cast %add3A_377 : i32 to index
      %get3A_381 = arith.constant 0 : index
      %get3A_382 = tpu.vector_load %arg11[%get3A_380, %get3A_381] {strides = array<i32>} : memref<512x64xf32, #tpu.memory_space<vmem>>, vector<1x16xf32>,
      %get3A_383 = vector.shape_cast %get3A_382 : vector<1x16xf32> to vector<16xf32>
      %get3A_384 = arith.index_cast %add3A_377 : i32 to index
      %get3A_385 = arith.constant 0 : index
      %get3A_386 = tpu.vector_load %arg12[%get3A_384, %get3A_385] {strides = array<i32>} : memref<512x64xf32, #tpu.memory_space<vmem>>, vector<1x16xf32>,
      %get3A_387 = vector.shape_cast %get3A_386 : vector<1x16xf32> to vector<16xf32>
      %add3A_388 = arith.addf %get3A_383, %get3A_387 : vector<16xf32>
      %get3A_389 = arith.index_cast %add3A_377 : i32 to index
      %get3A_390 = arith.constant 0 : index
      %get3A_391 = tpu.vector_load %arg13[%get3A_389, %get3A_390] {strides = array<i32>} : memref<512x64xf32, #tpu.memory_space<vmem>>, vector<1x16xf32>,
      %get3A_392 = vector.shape_cast %get3A_391 : vector<1x16xf32> to vector<16xf32>
      %sub3A_393 = arith.subf %add3A_388, %get3A_392 : vector<16xf32>
      %abs3A_394 = math.absf %sub3A_393 : vector<16xf32>
      %add3A_395 = arith.addf %broadcast_in_dim3A_379, %abs3A_394 : vector<16xf32>
      %get3A_396 = arith.index_cast %add3A_377 : i32 to index
      %get3A_397 = arith.constant 16 : index
      %get3A_398 = tpu.vector_load %arg11[%get3A_396, %get3A_397] {strides = array<i32>} : memref<512x64xf32, #tpu.memory_space<vmem>>, vector<1x16xf32>,
      %get3A_399 = vector.shape_cast %get3A_398 : vector<1x16xf32> to vector<16xf32>
      %get3A_400 = arith.index_cast %add3A_377 : i32 to index
      %get3A_401 = arith.constant 16 : index
      %get3A_402 = tpu.vector_load %arg12[%get3A_400, %get3A_401] {strides = array<i32>} : memref<512x64xf32, #tpu.memory_space<vmem>>, vector<1x16xf32>,
      %get3A_403 = vector.shape_cast %get3A_402 : vector<1x16xf32> to vector<16xf32>
      %add3A_404 = arith.addf %get3A_399, %get3A_403 : vector<16xf32>
      %get3A_405 = arith.index_cast %add3A_377 : i32 to index
      %get3A_406 = arith.constant 16 : index
      %get3A_407 = tpu.vector_load %arg13[%get3A_405, %get3A_406] {strides = array<i32>} : memref<512x64xf32, #tpu.memory_space<vmem>>, vector<1x16xf32>,
      %get3A_408 = vector.shape_cast %get3A_407 : vector<1x16xf32> to vector<16xf32>
      %sub3A_409 = arith.subf %add3A_404, %get3A_408 : vector<16xf32>
      %abs3A_410 = math.absf %sub3A_409 : vector<16xf32>
      %add3A_411 = arith.addf %add3A_395, %abs3A_410 : vector<16xf32>
      %get3A_412 = arith.index_cast %add3A_377 : i32 to index
      %get3A_413 = arith.constant 32 : index
      %get3A_414 = tpu.vector_load %arg11[%get3A_412, %get3A_413] {strides = array<i32>} : memref<512x64xf32, #tpu.memory_space<vmem>>, vector<1x16xf32>,
      %get3A_415 = vector.shape_cast %get3A_414 : vector<1x16xf32> to vector<16xf32>
      %get3A_416 = arith.index_cast %add3A_377 : i32 to index
      %get3A_417 = arith.constant 32 : index
      %get3A_418 = tpu.vector_load %arg12[%get3A_416, %get3A_417] {strides = array<i32>} : memref<512x64xf32, #tpu.memory_space<vmem>>, vector<1x16xf32>,
      %get3A_419 = vector.shape_cast %get3A_418 : vector<1x16xf32> to vector<16xf32>
      %add3A_420 = arith.addf %get3A_415, %get3A_419 : vector<16xf32>
      %get3A_421 = arith.index_cast %add3A_377 : i32 to index
      %get3A_422 = arith.constant 32 : index
      %get3A_423 = tpu.vector_load %arg13[%get3A_421, %get3A_422] {strides = array<i32>} : memref<512x64xf32, #tpu.memory_space<vmem>>, vector<1x16xf32>,
      %get3A_424 = vector.shape_cast %get3A_423 : vector<1x16xf32> to vector<16xf32>
      %sub3A_425 = arith.subf %add3A_420, %get3A_424 : vector<16xf32>
      %abs3A_426 = math.absf %sub3A_425 : vector<16xf32>
      %add3A_427 = arith.addf %add3A_411, %abs3A_426 : vector<16xf32>
      %get3A_428 = arith.index_cast %add3A_377 : i32 to index
      %get3A_429 = arith.constant 48 : index
      %get3A_430 = tpu.vector_load %arg11[%get3A_428, %get3A_429] {strides = array<i32>} : memref<512x64xf32, #tpu.memory_space<vmem>>, vector<1x16xf32>,
      %get3A_431 = vector.shape_cast %get3A_430 : vector<1x16xf32> to vector<16xf32>
      %get3A_432 = arith.index_cast %add3A_377 : i32 to index
      %get3A_433 = arith.constant 48 : index
      %get3A_434 = tpu.vector_load %arg12[%get3A_432, %get3A_433] {strides = array<i32>} : memref<512x64xf32, #tpu.memory_space<vmem>>, vector<1x16xf32>,
      %get3A_435 = vector.shape_cast %get3A_434 : vector<1x16xf32> to vector<16xf32>
      %add3A_436 = arith.addf %get3A_431, %get3A_435 : vector<16xf32>
      %get3A_437 = arith.index_cast %add3A_377 : i32 to index
      %get3A_438 = arith.constant 48 : index
      %get3A_439 = tpu.vector_load %arg13[%get3A_437, %get3A_438] {strides = array<i32>} : memref<512x64xf32, #tpu.memory_space<vmem>>, vector<1x16xf32>,
      %get3A_440 = vector.shape_cast %get3A_439 : vector<1x16xf32> to vector<16xf32>
      %sub3A_441 = arith.subf %add3A_436, %get3A_440 : vector<16xf32>
      %abs3A_442 = math.absf %sub3A_441 : vector<16xf32>
      %add3A_443 = arith.addf %add3A_427, %abs3A_442 : vector<16xf32>
      %lt3A_444 = arith.constant 0 : i32
      %lt3A_445 = vector.broadcast %lt3A_444 : i32 to vector<16xi32>
      %lt3A_446 = arith.cmpi slt, %xor3A_242, %lt3A_445 : vector<16xi32>
      %add3A_447 = arith.constant 16 : i32
      %add3A_448 = vector.broadcast %add3A_447 : i32 to vector<16xi32>
      %add3A_449 = arith.addi %xor3A_242, %add3A_448 : vector<16xi32>
      %select_n3A_450 = arith.select %lt3A_446, %add3A_449, %xor3A_242 : vector<16xi1>, vector<16xi32>
      %broadcast_in_dim3A_451 = vector.shape_cast %select_n3A_450 : vector<16xi32> to vector<16x1xi32>
      %gather3A_452 = vector.shape_cast %broadcast_in_dim3A_451 : vector<16x1xi32> to vector<16xi32>
      %gather3A_453 = tpu.dynamic_gather %add3A_443[%gather3A_452] in [0] : vector<16xf32>, vector<16xi32> -> vector<16xf32>
      %add3A_454 = arith.addf %add3A_443, %gather3A_453 : vector<16xf32>
      %lt3A_455 = arith.constant 0 : i32
      %lt3A_456 = vector.broadcast %lt3A_455 : i32 to vector<16xi32>
      %lt3A_457 = arith.cmpi slt, %xor3A_245, %lt3A_456 : vector<16xi32>
      %add3A_458 = arith.constant 16 : i32
      %add3A_459 = vector.broadcast %add3A_458 : i32 to vector<16xi32>
      %add3A_460 = arith.addi %xor3A_245, %add3A_459 : vector<16xi32>
      %select_n3A_461 = arith.select %lt3A_457, %add3A_460, %xor3A_245 : vector<16xi1>, vector<16xi32>
      %broadcast_in_dim3A_462 = vector.shape_cast %select_n3A_461 : vector<16xi32> to vector<16x1xi32>
      %gather3A_463 = vector.shape_cast %broadcast_in_dim3A_462 : vector<16x1xi32> to vector<16xi32>
      %gather3A_464 = tpu.dynamic_gather %add3A_454[%gather3A_463] in [0] : vector<16xf32>, vector<16xi32> -> vector<16xf32>
      %add3A_465 = arith.addf %add3A_454, %gather3A_464 : vector<16xf32>
      %lt3A_466 = arith.constant 0 : i32
      %lt3A_467 = vector.broadcast %lt3A_466 : i32 to vector<16xi32>
      %lt3A_468 = arith.cmpi slt, %xor3A_248, %lt3A_467 : vector<16xi32>
      %add3A_469 = arith.constant 16 : i32
      %add3A_470 = vector.broadcast %add3A_469 : i32 to vector<16xi32>
      %add3A_471 = arith.addi %xor3A_248, %add3A_470 : vector<16xi32>
      %select_n3A_472 = arith.select %lt3A_468, %add3A_471, %xor3A_248 : vector<16xi1>, vector<16xi32>
      %broadcast_in_dim3A_473 = vector.shape_cast %select_n3A_472 : vector<16xi32> to vector<16x1xi32>
      %gather3A_474 = vector.shape_cast %broadcast_in_dim3A_473 : vector<16x1xi32> to vector<16xi32>
      %gather3A_475 = tpu.dynamic_gather %add3A_465[%gather3A_474] in [0] : vector<16xf32>, vector<16xi32> -> vector<16xf32>
      %add3A_476 = arith.addf %add3A_465, %gather3A_475 : vector<16xf32>
      %lt3A_477 = arith.constant 0 : i32
      %lt3A_478 = vector.broadcast %lt3A_477 : i32 to vector<16xi32>
      %lt3A_479 = arith.cmpi slt, %xor3A_251, %lt3A_478 : vector<16xi32>
      %add3A_480 = arith.constant 16 : i32
      %add3A_481 = vector.broadcast %add3A_480 : i32 to vector<16xi32>
      %add3A_482 = arith.addi %xor3A_251, %add3A_481 : vector<16xi32>
      %select_n3A_483 = arith.select %lt3A_479, %add3A_482, %xor3A_251 : vector<16xi1>, vector<16xi32>
      %broadcast_in_dim3A_484 = vector.shape_cast %select_n3A_483 : vector<16xi32> to vector<16x1xi32>
      %gather3A_485 = vector.shape_cast %broadcast_in_dim3A_484 : vector<16x1xi32> to vector<16xi32>
      %gather3A_486 = tpu.dynamic_gather %add3A_476[%gather3A_485] in [0] : vector<16xf32>, vector<16xi32> -> vector<16xf32>
      %add3A_487 = arith.addf %add3A_476, %gather3A_486 : vector<16xf32>
      %eq3A_488 = arith.constant 1 : i32
      %eq3A_489 = vector.broadcast %eq3A_488 : i32 to vector<16xi32>
      %eq3A_490 = arith.cmpi eq, %iota3A, %eq3A_489 : vector<16xi32>
      %select_n3A_491 = arith.select %eq3A_490, %add3A_487, %select_n3A_373 : vector<16xi1>, vector<16xf32>
      %mul3A_492 = arith.constant 16 : i32
      %mul3A_493 = arith.muli %scan3A_260, %mul3A_492 : i32
      %add3A_494 = arith.constant 2 : i32
      %add3A_495 = arith.addi %mul3A_493, %add3A_494 : i32
      %broadcast_in_dim3A_496 = arith.constant 0.000000e+00 : f32
      %broadcast_in_dim3A_497 = vector.broadcast %broadcast_in_dim3A_496 : f32 to vector<16xf32>
      %get3A_498 = arith.index_cast %add3A_495 : i32 to index
      %get3A_499 = arith.constant 0 : index
      %get3A_500 = tpu.vector_load %arg11[%get3A_498, %get3A_499] {strides = array<i32>} : memref<512x64xf32, #tpu.memory_space<vmem>>, vector<1x16xf32>,
      %get3A_501 = vector.shape_cast %get3A_500 : vector<1x16xf32> to vector<16xf32>
      %get3A_502 = arith.index_cast %add3A_495 : i32 to index
      %get3A_503 = arith.constant 0 : index
      %get3A_504 = tpu.vector_load %arg12[%get3A_502, %get3A_503] {strides = array<i32>} : memref<512x64xf32, #tpu.memory_space<vmem>>, vector<1x16xf32>,
      %get3A_505 = vector.shape_cast %get3A_504 : vector<1x16xf32> to vector<16xf32>
      %add3A_506 = arith.addf %get3A_501, %get3A_505 : vector<16xf32>
      %get3A_507 = arith.index_cast %add3A_495 : i32 to index
      %get3A_508 = arith.constant 0 : index
      %get3A_509 = tpu.vector_load %arg13[%get3A_507, %get3A_508] {strides = array<i32>} : memref<512x64xf32, #tpu.memory_space<vmem>>, vector<1x16xf32>,
      %get3A_510 = vector.shape_cast %get3A_509 : vector<1x16xf32> to vector<16xf32>
      %sub3A_511 = arith.subf %add3A_506, %get3A_510 : vector<16xf32>
      %abs3A_512 = math.absf %sub3A_511 : vector<16xf32>
      %add3A_513 = arith.addf %broadcast_in_dim3A_497, %abs3A_512 : vector<16xf32>
      %get3A_514 = arith.index_cast %add3A_495 : i32 to index
      %get3A_515 = arith.constant 16 : index
      %get3A_516 = tpu.vector_load %arg11[%get3A_514, %get3A_515] {strides = array<i32>} : memref<512x64xf32, #tpu.memory_space<vmem>>, vector<1x16xf32>,
      %get3A_517 = vector.shape_cast %get3A_516 : vector<1x16xf32> to vector<16xf32>
      %get3A_518 = arith.index_cast %add3A_495 : i32 to index
      %get3A_519 = arith.constant 16 : index
      %get3A_520 = tpu.vector_load %arg12[%get3A_518, %get3A_519] {strides = array<i32>} : memref<512x64xf32, #tpu.memory_space<vmem>>, vector<1x16xf32>,
      %get3A_521 = vector.shape_cast %get3A_520 : vector<1x16xf32> to vector<16xf32>
      %add3A_522 = arith.addf %get3A_517, %get3A_521 : vector<16xf32>
      %get3A_523 = arith.index_cast %add3A_495 : i32 to index
      %get3A_524 = arith.constant 16 : index
      %get3A_525 = tpu.vector_load %arg13[%get3A_523, %get3A_524] {strides = array<i32>} : memref<512x64xf32, #tpu.memory_space<vmem>>, vector<1x16xf32>,
      %get3A_526 = vector.shape_cast %get3A_525 : vector<1x16xf32> to vector<16xf32>
      %sub3A_527 = arith.subf %add3A_522, %get3A_526 : vector<16xf32>
      %abs3A_528 = math.absf %sub3A_527 : vector<16xf32>
      %add3A_529 = arith.addf %add3A_513, %abs3A_528 : vector<16xf32>
      %get3A_530 = arith.index_cast %add3A_495 : i32 to index
      %get3A_531 = arith.constant 32 : index
      %get3A_532 = tpu.vector_load %arg11[%get3A_530, %get3A_531] {strides = array<i32>} : memref<512x64xf32, #tpu.memory_space<vmem>>, vector<1x16xf32>,
      %get3A_533 = vector.shape_cast %get3A_532 : vector<1x16xf32> to vector<16xf32>
      %get3A_534 = arith.index_cast %add3A_495 : i32 to index
      %get3A_535 = arith.constant 32 : index
      %get3A_536 = tpu.vector_load %arg12[%get3A_534, %get3A_535] {strides = array<i32>} : memref<512x64xf32, #tpu.memory_space<vmem>>, vector<1x16xf32>,
      %get3A_537 = vector.shape_cast %get3A_536 : vector<1x16xf32> to vector<16xf32>
      %add3A_538 = arith.addf %get3A_533, %get3A_537 : vector<16xf32>
      %get3A_539 = arith.index_cast %add3A_495 : i32 to index
      %get3A_540 = arith.constant 32 : index
      %get3A_541 = tpu.vector_load %arg13[%get3A_539, %get3A_540] {strides = array<i32>} : memref<512x64xf32, #tpu.memory_space<vmem>>, vector<1x16xf32>,
      %get3A_542 = vector.shape_cast %get3A_541 : vector<1x16xf32> to vector<16xf32>
      %sub3A_543 = arith.subf %add3A_538, %get3A_542 : vector<16xf32>
      %abs3A_544 = math.absf %sub3A_543 : vector<16xf32>
      %add3A_545 = arith.addf %add3A_529, %abs3A_544 : vector<16xf32>
      %get3A_546 = arith.index_cast %add3A_495 : i32 to index
      %get3A_547 = arith.constant 48 : index
      %get3A_548 = tpu.vector_load %arg11[%get3A_546, %get3A_547] {strides = array<i32>} : memref<512x64xf32, #tpu.memory_space<vmem>>, vector<1x16xf32>,
      %get3A_549 = vector.shape_cast %get3A_548 : vector<1x16xf32> to vector<16xf32>
      %get3A_550 = arith.index_cast %add3A_495 : i32 to index
      %get3A_551 = arith.constant 48 : index
      %get3A_552 = tpu.vector_load %arg12[%get3A_550, %get3A_551] {strides = array<i32>} : memref<512x64xf32, #tpu.memory_space<vmem>>, vector<1x16xf32>,
      %get3A_553 = vector.shape_cast %get3A_552 : vector<1x16xf32> to vector<16xf32>
      %add3A_554 = arith.addf %get3A_549, %get3A_553 : vector<16xf32>
      %get3A_555 = arith.index_cast %add3A_495 : i32 to index
      %get3A_556 = arith.constant 48 : index
      %get3A_557 = tpu.vector_load %arg13[%get3A_555, %get3A_556] {strides = array<i32>} : memref<512x64xf32, #tpu.memory_space<vmem>>, vector<1x16xf32>,
      %get3A_558 = vector.shape_cast %get3A_557 : vector<1x16xf32> to vector<16xf32>
      %sub3A_559 = arith.subf %add3A_554, %get3A_558 : vector<16xf32>
      %abs3A_560 = math.absf %sub3A_559 : vector<16xf32>
      %add3A_561 = arith.addf %add3A_545, %abs3A_560 : vector<16xf32>
      %lt3A_562 = arith.constant 0 : i32
      %lt3A_563 = vector.broadcast %lt3A_562 : i32 to vector<16xi32>
      %lt3A_564 = arith.cmpi slt, %xor3A_242, %lt3A_563 : vector<16xi32>
      %add3A_565 = arith.constant 16 : i32
      %add3A_566 = vector.broadcast %add3A_565 : i32 to vector<16xi32>
      %add3A_567 = arith.addi %xor3A_242, %add3A_566 : vector<16xi32>
      %select_n3A_568 = arith.select %lt3A_564, %add3A_567, %xor3A_242 : vector<16xi1>, vector<16xi32>
      %broadcast_in_dim3A_569 = vector.shape_cast %select_n3A_568 : vector<16xi32> to vector<16x1xi32>
      %gather3A_570 = vector.shape_cast %broadcast_in_dim3A_569 : vector<16x1xi32> to vector<16xi32>
      %gather3A_571 = tpu.dynamic_gather %add3A_561[%gather3A_570] in [0] : vector<16xf32>, vector<16xi32> -> vector<16xf32>
      %add3A_572 = arith.addf %add3A_561, %gather3A_571 : vector<16xf32>
      %lt3A_573 = arith.constant 0 : i32
      %lt3A_574 = vector.broadcast %lt3A_573 : i32 to vector<16xi32>
      %lt3A_575 = arith.cmpi slt, %xor3A_245, %lt3A_574 : vector<16xi32>
      %add3A_576 = arith.constant 16 : i32
      %add3A_577 = vector.broadcast %add3A_576 : i32 to vector<16xi32>
      %add3A_578 = arith.addi %xor3A_245, %add3A_577 : vector<16xi32>
      %select_n3A_579 = arith.select %lt3A_575, %add3A_578, %xor3A_245 : vector<16xi1>, vector<16xi32>
      %broadcast_in_dim3A_580 = vector.shape_cast %select_n3A_579 : vector<16xi32> to vector<16x1xi32>
      %gather3A_581 = vector.shape_cast %broadcast_in_dim3A_580 : vector<16x1xi32> to vector<16xi32>
      %gather3A_582 = tpu.dynamic_gather %add3A_572[%gather3A_581] in [0] : vector<16xf32>, vector<16xi32> -> vector<16xf32>
      %add3A_583 = arith.addf %add3A_572, %gather3A_582 : vector<16xf32>
      %lt3A_584 = arith.constant 0 : i32
      %lt3A_585 = vector.broadcast %lt3A_584 : i32 to vector<16xi32>
      %lt3A_586 = arith.cmpi slt, %xor3A_248, %lt3A_585 : vector<16xi32>
      %add3A_587 = arith.constant 16 : i32
      %add3A_588 = vector.broadcast %add3A_587 : i32 to vector<16xi32>
      %add3A_589 = arith.addi %xor3A_248, %add3A_588 : vector<16xi32>
      %select_n3A_590 = arith.select %lt3A_586, %add3A_589, %xor3A_248 : vector<16xi1>, vector<16xi32>
      %broadcast_in_dim3A_591 = vector.shape_cast %select_n3A_590 : vector<16xi32> to vector<16x1xi32>
      %gather3A_592 = vector.shape_cast %broadcast_in_dim3A_591 : vector<16x1xi32> to vector<16xi32>
      %gather3A_593 = tpu.dynamic_gather %add3A_583[%gather3A_592] in [0] : vector<16xf32>, vector<16xi32> -> vector<16xf32>
      %add3A_594 = arith.addf %add3A_583, %gather3A_593 : vector<16xf32>
      %lt3A_595 = arith.constant 0 : i32
      %lt3A_596 = vector.broadcast %lt3A_595 : i32 to vector<16xi32>
      %lt3A_597 = arith.cmpi slt, %xor3A_251, %lt3A_596 : vector<16xi32>
      %add3A_598 = arith.constant 16 : i32
      %add3A_599 = vector.broadcast %add3A_598 : i32 to vector<16xi32>
      %add3A_600 = arith.addi %xor3A_251, %add3A_599 : vector<16xi32>
      %select_n3A_601 = arith.select %lt3A_597, %add3A_600, %xor3A_251 : vector<16xi1>, vector<16xi32>
      %broadcast_in_dim3A_602 = vector.shape_cast %select_n3A_601 : vector<16xi32> to vector<16x1xi32>
      %gather3A_603 = vector.shape_cast %broadcast_in_dim3A_602 : vector<16x1xi32> to vector<16xi32>
      %gather3A_604 = tpu.dynamic_gather %add3A_594[%gather3A_603] in [0] : vector<16xf32>, vector<16xi32> -> vector<16xf32>
      %add3A_605 = arith.addf %add3A_594, %gather3A_604 : vector<16xf32>
      %eq3A_606 = arith.constant 2 : i32
      %eq3A_607 = vector.broadcast %eq3A_606 : i32 to vector<16xi32>
      %eq3A_608 = arith.cmpi eq, %iota3A, %eq3A_607 : vector<16xi32>
      %select_n3A_609 = arith.select %eq3A_608, %add3A_605, %select_n3A_491 : vector<16xi1>, vector<16xf32>
      %mul3A_610 = arith.constant 16 : i32
      %mul3A_611 = arith.muli %scan3A_260, %mul3A_610 : i32
      %add3A_612 = arith.constant 3 : i32
      %add3A_613 = arith.addi %mul3A_611, %add3A_612 : i32
      %broadcast_in_dim3A_614 = arith.constant 0.000000e+00 : f32
      %broadcast_in_dim3A_615 = vector.broadcast %broadcast_in_dim3A_614 : f32 to vector<16xf32>
      %get3A_616 = arith.index_cast %add3A_613 : i32 to index
      %get3A_617 = arith.constant 0 : index
      %get3A_618 = tpu.vector_load %arg11[%get3A_616, %get3A_617] {strides = array<i32>} : memref<512x64xf32, #tpu.memory_space<vmem>>, vector<1x16xf32>,
      %get3A_619 = vector.shape_cast %get3A_618 : vector<1x16xf32> to vector<16xf32>
      %get3A_620 = arith.index_cast %add3A_613 : i32 to index
      %get3A_621 = arith.constant 0 : index
      %get3A_622 = tpu.vector_load %arg12[%get3A_620, %get3A_621] {strides = array<i32>} : memref<512x64xf32, #tpu.memory_space<vmem>>, vector<1x16xf32>,
      %get3A_623 = vector.shape_cast %get3A_622 : vector<1x16xf32> to vector<16xf32>
      %add3A_624 = arith.addf %get3A_619, %get3A_623 : vector<16xf32>
      %get3A_625 = arith.index_cast %add3A_613 : i32 to index
      %get3A_626 = arith.constant 0 : index
      %get3A_627 = tpu.vector_load %arg13[%get3A_625, %get3A_626] {strides = array<i32>} : memref<512x64xf32, #tpu.memory_space<vmem>>, vector<1x16xf32>,
      %get3A_628 = vector.shape_cast %get3A_627 : vector<1x16xf32> to vector<16xf32>
      %sub3A_629 = arith.subf %add3A_624, %get3A_628 : vector<16xf32>
      %abs3A_630 = math.absf %sub3A_629 : vector<16xf32>
      %add3A_631 = arith.addf %broadcast_in_dim3A_615, %abs3A_630 : vector<16xf32>
      %get3A_632 = arith.index_cast %add3A_613 : i32 to index
      %get3A_633 = arith.constant 16 : index
      %get3A_634 = tpu.vector_load %arg11[%get3A_632, %get3A_633] {strides = array<i32>} : memref<512x64xf32, #tpu.memory_space<vmem>>, vector<1x16xf32>,
      %get3A_635 = vector.shape_cast %get3A_634 : vector<1x16xf32> to vector<16xf32>
      %get3A_636 = arith.index_cast %add3A_613 : i32 to index
      %get3A_637 = arith.constant 16 : index
      %get3A_638 = tpu.vector_load %arg12[%get3A_636, %get3A_637] {strides = array<i32>} : memref<512x64xf32, #tpu.memory_space<vmem>>, vector<1x16xf32>,
      %get3A_639 = vector.shape_cast %get3A_638 : vector<1x16xf32> to vector<16xf32>
      %add3A_640 = arith.addf %get3A_635, %get3A_639 : vector<16xf32>
      %get3A_641 = arith.index_cast %add3A_613 : i32 to index
      %get3A_642 = arith.constant 16 : index
      %get3A_643 = tpu.vector_load %arg13[%get3A_641, %get3A_642] {strides = array<i32>} : memref<512x64xf32, #tpu.memory_space<vmem>>, vector<1x16xf32>,
      %get3A_644 = vector.shape_cast %get3A_643 : vector<1x16xf32> to vector<16xf32>
      %sub3A_645 = arith.subf %add3A_640, %get3A_644 : vector<16xf32>
      %abs3A_646 = math.absf %sub3A_645 : vector<16xf32>
      %add3A_647 = arith.addf %add3A_631, %abs3A_646 : vector<16xf32>
      %get3A_648 = arith.index_cast %add3A_613 : i32 to index
      %get3A_649 = arith.constant 32 : index
      %get3A_650 = tpu.vector_load %arg11[%get3A_648, %get3A_649] {strides = array<i32>} : memref<512x64xf32, #tpu.memory_space<vmem>>, vector<1x16xf32>,
      %get3A_651 = vector.shape_cast %get3A_650 : vector<1x16xf32> to vector<16xf32>
      %get3A_652 = arith.index_cast %add3A_613 : i32 to index
      %get3A_653 = arith.constant 32 : index
      %get3A_654 = tpu.vector_load %arg12[%get3A_652, %get3A_653] {strides = array<i32>} : memref<512x64xf32, #tpu.memory_space<vmem>>, vector<1x16xf32>,
      %get3A_655 = vector.shape_cast %get3A_654 : vector<1x16xf32> to vector<16xf32>
      %add3A_656 = arith.addf %get3A_651, %get3A_655 : vector<16xf32>
      %get3A_657 = arith.index_cast %add3A_613 : i32 to index
      %get3A_658 = arith.constant 32 : index
      %get3A_659 = tpu.vector_load %arg13[%get3A_657, %get3A_658] {strides = array<i32>} : memref<512x64xf32, #tpu.memory_space<vmem>>, vector<1x16xf32>,
      %get3A_660 = vector.shape_cast %get3A_659 : vector<1x16xf32> to vector<16xf32>
      %sub3A_661 = arith.subf %add3A_656, %get3A_660 : vector<16xf32>
      %abs3A_662 = math.absf %sub3A_661 : vector<16xf32>
      %add3A_663 = arith.addf %add3A_647, %abs3A_662 : vector<16xf32>
      %get3A_664 = arith.index_cast %add3A_613 : i32 to index
      %get3A_665 = arith.constant 48 : index
      %get3A_666 = tpu.vector_load %arg11[%get3A_664, %get3A_665] {strides = array<i32>} : memref<512x64xf32, #tpu.memory_space<vmem>>, vector<1x16xf32>,
      %get3A_667 = vector.shape_cast %get3A_666 : vector<1x16xf32> to vector<16xf32>
      %get3A_668 = arith.index_cast %add3A_613 : i32 to index
      %get3A_669 = arith.constant 48 : index
      %get3A_670 = tpu.vector_load %arg12[%get3A_668, %get3A_669] {strides = array<i32>} : memref<512x64xf32, #tpu.memory_space<vmem>>, vector<1x16xf32>,
      %get3A_671 = vector.shape_cast %get3A_670 : vector<1x16xf32> to vector<16xf32>
      %add3A_672 = arith.addf %get3A_667, %get3A_671 : vector<16xf32>
      %get3A_673 = arith.index_cast %add3A_613 : i32 to index
      %get3A_674 = arith.constant 48 : index
      %get3A_675 = tpu.vector_load %arg13[%get3A_673, %get3A_674] {strides = array<i32>} : memref<512x64xf32, #tpu.memory_space<vmem>>, vector<1x16xf32>,
      %get3A_676 = vector.shape_cast %get3A_675 : vector<1x16xf32> to vector<16xf32>
      %sub3A_677 = arith.subf %add3A_672, %get3A_676 : vector<16xf32>
      %abs3A_678 = math.absf %sub3A_677 : vector<16xf32>
      %add3A_679 = arith.addf %add3A_663, %abs3A_678 : vector<16xf32>
      %lt3A_680 = arith.constant 0 : i32
      %lt3A_681 = vector.broadcast %lt3A_680 : i32 to vector<16xi32>
      %lt3A_682 = arith.cmpi slt, %xor3A_242, %lt3A_681 : vector<16xi32>
      %add3A_683 = arith.constant 16 : i32
      %add3A_684 = vector.broadcast %add3A_683 : i32 to vector<16xi32>
      %add3A_685 = arith.addi %xor3A_242, %add3A_684 : vector<16xi32>
      %select_n3A_686 = arith.select %lt3A_682, %add3A_685, %xor3A_242 : vector<16xi1>, vector<16xi32>
      %broadcast_in_dim3A_687 = vector.shape_cast %select_n3A_686 : vector<16xi32> to vector<16x1xi32>
      %gather3A_688 = vector.shape_cast %broadcast_in_dim3A_687 : vector<16x1xi32> to vector<16xi32>
      %gather3A_689 = tpu.dynamic_gather %add3A_679[%gather3A_688] in [0] : vector<16xf32>, vector<16xi32> -> vector<16xf32>
      %add3A_690 = arith.addf %add3A_679, %gather3A_689 : vector<16xf32>
      %lt3A_691 = arith.constant 0 : i32
      %lt3A_692 = vector.broadcast %lt3A_691 : i32 to vector<16xi32>
      %lt3A_693 = arith.cmpi slt, %xor3A_245, %lt3A_692 : vector<16xi32>
      %add3A_694 = arith.constant 16 : i32
      %add3A_695 = vector.broadcast %add3A_694 : i32 to vector<16xi32>
      %add3A_696 = arith.addi %xor3A_245, %add3A_695 : vector<16xi32>
      %select_n3A_697 = arith.select %lt3A_693, %add3A_696, %xor3A_245 : vector<16xi1>, vector<16xi32>
      %broadcast_in_dim3A_698 = vector.shape_cast %select_n3A_697 : vector<16xi32> to vector<16x1xi32>
      %gather3A_699 = vector.shape_cast %broadcast_in_dim3A_698 : vector<16x1xi32> to vector<16xi32>
      %gather3A_700 = tpu.dynamic_gather %add3A_690[%gather3A_699] in [0] : vector<16xf32>, vector<16xi32> -> vector<16xf32>
      %add3A_701 = arith.addf %add3A_690, %gather3A_700 : vector<16xf32>
      %lt3A_702 = arith.constant 0 : i32
      %lt3A_703 = vector.broadcast %lt3A_702 : i32 to vector<16xi32>
      %lt3A_704 = arith.cmpi slt, %xor3A_248, %lt3A_703 : vector<16xi32>
      %add3A_705 = arith.constant 16 : i32
      %add3A_706 = vector.broadcast %add3A_705 : i32 to vector<16xi32>
      %add3A_707 = arith.addi %xor3A_248, %add3A_706 : vector<16xi32>
      %select_n3A_708 = arith.select %lt3A_704, %add3A_707, %xor3A_248 : vector<16xi1>, vector<16xi32>
      %broadcast_in_dim3A_709 = vector.shape_cast %select_n3A_708 : vector<16xi32> to vector<16x1xi32>
      %gather3A_710 = vector.shape_cast %broadcast_in_dim3A_709 : vector<16x1xi32> to vector<16xi32>
      %gather3A_711 = tpu.dynamic_gather %add3A_701[%gather3A_710] in [0] : vector<16xf32>, vector<16xi32> -> vector<16xf32>
      %add3A_712 = arith.addf %add3A_701, %gather3A_711 : vector<16xf32>
      %lt3A_713 = arith.constant 0 : i32
      %lt3A_714 = vector.broadcast %lt3A_713 : i32 to vector<16xi32>
      %lt3A_715 = arith.cmpi slt, %xor3A_251, %lt3A_714 : vector<16xi32>
      %add3A_716 = arith.constant 16 : i32
      %add3A_717 = vector.broadcast %add3A_716 : i32 to vector<16xi32>
      %add3A_718 = arith.addi %xor3A_251, %add3A_717 : vector<16xi32>
      %select_n3A_719 = arith.select %lt3A_715, %add3A_718, %xor3A_251 : vector<16xi1>, vector<16xi32>
      %broadcast_in_dim3A_720 = vector.shape_cast %select_n3A_719 : vector<16xi32> to vector<16x1xi32>
      %gather3A_721 = vector.shape_cast %broadcast_in_dim3A_720 : vector<16x1xi32> to vector<16xi32>
      %gather3A_722 = tpu.dynamic_gather %add3A_712[%gather3A_721] in [0] : vector<16xf32>, vector<16xi32> -> vector<16xf32>
      %add3A_723 = arith.addf %add3A_712, %gather3A_722 : vector<16xf32>
      %eq3A_724 = arith.constant 3 : i32
      %eq3A_725 = vector.broadcast %eq3A_724 : i32 to vector<16xi32>
      %eq3A_726 = arith.cmpi eq, %iota3A, %eq3A_725 : vector<16xi32>
      %select_n3A_727 = arith.select %eq3A_726, %add3A_723, %select_n3A_609 : vector<16xi1>, vector<16xf32>
      %mul3A_728 = arith.constant 16 : i32
      %mul3A_729 = arith.muli %scan3A_260, %mul3A_728 : i32
      %add3A_730 = arith.constant 4 : i32
      %add3A_731 = arith.addi %mul3A_729, %add3A_730 : i32
      %broadcast_in_dim3A_732 = arith.constant 0.000000e+00 : f32
      %broadcast_in_dim3A_733 = vector.broadcast %broadcast_in_dim3A_732 : f32 to vector<16xf32>
      %get3A_734 = arith.index_cast %add3A_731 : i32 to index
      %get3A_735 = arith.constant 0 : index
      %get3A_736 = tpu.vector_load %arg11[%get3A_734, %get3A_735] {strides = array<i32>} : memref<512x64xf32, #tpu.memory_space<vmem>>, vector<1x16xf32>,
      %get3A_737 = vector.shape_cast %get3A_736 : vector<1x16xf32> to vector<16xf32>
      %get3A_738 = arith.index_cast %add3A_731 : i32 to index
      %get3A_739 = arith.constant 0 : index
      %get3A_740 = tpu.vector_load %arg12[%get3A_738, %get3A_739] {strides = array<i32>} : memref<512x64xf32, #tpu.memory_space<vmem>>, vector<1x16xf32>,
      %get3A_741 = vector.shape_cast %get3A_740 : vector<1x16xf32> to vector<16xf32>
      %add3A_742 = arith.addf %get3A_737, %get3A_741 : vector<16xf32>
      %get3A_743 = arith.index_cast %add3A_731 : i32 to index
      %get3A_744 = arith.constant 0 : index
      %get3A_745 = tpu.vector_load %arg13[%get3A_743, %get3A_744] {strides = array<i32>} : memref<512x64xf32, #tpu.memory_space<vmem>>, vector<1x16xf32>,
      %get3A_746 = vector.shape_cast %get3A_745 : vector<1x16xf32> to vector<16xf32>
      %sub3A_747 = arith.subf %add3A_742, %get3A_746 : vector<16xf32>
      %abs3A_748 = math.absf %sub3A_747 : vector<16xf32>
      %add3A_749 = arith.addf %broadcast_in_dim3A_733, %abs3A_748 : vector<16xf32>
      %get3A_750 = arith.index_cast %add3A_731 : i32 to index
      %get3A_751 = arith.constant 16 : index
      %get3A_752 = tpu.vector_load %arg11[%get3A_750, %get3A_751] {strides = array<i32>} : memref<512x64xf32, #tpu.memory_space<vmem>>, vector<1x16xf32>,
      %get3A_753 = vector.shape_cast %get3A_752 : vector<1x16xf32> to vector<16xf32>
      %get3A_754 = arith.index_cast %add3A_731 : i32 to index
      %get3A_755 = arith.constant 16 : index
      %get3A_756 = tpu.vector_load %arg12[%get3A_754, %get3A_755] {strides = array<i32>} : memref<512x64xf32, #tpu.memory_space<vmem>>, vector<1x16xf32>,
      %get3A_757 = vector.shape_cast %get3A_756 : vector<1x16xf32> to vector<16xf32>
      %add3A_758 = arith.addf %get3A_753, %get3A_757 : vector<16xf32>
      %get3A_759 = arith.index_cast %add3A_731 : i32 to index
      %get3A_760 = arith.constant 16 : index
      %get3A_761 = tpu.vector_load %arg13[%get3A_759, %get3A_760] {strides = array<i32>} : memref<512x64xf32, #tpu.memory_space<vmem>>, vector<1x16xf32>,
      %get3A_762 = vector.shape_cast %get3A_761 : vector<1x16xf32> to vector<16xf32>
      %sub3A_763 = arith.subf %add3A_758, %get3A_762 : vector<16xf32>
      %abs3A_764 = math.absf %sub3A_763 : vector<16xf32>
      %add3A_765 = arith.addf %add3A_749, %abs3A_764 : vector<16xf32>
      %get3A_766 = arith.index_cast %add3A_731 : i32 to index
      %get3A_767 = arith.constant 32 : index
      %get3A_768 = tpu.vector_load %arg11[%get3A_766, %get3A_767] {strides = array<i32>} : memref<512x64xf32, #tpu.memory_space<vmem>>, vector<1x16xf32>,
      %get3A_769 = vector.shape_cast %get3A_768 : vector<1x16xf32> to vector<16xf32>
      %get3A_770 = arith.index_cast %add3A_731 : i32 to index
      %get3A_771 = arith.constant 32 : index
      %get3A_772 = tpu.vector_load %arg12[%get3A_770, %get3A_771] {strides = array<i32>} : memref<512x64xf32, #tpu.memory_space<vmem>>, vector<1x16xf32>,
      %get3A_773 = vector.shape_cast %get3A_772 : vector<1x16xf32> to vector<16xf32>
      %add3A_774 = arith.addf %get3A_769, %get3A_773 : vector<16xf32>
      %get3A_775 = arith.index_cast %add3A_731 : i32 to index
      %get3A_776 = arith.constant 32 : index
      %get3A_777 = tpu.vector_load %arg13[%get3A_775, %get3A_776] {strides = array<i32>} : memref<512x64xf32, #tpu.memory_space<vmem>>, vector<1x16xf32>,
      %get3A_778 = vector.shape_cast %get3A_777 : vector<1x16xf32> to vector<16xf32>
      %sub3A_779 = arith.subf %add3A_774, %get3A_778 : vector<16xf32>
      %abs3A_780 = math.absf %sub3A_779 : vector<16xf32>
      %add3A_781 = arith.addf %add3A_765, %abs3A_780 : vector<16xf32>
      %get3A_782 = arith.index_cast %add3A_731 : i32 to index
      %get3A_783 = arith.constant 48 : index
      %get3A_784 = tpu.vector_load %arg11[%get3A_782, %get3A_783] {strides = array<i32>} : memref<512x64xf32, #tpu.memory_space<vmem>>, vector<1x16xf32>,
      %get3A_785 = vector.shape_cast %get3A_784 : vector<1x16xf32> to vector<16xf32>
      %get3A_786 = arith.index_cast %add3A_731 : i32 to index
      %get3A_787 = arith.constant 48 : index
      %get3A_788 = tpu.vector_load %arg12[%get3A_786, %get3A_787] {strides = array<i32>} : memref<512x64xf32, #tpu.memory_space<vmem>>, vector<1x16xf32>,
      %get3A_789 = vector.shape_cast %get3A_788 : vector<1x16xf32> to vector<16xf32>
      %add3A_790 = arith.addf %get3A_785, %get3A_789 : vector<16xf32>
      %get3A_791 = arith.index_cast %add3A_731 : i32 to index
      %get3A_792 = arith.constant 48 : index
      %get3A_793 = tpu.vector_load %arg13[%get3A_791, %get3A_792] {strides = array<i32>} : memref<512x64xf32, #tpu.memory_space<vmem>>, vector<1x16xf32>,
      %get3A_794 = vector.shape_cast %get3A_793 : vector<1x16xf32> to vector<16xf32>
      %sub3A_795 = arith.subf %add3A_790, %get3A_794 : vector<16xf32>
      %abs3A_796 = math.absf %sub3A_795 : vector<16xf32>
      %add3A_797 = arith.addf %add3A_781, %abs3A_796 : vector<16xf32>
      %lt3A_798 = arith.constant 0 : i32
      %lt3A_799 = vector.broadcast %lt3A_798 : i32 to vector<16xi32>
      %lt3A_800 = arith.cmpi slt, %xor3A_242, %lt3A_799 : vector<16xi32>
      %add3A_801 = arith.constant 16 : i32
      %add3A_802 = vector.broadcast %add3A_801 : i32 to vector<16xi32>
      %add3A_803 = arith.addi %xor3A_242, %add3A_802 : vector<16xi32>
      %select_n3A_804 = arith.select %lt3A_800, %add3A_803, %xor3A_242 : vector<16xi1>, vector<16xi32>
      %broadcast_in_dim3A_805 = vector.shape_cast %select_n3A_804 : vector<16xi32> to vector<16x1xi32>
      %gather3A_806 = vector.shape_cast %broadcast_in_dim3A_805 : vector<16x1xi32> to vector<16xi32>
      %gather3A_807 = tpu.dynamic_gather %add3A_797[%gather3A_806] in [0] : vector<16xf32>, vector<16xi32> -> vector<16xf32>
      %add3A_808 = arith.addf %add3A_797, %gather3A_807 : vector<16xf32>
      %lt3A_809 = arith.constant 0 : i32
      %lt3A_810 = vector.broadcast %lt3A_809 : i32 to vector<16xi32>
      %lt3A_811 = arith.cmpi slt, %xor3A_245, %lt3A_810 : vector<16xi32>
      %add3A_812 = arith.constant 16 : i32
      %add3A_813 = vector.broadcast %add3A_812 : i32 to vector<16xi32>
      %add3A_814 = arith.addi %xor3A_245, %add3A_813 : vector<16xi32>
      %select_n3A_815 = arith.select %lt3A_811, %add3A_814, %xor3A_245 : vector<16xi1>, vector<16xi32>
      %broadcast_in_dim3A_816 = vector.shape_cast %select_n3A_815 : vector<16xi32> to vector<16x1xi32>
      %gather3A_817 = vector.shape_cast %broadcast_in_dim3A_816 : vector<16x1xi32> to vector<16xi32>
      %gather3A_818 = tpu.dynamic_gather %add3A_808[%gather3A_817] in [0] : vector<16xf32>, vector<16xi32> -> vector<16xf32>
      %add3A_819 = arith.addf %add3A_808, %gather3A_818 : vector<16xf32>
      %lt3A_820 = arith.constant 0 : i32
      %lt3A_821 = vector.broadcast %lt3A_820 : i32 to vector<16xi32>
      %lt3A_822 = arith.cmpi slt, %xor3A_248, %lt3A_821 : vector<16xi32>
      %add3A_823 = arith.constant 16 : i32
      %add3A_824 = vector.broadcast %add3A_823 : i32 to vector<16xi32>
      %add3A_825 = arith.addi %xor3A_248, %add3A_824 : vector<16xi32>
      %select_n3A_826 = arith.select %lt3A_822, %add3A_825, %xor3A_248 : vector<16xi1>, vector<16xi32>
      %broadcast_in_dim3A_827 = vector.shape_cast %select_n3A_826 : vector<16xi32> to vector<16x1xi32>
      %gather3A_828 = vector.shape_cast %broadcast_in_dim3A_827 : vector<16x1xi32> to vector<16xi32>
      %gather3A_829 = tpu.dynamic_gather %add3A_819[%gather3A_828] in [0] : vector<16xf32>, vector<16xi32> -> vector<16xf32>
      %add3A_830 = arith.addf %add3A_819, %gather3A_829 : vector<16xf32>
      %lt3A_831 = arith.constant 0 : i32
      %lt3A_832 = vector.broadcast %lt3A_831 : i32 to vector<16xi32>
      %lt3A_833 = arith.cmpi slt, %xor3A_251, %lt3A_832 : vector<16xi32>
      %add3A_834 = arith.constant 16 : i32
      %add3A_835 = vector.broadcast %add3A_834 : i32 to vector<16xi32>
      %add3A_836 = arith.addi %xor3A_251, %add3A_835 : vector<16xi32>
      %select_n3A_837 = arith.select %lt3A_833, %add3A_836, %xor3A_251 : vector<16xi1>, vector<16xi32>
      %broadcast_in_dim3A_838 = vector.shape_cast %select_n3A_837 : vector<16xi32> to vector<16x1xi32>
      %gather3A_839 = vector.shape_cast %broadcast_in_dim3A_838 : vector<16x1xi32> to vector<16xi32>
      %gather3A_840 = tpu.dynamic_gather %add3A_830[%gather3A_839] in [0] : vector<16xf32>, vector<16xi32> -> vector<16xf32>
      %add3A_841 = arith.addf %add3A_830, %gather3A_840 : vector<16xf32>
      %eq3A_842 = arith.constant 4 : i32
      %eq3A_843 = vector.broadcast %eq3A_842 : i32 to vector<16xi32>
      %eq3A_844 = arith.cmpi eq, %iota3A, %eq3A_843 : vector<16xi32>
      %select_n3A_845 = arith.select %eq3A_844, %add3A_841, %select_n3A_727 : vector<16xi1>, vector<16xf32>
      %mul3A_846 = arith.constant 16 : i32
      %mul3A_847 = arith.muli %scan3A_260, %mul3A_846 : i32
      %add3A_848 = arith.constant 5 : i32
      %add3A_849 = arith.addi %mul3A_847, %add3A_848 : i32
      %broadcast_in_dim3A_850 = arith.constant 0.000000e+00 : f32
      %broadcast_in_dim3A_851 = vector.broadcast %broadcast_in_dim3A_850 : f32 to vector<16xf32>
      %get3A_852 = arith.index_cast %add3A_849 : i32 to index
      %get3A_853 = arith.constant 0 : index
      %get3A_854 = tpu.vector_load %arg11[%get3A_852, %get3A_853] {strides = array<i32>} : memref<512x64xf32, #tpu.memory_space<vmem>>, vector<1x16xf32>,
      %get3A_855 = vector.shape_cast %get3A_854 : vector<1x16xf32> to vector<16xf32>
      %get3A_856 = arith.index_cast %add3A_849 : i32 to index
      %get3A_857 = arith.constant 0 : index
      %get3A_858 = tpu.vector_load %arg12[%get3A_856, %get3A_857] {strides = array<i32>} : memref<512x64xf32, #tpu.memory_space<vmem>>, vector<1x16xf32>,
      %get3A_859 = vector.shape_cast %get3A_858 : vector<1x16xf32> to vector<16xf32>
      %add3A_860 = arith.addf %get3A_855, %get3A_859 : vector<16xf32>
      %get3A_861 = arith.index_cast %add3A_849 : i32 to index
      %get3A_862 = arith.constant 0 : index
      %get3A_863 = tpu.vector_load %arg13[%get3A_861, %get3A_862] {strides = array<i32>} : memref<512x64xf32, #tpu.memory_space<vmem>>, vector<1x16xf32>,
      %get3A_864 = vector.shape_cast %get3A_863 : vector<1x16xf32> to vector<16xf32>
      %sub3A_865 = arith.subf %add3A_860, %get3A_864 : vector<16xf32>
      %abs3A_866 = math.absf %sub3A_865 : vector<16xf32>
      %add3A_867 = arith.addf %broadcast_in_dim3A_851, %abs3A_866 : vector<16xf32>
      %get3A_868 = arith.index_cast %add3A_849 : i32 to index
      %get3A_869 = arith.constant 16 : index
      %get3A_870 = tpu.vector_load %arg11[%get3A_868, %get3A_869] {strides = array<i32>} : memref<512x64xf32, #tpu.memory_space<vmem>>, vector<1x16xf32>,
      %get3A_871 = vector.shape_cast %get3A_870 : vector<1x16xf32> to vector<16xf32>
      %get3A_872 = arith.index_cast %add3A_849 : i32 to index
      %get3A_873 = arith.constant 16 : index
      %get3A_874 = tpu.vector_load %arg12[%get3A_872, %get3A_873] {strides = array<i32>} : memref<512x64xf32, #tpu.memory_space<vmem>>, vector<1x16xf32>,
      %get3A_875 = vector.shape_cast %get3A_874 : vector<1x16xf32> to vector<16xf32>
      %add3A_876 = arith.addf %get3A_871, %get3A_875 : vector<16xf32>
      %get3A_877 = arith.index_cast %add3A_849 : i32 to index
      %get3A_878 = arith.constant 16 : index
      %get3A_879 = tpu.vector_load %arg13[%get3A_877, %get3A_878] {strides = array<i32>} : memref<512x64xf32, #tpu.memory_space<vmem>>, vector<1x16xf32>,
      %get3A_880 = vector.shape_cast %get3A_879 : vector<1x16xf32> to vector<16xf32>
      %sub3A_881 = arith.subf %add3A_876, %get3A_880 : vector<16xf32>
      %abs3A_882 = math.absf %sub3A_881 : vector<16xf32>
      %add3A_883 = arith.addf %add3A_867, %abs3A_882 : vector<16xf32>
      %get3A_884 = arith.index_cast %add3A_849 : i32 to index
      %get3A_885 = arith.constant 32 : index
      %get3A_886 = tpu.vector_load %arg11[%get3A_884, %get3A_885] {strides = array<i32>} : memref<512x64xf32, #tpu.memory_space<vmem>>, vector<1x16xf32>,
      %get3A_887 = vector.shape_cast %get3A_886 : vector<1x16xf32> to vector<16xf32>
      %get3A_888 = arith.index_cast %add3A_849 : i32 to index
      %get3A_889 = arith.constant 32 : index
      %get3A_890 = tpu.vector_load %arg12[%get3A_888, %get3A_889] {strides = array<i32>} : memref<512x64xf32, #tpu.memory_space<vmem>>, vector<1x16xf32>,
      %get3A_891 = vector.shape_cast %get3A_890 : vector<1x16xf32> to vector<16xf32>
      %add3A_892 = arith.addf %get3A_887, %get3A_891 : vector<16xf32>
      %get3A_893 = arith.index_cast %add3A_849 : i32 to index
      %get3A_894 = arith.constant 32 : index
      %get3A_895 = tpu.vector_load %arg13[%get3A_893, %get3A_894] {strides = array<i32>} : memref<512x64xf32, #tpu.memory_space<vmem>>, vector<1x16xf32>,
      %get3A_896 = vector.shape_cast %get3A_895 : vector<1x16xf32> to vector<16xf32>
      %sub3A_897 = arith.subf %add3A_892, %get3A_896 : vector<16xf32>
      %abs3A_898 = math.absf %sub3A_897 : vector<16xf32>
      %add3A_899 = arith.addf %add3A_883, %abs3A_898 : vector<16xf32>
      %get3A_900 = arith.index_cast %add3A_849 : i32 to index
      %get3A_901 = arith.constant 48 : index
      %get3A_902 = tpu.vector_load %arg11[%get3A_900, %get3A_901] {strides = array<i32>} : memref<512x64xf32, #tpu.memory_space<vmem>>, vector<1x16xf32>,
      %get3A_903 = vector.shape_cast %get3A_902 : vector<1x16xf32> to vector<16xf32>
      %get3A_904 = arith.index_cast %add3A_849 : i32 to index
      %get3A_905 = arith.constant 48 : index
      %get3A_906 = tpu.vector_load %arg12[%get3A_904, %get3A_905] {strides = array<i32>} : memref<512x64xf32, #tpu.memory_space<vmem>>, vector<1x16xf32>,
      %get3A_907 = vector.shape_cast %get3A_906 : vector<1x16xf32> to vector<16xf32>
      %add3A_908 = arith.addf %get3A_903, %get3A_907 : vector<16xf32>
      %get3A_909 = arith.index_cast %add3A_849 : i32 to index
      %get3A_910 = arith.constant 48 : index
      %get3A_911 = tpu.vector_load %arg13[%get3A_909, %get3A_910] {strides = array<i32>} : memref<512x64xf32, #tpu.memory_space<vmem>>, vector<1x16xf32>,
      %get3A_912 = vector.shape_cast %get3A_911 : vector<1x16xf32> to vector<16xf32>
      %sub3A_913 = arith.subf %add3A_908, %get3A_912 : vector<16xf32>
      %abs3A_914 = math.absf %sub3A_913 : vector<16xf32>
      %add3A_915 = arith.addf %add3A_899, %abs3A_914 : vector<16xf32>
      %lt3A_916 = arith.constant 0 : i32
      %lt3A_917 = vector.broadcast %lt3A_916 : i32 to vector<16xi32>
      %lt3A_918 = arith.cmpi slt, %xor3A_242, %lt3A_917 : vector<16xi32>
      %add3A_919 = arith.constant 16 : i32
      %add3A_920 = vector.broadcast %add3A_919 : i32 to vector<16xi32>
      %add3A_921 = arith.addi %xor3A_242, %add3A_920 : vector<16xi32>
      %select_n3A_922 = arith.select %lt3A_918, %add3A_921, %xor3A_242 : vector<16xi1>, vector<16xi32>
      %broadcast_in_dim3A_923 = vector.shape_cast %select_n3A_922 : vector<16xi32> to vector<16x1xi32>
      %gather3A_924 = vector.shape_cast %broadcast_in_dim3A_923 : vector<16x1xi32> to vector<16xi32>
      %gather3A_925 = tpu.dynamic_gather %add3A_915[%gather3A_924] in [0] : vector<16xf32>, vector<16xi32> -> vector<16xf32>
      %add3A_926 = arith.addf %add3A_915, %gather3A_925 : vector<16xf32>
      %lt3A_927 = arith.constant 0 : i32
      %lt3A_928 = vector.broadcast %lt3A_927 : i32 to vector<16xi32>
      %lt3A_929 = arith.cmpi slt, %xor3A_245, %lt3A_928 : vector<16xi32>
      %add3A_930 = arith.constant 16 : i32
      %add3A_931 = vector.broadcast %add3A_930 : i32 to vector<16xi32>
      %add3A_932 = arith.addi %xor3A_245, %add3A_931 : vector<16xi32>
      %select_n3A_933 = arith.select %lt3A_929, %add3A_932, %xor3A_245 : vector<16xi1>, vector<16xi32>
      %broadcast_in_dim3A_934 = vector.shape_cast %select_n3A_933 : vector<16xi32> to vector<16x1xi32>
      %gather3A_935 = vector.shape_cast %broadcast_in_dim3A_934 : vector<16x1xi32> to vector<16xi32>
      %gather3A_936 = tpu.dynamic_gather %add3A_926[%gather3A_935] in [0] : vector<16xf32>, vector<16xi32> -> vector<16xf32>
      %add3A_937 = arith.addf %add3A_926, %gather3A_936 : vector<16xf32>
      %lt3A_938 = arith.constant 0 : i32
      %lt3A_939 = vector.broadcast %lt3A_938 : i32 to vector<16xi32>
      %lt3A_940 = arith.cmpi slt, %xor3A_248, %lt3A_939 : vector<16xi32>
      %add3A_941 = arith.constant 16 : i32
      %add3A_942 = vector.broadcast %add3A_941 : i32 to vector<16xi32>
      %add3A_943 = arith.addi %xor3A_248, %add3A_942 : vector<16xi32>
      %select_n3A_944 = arith.select %lt3A_940, %add3A_943, %xor3A_248 : vector<16xi1>, vector<16xi32>
      %broadcast_in_dim3A_945 = vector.shape_cast %select_n3A_944 : vector<16xi32> to vector<16x1xi32>
      %gather3A_946 = vector.shape_cast %broadcast_in_dim3A_945 : vector<16x1xi32> to vector<16xi32>
      %gather3A_947 = tpu.dynamic_gather %add3A_937[%gather3A_946] in [0] : vector<16xf32>, vector<16xi32> -> vector<16xf32>
      %add3A_948 = arith.addf %add3A_937, %gather3A_947 : vector<16xf32>
      %lt3A_949 = arith.constant 0 : i32
      %lt3A_950 = vector.broadcast %lt3A_949 : i32 to vector<16xi32>
      %lt3A_951 = arith.cmpi slt, %xor3A_251, %lt3A_950 : vector<16xi32>
      %add3A_952 = arith.constant 16 : i32
      %add3A_953 = vector.broadcast %add3A_952 : i32 to vector<16xi32>
      %add3A_954 = arith.addi %xor3A_251, %add3A_953 : vector<16xi32>
      %select_n3A_955 = arith.select %lt3A_951, %add3A_954, %xor3A_251 : vector<16xi1>, vector<16xi32>
      %broadcast_in_dim3A_956 = vector.shape_cast %select_n3A_955 : vector<16xi32> to vector<16x1xi32>
      %gather3A_957 = vector.shape_cast %broadcast_in_dim3A_956 : vector<16x1xi32> to vector<16xi32>
      %gather3A_958 = tpu.dynamic_gather %add3A_948[%gather3A_957] in [0] : vector<16xf32>, vector<16xi32> -> vector<16xf32>
      %add3A_959 = arith.addf %add3A_948, %gather3A_958 : vector<16xf32>
      %eq3A_960 = arith.constant 5 : i32
      %eq3A_961 = vector.broadcast %eq3A_960 : i32 to vector<16xi32>
      %eq3A_962 = arith.cmpi eq, %iota3A, %eq3A_961 : vector<16xi32>
      %select_n3A_963 = arith.select %eq3A_962, %add3A_959, %select_n3A_845 : vector<16xi1>, vector<16xf32>
      %mul3A_964 = arith.constant 16 : i32
      %mul3A_965 = arith.muli %scan3A_260, %mul3A_964 : i32
      %add3A_966 = arith.constant 6 : i32
      %add3A_967 = arith.addi %mul3A_965, %add3A_966 : i32
      %broadcast_in_dim3A_968 = arith.constant 0.000000e+00 : f32
      %broadcast_in_dim3A_969 = vector.broadcast %broadcast_in_dim3A_968 : f32 to vector<16xf32>
      %get3A_970 = arith.index_cast %add3A_967 : i32 to index
      %get3A_971 = arith.constant 0 : index
      %get3A_972 = tpu.vector_load %arg11[%get3A_970, %get3A_971] {strides = array<i32>} : memref<512x64xf32, #tpu.memory_space<vmem>>, vector<1x16xf32>,
      %get3A_973 = vector.shape_cast %get3A_972 : vector<1x16xf32> to vector<16xf32>
      %get3A_974 = arith.index_cast %add3A_967 : i32 to index
      %get3A_975 = arith.constant 0 : index
      %get3A_976 = tpu.vector_load %arg12[%get3A_974, %get3A_975] {strides = array<i32>} : memref<512x64xf32, #tpu.memory_space<vmem>>, vector<1x16xf32>,
      %get3A_977 = vector.shape_cast %get3A_976 : vector<1x16xf32> to vector<16xf32>
      %add3A_978 = arith.addf %get3A_973, %get3A_977 : vector<16xf32>
      %get3A_979 = arith.index_cast %add3A_967 : i32 to index
      %get3A_980 = arith.constant 0 : index
      %get3A_981 = tpu.vector_load %arg13[%get3A_979, %get3A_980] {strides = array<i32>} : memref<512x64xf32, #tpu.memory_space<vmem>>, vector<1x16xf32>,
      %get3A_982 = vector.shape_cast %get3A_981 : vector<1x16xf32> to vector<16xf32>
      %sub3A_983 = arith.subf %add3A_978, %get3A_982 : vector<16xf32>
      %abs3A_984 = math.absf %sub3A_983 : vector<16xf32>
      %add3A_985 = arith.addf %broadcast_in_dim3A_969, %abs3A_984 : vector<16xf32>
      %get3A_986 = arith.index_cast %add3A_967 : i32 to index
      %get3A_987 = arith.constant 16 : index
      %get3A_988 = tpu.vector_load %arg11[%get3A_986, %get3A_987] {strides = array<i32>} : memref<512x64xf32, #tpu.memory_space<vmem>>, vector<1x16xf32>,
      %get3A_989 = vector.shape_cast %get3A_988 : vector<1x16xf32> to vector<16xf32>
      %get3A_990 = arith.index_cast %add3A_967 : i32 to index
      %get3A_991 = arith.constant 16 : index
      %get3A_992 = tpu.vector_load %arg12[%get3A_990, %get3A_991] {strides = array<i32>} : memref<512x64xf32, #tpu.memory_space<vmem>>, vector<1x16xf32>,
      %get3A_993 = vector.shape_cast %get3A_992 : vector<1x16xf32> to vector<16xf32>
      %add3A_994 = arith.addf %get3A_989, %get3A_993 : vector<16xf32>
      %get3A_995 = arith.index_cast %add3A_967 : i32 to index
      %get3A_996 = arith.constant 16 : index
      %get3A_997 = tpu.vector_load %arg13[%get3A_995, %get3A_996] {strides = array<i32>} : memref<512x64xf32, #tpu.memory_space<vmem>>, vector<1x16xf32>,
      %get3A_998 = vector.shape_cast %get3A_997 : vector<1x16xf32> to vector<16xf32>
      %sub3A_999 = arith.subf %add3A_994, %get3A_998 : vector<16xf32>
      %abs3A_1000 = math.absf %sub3A_999 : vector<16xf32>
      %add3A_1001 = arith.addf %add3A_985, %abs3A_1000 : vector<16xf32>
      %get3A_1002 = arith.index_cast %add3A_967 : i32 to index
      %get3A_1003 = arith.constant 32 : index
      %get3A_1004 = tpu.vector_load %arg11[%get3A_1002, %get3A_1003] {strides = array<i32>} : memref<512x64xf32, #tpu.memory_space<vmem>>, vector<1x16xf32>,
      %get3A_1005 = vector.shape_cast %get3A_1004 : vector<1x16xf32> to vector<16xf32>
      %get3A_1006 = arith.index_cast %add3A_967 : i32 to index
      %get3A_1007 = arith.constant 32 : index
      %get3A_1008 = tpu.vector_load %arg12[%get3A_1006, %get3A_1007] {strides = array<i32>} : memref<512x64xf32, #tpu.memory_space<vmem>>, vector<1x16xf32>,
      %get3A_1009 = vector.shape_cast %get3A_1008 : vector<1x16xf32> to vector<16xf32>
      %add3A_1010 = arith.addf %get3A_1005, %get3A_1009 : vector<16xf32>
      %get3A_1011 = arith.index_cast %add3A_967 : i32 to index
      %get3A_1012 = arith.constant 32 : index
      %get3A_1013 = tpu.vector_load %arg13[%get3A_1011, %get3A_1012] {strides = array<i32>} : memref<512x64xf32, #tpu.memory_space<vmem>>, vector<1x16xf32>,
      %get3A_1014 = vector.shape_cast %get3A_1013 : vector<1x16xf32> to vector<16xf32>
      %sub3A_1015 = arith.subf %add3A_1010, %get3A_1014 : vector<16xf32>
      %abs3A_1016 = math.absf %sub3A_1015 : vector<16xf32>
      %add3A_1017 = arith.addf %add3A_1001, %abs3A_1016 : vector<16xf32>
      %get3A_1018 = arith.index_cast %add3A_967 : i32 to index
      %get3A_1019 = arith.constant 48 : index
      %get3A_1020 = tpu.vector_load %arg11[%get3A_1018, %get3A_1019] {strides = array<i32>} : memref<512x64xf32, #tpu.memory_space<vmem>>, vector<1x16xf32>,
      %get3A_1021 = vector.shape_cast %get3A_1020 : vector<1x16xf32> to vector<16xf32>
      %get3A_1022 = arith.index_cast %add3A_967 : i32 to index
      %get3A_1023 = arith.constant 48 : index
      %get3A_1024 = tpu.vector_load %arg12[%get3A_1022, %get3A_1023] {strides = array<i32>} : memref<512x64xf32, #tpu.memory_space<vmem>>, vector<1x16xf32>,
      %get3A_1025 = vector.shape_cast %get3A_1024 : vector<1x16xf32> to vector<16xf32>
      %add3A_1026 = arith.addf %get3A_1021, %get3A_1025 : vector<16xf32>
      %get3A_1027 = arith.index_cast %add3A_967 : i32 to index
      %get3A_1028 = arith.constant 48 : index
      %get3A_1029 = tpu.vector_load %arg13[%get3A_1027, %get3A_1028] {strides = array<i32>} : memref<512x64xf32, #tpu.memory_space<vmem>>, vector<1x16xf32>,
      %get3A_1030 = vector.shape_cast %get3A_1029 : vector<1x16xf32> to vector<16xf32>
      %sub3A_1031 = arith.subf %add3A_1026, %get3A_1030 : vector<16xf32>
      %abs3A_1032 = math.absf %sub3A_1031 : vector<16xf32>
      %add3A_1033 = arith.addf %add3A_1017, %abs3A_1032 : vector<16xf32>
      %lt3A_1034 = arith.constant 0 : i32
      %lt3A_1035 = vector.broadcast %lt3A_1034 : i32 to vector<16xi32>
      %lt3A_1036 = arith.cmpi slt, %xor3A_242, %lt3A_1035 : vector<16xi32>
      %add3A_1037 = arith.constant 16 : i32
      %add3A_1038 = vector.broadcast %add3A_1037 : i32 to vector<16xi32>
      %add3A_1039 = arith.addi %xor3A_242, %add3A_1038 : vector<16xi32>
      %select_n3A_1040 = arith.select %lt3A_1036, %add3A_1039, %xor3A_242 : vector<16xi1>, vector<16xi32>
      %broadcast_in_dim3A_1041 = vector.shape_cast %select_n3A_1040 : vector<16xi32> to vector<16x1xi32>
      %gather3A_1042 = vector.shape_cast %broadcast_in_dim3A_1041 : vector<16x1xi32> to vector<16xi32>
      %gather3A_1043 = tpu.dynamic_gather %add3A_1033[%gather3A_1042] in [0] : vector<16xf32>, vector<16xi32> -> vector<16xf32>
      %add3A_1044 = arith.addf %add3A_1033, %gather3A_1043 : vector<16xf32>
      %lt3A_1045 = arith.constant 0 : i32
      %lt3A_1046 = vector.broadcast %lt3A_1045 : i32 to vector<16xi32>
      %lt3A_1047 = arith.cmpi slt, %xor3A_245, %lt3A_1046 : vector<16xi32>
      %add3A_1048 = arith.constant 16 : i32
      %add3A_1049 = vector.broadcast %add3A_1048 : i32 to vector<16xi32>
      %add3A_1050 = arith.addi %xor3A_245, %add3A_1049 : vector<16xi32>
      %select_n3A_1051 = arith.select %lt3A_1047, %add3A_1050, %xor3A_245 : vector<16xi1>, vector<16xi32>
      %broadcast_in_dim3A_1052 = vector.shape_cast %select_n3A_1051 : vector<16xi32> to vector<16x1xi32>
      %gather3A_1053 = vector.shape_cast %broadcast_in_dim3A_1052 : vector<16x1xi32> to vector<16xi32>
      %gather3A_1054 = tpu.dynamic_gather %add3A_1044[%gather3A_1053] in [0] : vector<16xf32>, vector<16xi32> -> vector<16xf32>
      %add3A_1055 = arith.addf %add3A_1044, %gather3A_1054 : vector<16xf32>
      %lt3A_1056 = arith.constant 0 : i32
      %lt3A_1057 = vector.broadcast %lt3A_1056 : i32 to vector<16xi32>
      %lt3A_1058 = arith.cmpi slt, %xor3A_248, %lt3A_1057 : vector<16xi32>
      %add3A_1059 = arith.constant 16 : i32
      %add3A_1060 = vector.broadcast %add3A_1059 : i32 to vector<16xi32>
      %add3A_1061 = arith.addi %xor3A_248, %add3A_1060 : vector<16xi32>
      %select_n3A_1062 = arith.select %lt3A_1058, %add3A_1061, %xor3A_248 : vector<16xi1>, vector<16xi32>
      %broadcast_in_dim3A_1063 = vector.shape_cast %select_n3A_1062 : vector<16xi32> to vector<16x1xi32>
      %gather3A_1064 = vector.shape_cast %broadcast_in_dim3A_1063 : vector<16x1xi32> to vector<16xi32>
      %gather3A_1065 = tpu.dynamic_gather %add3A_1055[%gather3A_1064] in [0] : vector<16xf32>, vector<16xi32> -> vector<16xf32>
      %add3A_1066 = arith.addf %add3A_1055, %gather3A_1065 : vector<16xf32>
      %lt3A_1067 = arith.constant 0 : i32
      %lt3A_1068 = vector.broadcast %lt3A_1067 : i32 to vector<16xi32>
      %lt3A_1069 = arith.cmpi slt, %xor3A_251, %lt3A_1068 : vector<16xi32>
      %add3A_1070 = arith.constant 16 : i32
      %add3A_1071 = vector.broadcast %add3A_1070 : i32 to vector<16xi32>
      %add3A_1072 = arith.addi %xor3A_251, %add3A_1071 : vector<16xi32>
      %select_n3A_1073 = arith.select %lt3A_1069, %add3A_1072, %xor3A_251 : vector<16xi1>, vector<16xi32>
      %broadcast_in_dim3A_1074 = vector.shape_cast %select_n3A_1073 : vector<16xi32> to vector<16x1xi32>
      %gather3A_1075 = vector.shape_cast %broadcast_in_dim3A_1074 : vector<16x1xi32> to vector<16xi32>
      %gather3A_1076 = tpu.dynamic_gather %add3A_1066[%gather3A_1075] in [0] : vector<16xf32>, vector<16xi32> -> vector<16xf32>
      %add3A_1077 = arith.addf %add3A_1066, %gather3A_1076 : vector<16xf32>
      %eq3A_1078 = arith.constant 6 : i32
      %eq3A_1079 = vector.broadcast %eq3A_1078 : i32 to vector<16xi32>
      %eq3A_1080 = arith.cmpi eq, %iota3A, %eq3A_1079 : vector<16xi32>
      %select_n3A_1081 = arith.select %eq3A_1080, %add3A_1077, %select_n3A_963 : vector<16xi1>, vector<16xf32>
      %mul3A_1082 = arith.constant 16 : i32
      %mul3A_1083 = arith.muli %scan3A_260, %mul3A_1082 : i32
      %add3A_1084 = arith.constant 7 : i32
      %add3A_1085 = arith.addi %mul3A_1083, %add3A_1084 : i32
      %broadcast_in_dim3A_1086 = arith.constant 0.000000e+00 : f32
      %broadcast_in_dim3A_1087 = vector.broadcast %broadcast_in_dim3A_1086 : f32 to vector<16xf32>
      %get3A_1088 = arith.index_cast %add3A_1085 : i32 to index
      %get3A_1089 = arith.constant 0 : index
      %get3A_1090 = tpu.vector_load %arg11[%get3A_1088, %get3A_1089] {strides = array<i32>} : memref<512x64xf32, #tpu.memory_space<vmem>>, vector<1x16xf32>,
      %get3A_1091 = vector.shape_cast %get3A_1090 : vector<1x16xf32> to vector<16xf32>
      %get3A_1092 = arith.index_cast %add3A_1085 : i32 to index
      %get3A_1093 = arith.constant 0 : index
      %get3A_1094 = tpu.vector_load %arg12[%get3A_1092, %get3A_1093] {strides = array<i32>} : memref<512x64xf32, #tpu.memory_space<vmem>>, vector<1x16xf32>,
      %get3A_1095 = vector.shape_cast %get3A_1094 : vector<1x16xf32> to vector<16xf32>
      %add3A_1096 = arith.addf %get3A_1091, %get3A_1095 : vector<16xf32>
      %get3A_1097 = arith.index_cast %add3A_1085 : i32 to index
      %get3A_1098 = arith.constant 0 : index
      %get3A_1099 = tpu.vector_load %arg13[%get3A_1097, %get3A_1098] {strides = array<i32>} : memref<512x64xf32, #tpu.memory_space<vmem>>, vector<1x16xf32>,
      %get3A_1100 = vector.shape_cast %get3A_1099 : vector<1x16xf32> to vector<16xf32>
      %sub3A_1101 = arith.subf %add3A_1096, %get3A_1100 : vector<16xf32>
      %abs3A_1102 = math.absf %sub3A_1101 : vector<16xf32>
      %add3A_1103 = arith.addf %broadcast_in_dim3A_1087, %abs3A_1102 : vector<16xf32>
      %get3A_1104 = arith.index_cast %add3A_1085 : i32 to index
      %get3A_1105 = arith.constant 16 : index
      %get3A_1106 = tpu.vector_load %arg11[%get3A_1104, %get3A_1105] {strides = array<i32>} : memref<512x64xf32, #tpu.memory_space<vmem>>, vector<1x16xf32>,
      %get3A_1107 = vector.shape_cast %get3A_1106 : vector<1x16xf32> to vector<16xf32>
      %get3A_1108 = arith.index_cast %add3A_1085 : i32 to index
      %get3A_1109 = arith.constant 16 : index
      %get3A_1110 = tpu.vector_load %arg12[%get3A_1108, %get3A_1109] {strides = array<i32>} : memref<512x64xf32, #tpu.memory_space<vmem>>, vector<1x16xf32>,
      %get3A_1111 = vector.shape_cast %get3A_1110 : vector<1x16xf32> to vector<16xf32>
      %add3A_1112 = arith.addf %get3A_1107, %get3A_1111 : vector<16xf32>
      %get3A_1113 = arith.index_cast %add3A_1085 : i32 to index
      %get3A_1114 = arith.constant 16 : index
      %get3A_1115 = tpu.vector_load %arg13[%get3A_1113, %get3A_1114] {strides = array<i32>} : memref<512x64xf32, #tpu.memory_space<vmem>>, vector<1x16xf32>,
      %get3A_1116 = vector.shape_cast %get3A_1115 : vector<1x16xf32> to vector<16xf32>
      %sub3A_1117 = arith.subf %add3A_1112, %get3A_1116 : vector<16xf32>
      %abs3A_1118 = math.absf %sub3A_1117 : vector<16xf32>
      %add3A_1119 = arith.addf %add3A_1103, %abs3A_1118 : vector<16xf32>
      %get3A_1120 = arith.index_cast %add3A_1085 : i32 to index
      %get3A_1121 = arith.constant 32 : index
      %get3A_1122 = tpu.vector_load %arg11[%get3A_1120, %get3A_1121] {strides = array<i32>} : memref<512x64xf32, #tpu.memory_space<vmem>>, vector<1x16xf32>,
      %get3A_1123 = vector.shape_cast %get3A_1122 : vector<1x16xf32> to vector<16xf32>
      %get3A_1124 = arith.index_cast %add3A_1085 : i32 to index
      %get3A_1125 = arith.constant 32 : index
      %get3A_1126 = tpu.vector_load %arg12[%get3A_1124, %get3A_1125] {strides = array<i32>} : memref<512x64xf32, #tpu.memory_space<vmem>>, vector<1x16xf32>,
      %get3A_1127 = vector.shape_cast %get3A_1126 : vector<1x16xf32> to vector<16xf32>
      %add3A_1128 = arith.addf %get3A_1123, %get3A_1127 : vector<16xf32>
      %get3A_1129 = arith.index_cast %add3A_1085 : i32 to index
      %get3A_1130 = arith.constant 32 : index
      %get3A_1131 = tpu.vector_load %arg13[%get3A_1129, %get3A_1130] {strides = array<i32>} : memref<512x64xf32, #tpu.memory_space<vmem>>, vector<1x16xf32>,
      %get3A_1132 = vector.shape_cast %get3A_1131 : vector<1x16xf32> to vector<16xf32>
      %sub3A_1133 = arith.subf %add3A_1128, %get3A_1132 : vector<16xf32>
      %abs3A_1134 = math.absf %sub3A_1133 : vector<16xf32>
      %add3A_1135 = arith.addf %add3A_1119, %abs3A_1134 : vector<16xf32>
      %get3A_1136 = arith.index_cast %add3A_1085 : i32 to index
      %get3A_1137 = arith.constant 48 : index
      %get3A_1138 = tpu.vector_load %arg11[%get3A_1136, %get3A_1137] {strides = array<i32>} : memref<512x64xf32, #tpu.memory_space<vmem>>, vector<1x16xf32>,
      %get3A_1139 = vector.shape_cast %get3A_1138 : vector<1x16xf32> to vector<16xf32>
      %get3A_1140 = arith.index_cast %add3A_1085 : i32 to index
      %get3A_1141 = arith.constant 48 : index
      %get3A_1142 = tpu.vector_load %arg12[%get3A_1140, %get3A_1141] {strides = array<i32>} : memref<512x64xf32, #tpu.memory_space<vmem>>, vector<1x16xf32>,
      %get3A_1143 = vector.shape_cast %get3A_1142 : vector<1x16xf32> to vector<16xf32>
      %add3A_1144 = arith.addf %get3A_1139, %get3A_1143 : vector<16xf32>
      %get3A_1145 = arith.index_cast %add3A_1085 : i32 to index
      %get3A_1146 = arith.constant 48 : index
      %get3A_1147 = tpu.vector_load %arg13[%get3A_1145, %get3A_1146] {strides = array<i32>} : memref<512x64xf32, #tpu.memory_space<vmem>>, vector<1x16xf32>,
      %get3A_1148 = vector.shape_cast %get3A_1147 : vector<1x16xf32> to vector<16xf32>
      %sub3A_1149 = arith.subf %add3A_1144, %get3A_1148 : vector<16xf32>
      %abs3A_1150 = math.absf %sub3A_1149 : vector<16xf32>
      %add3A_1151 = arith.addf %add3A_1135, %abs3A_1150 : vector<16xf32>
      %lt3A_1152 = arith.constant 0 : i32
      %lt3A_1153 = vector.broadcast %lt3A_1152 : i32 to vector<16xi32>
      %lt3A_1154 = arith.cmpi slt, %xor3A_242, %lt3A_1153 : vector<16xi32>
      %add3A_1155 = arith.constant 16 : i32
      %add3A_1156 = vector.broadcast %add3A_1155 : i32 to vector<16xi32>
      %add3A_1157 = arith.addi %xor3A_242, %add3A_1156 : vector<16xi32>
      %select_n3A_1158 = arith.select %lt3A_1154, %add3A_1157, %xor3A_242 : vector<16xi1>, vector<16xi32>
      %broadcast_in_dim3A_1159 = vector.shape_cast %select_n3A_1158 : vector<16xi32> to vector<16x1xi32>
      %gather3A_1160 = vector.shape_cast %broadcast_in_dim3A_1159 : vector<16x1xi32> to vector<16xi32>
      %gather3A_1161 = tpu.dynamic_gather %add3A_1151[%gather3A_1160] in [0] : vector<16xf32>, vector<16xi32> -> vector<16xf32>
      %add3A_1162 = arith.addf %add3A_1151, %gather3A_1161 : vector<16xf32>
      %lt3A_1163 = arith.constant 0 : i32
      %lt3A_1164 = vector.broadcast %lt3A_1163 : i32 to vector<16xi32>
      %lt3A_1165 = arith.cmpi slt, %xor3A_245, %lt3A_1164 : vector<16xi32>
      %add3A_1166 = arith.constant 16 : i32
      %add3A_1167 = vector.broadcast %add3A_1166 : i32 to vector<16xi32>
      %add3A_1168 = arith.addi %xor3A_245, %add3A_1167 : vector<16xi32>
      %select_n3A_1169 = arith.select %lt3A_1165, %add3A_1168, %xor3A_245 : vector<16xi1>, vector<16xi32>
      %broadcast_in_dim3A_1170 = vector.shape_cast %select_n3A_1169 : vector<16xi32> to vector<16x1xi32>
      %gather3A_1171 = vector.shape_cast %broadcast_in_dim3A_1170 : vector<16x1xi32> to vector<16xi32>
      %gather3A_1172 = tpu.dynamic_gather %add3A_1162[%gather3A_1171] in [0] : vector<16xf32>, vector<16xi32> -> vector<16xf32>
      %add3A_1173 = arith.addf %add3A_1162, %gather3A_1172 : vector<16xf32>
      %lt3A_1174 = arith.constant 0 : i32
      %lt3A_1175 = vector.broadcast %lt3A_1174 : i32 to vector<16xi32>
      %lt3A_1176 = arith.cmpi slt, %xor3A_248, %lt3A_1175 : vector<16xi32>
      %add3A_1177 = arith.constant 16 : i32
      %add3A_1178 = vector.broadcast %add3A_1177 : i32 to vector<16xi32>
      %add3A_1179 = arith.addi %xor3A_248, %add3A_1178 : vector<16xi32>
      %select_n3A_1180 = arith.select %lt3A_1176, %add3A_1179, %xor3A_248 : vector<16xi1>, vector<16xi32>
      %broadcast_in_dim3A_1181 = vector.shape_cast %select_n3A_1180 : vector<16xi32> to vector<16x1xi32>
      %gather3A_1182 = vector.shape_cast %broadcast_in_dim3A_1181 : vector<16x1xi32> to vector<16xi32>
      %gather3A_1183 = tpu.dynamic_gather %add3A_1173[%gather3A_1182] in [0] : vector<16xf32>, vector<16xi32> -> vector<16xf32>
      %add3A_1184 = arith.addf %add3A_1173, %gather3A_1183 : vector<16xf32>
      %lt3A_1185 = arith.constant 0 : i32
      %lt3A_1186 = vector.broadcast %lt3A_1185 : i32 to vector<16xi32>
      %lt3A_1187 = arith.cmpi slt, %xor3A_251, %lt3A_1186 : vector<16xi32>
      %add3A_1188 = arith.constant 16 : i32
      %add3A_1189 = vector.broadcast %add3A_1188 : i32 to vector<16xi32>
      %add3A_1190 = arith.addi %xor3A_251, %add3A_1189 : vector<16xi32>
      %select_n3A_1191 = arith.select %lt3A_1187, %add3A_1190, %xor3A_251 : vector<16xi1>, vector<16xi32>
      %broadcast_in_dim3A_1192 = vector.shape_cast %select_n3A_1191 : vector<16xi32> to vector<16x1xi32>
      %gather3A_1193 = vector.shape_cast %broadcast_in_dim3A_1192 : vector<16x1xi32> to vector<16xi32>
      %gather3A_1194 = tpu.dynamic_gather %add3A_1184[%gather3A_1193] in [0] : vector<16xf32>, vector<16xi32> -> vector<16xf32>
      %add3A_1195 = arith.addf %add3A_1184, %gather3A_1194 : vector<16xf32>
      %eq3A_1196 = arith.constant 7 : i32
      %eq3A_1197 = vector.broadcast %eq3A_1196 : i32 to vector<16xi32>
      %eq3A_1198 = arith.cmpi eq, %iota3A, %eq3A_1197 : vector<16xi32>
      %select_n3A_1199 = arith.select %eq3A_1198, %add3A_1195, %select_n3A_1081 : vector<16xi1>, vector<16xf32>
      %mul3A_1200 = arith.constant 16 : i32
      %mul3A_1201 = arith.muli %scan3A_260, %mul3A_1200 : i32
      %add3A_1202 = arith.constant 8 : i32
      %add3A_1203 = arith.addi %mul3A_1201, %add3A_1202 : i32
      %broadcast_in_dim3A_1204 = arith.constant 0.000000e+00 : f32
      %broadcast_in_dim3A_1205 = vector.broadcast %broadcast_in_dim3A_1204 : f32 to vector<16xf32>
      %get3A_1206 = arith.index_cast %add3A_1203 : i32 to index
      %get3A_1207 = arith.constant 0 : index
      %get3A_1208 = tpu.vector_load %arg11[%get3A_1206, %get3A_1207] {strides = array<i32>} : memref<512x64xf32, #tpu.memory_space<vmem>>, vector<1x16xf32>,
      %get3A_1209 = vector.shape_cast %get3A_1208 : vector<1x16xf32> to vector<16xf32>
      %get3A_1210 = arith.index_cast %add3A_1203 : i32 to index
      %get3A_1211 = arith.constant 0 : index
      %get3A_1212 = tpu.vector_load %arg12[%get3A_1210, %get3A_1211] {strides = array<i32>} : memref<512x64xf32, #tpu.memory_space<vmem>>, vector<1x16xf32>,
      %get3A_1213 = vector.shape_cast %get3A_1212 : vector<1x16xf32> to vector<16xf32>
      %add3A_1214 = arith.addf %get3A_1209, %get3A_1213 : vector<16xf32>
      %get3A_1215 = arith.index_cast %add3A_1203 : i32 to index
      %get3A_1216 = arith.constant 0 : index
      %get3A_1217 = tpu.vector_load %arg13[%get3A_1215, %get3A_1216] {strides = array<i32>} : memref<512x64xf32, #tpu.memory_space<vmem>>, vector<1x16xf32>,
      %get3A_1218 = vector.shape_cast %get3A_1217 : vector<1x16xf32> to vector<16xf32>
      %sub3A_1219 = arith.subf %add3A_1214, %get3A_1218 : vector<16xf32>
      %abs3A_1220 = math.absf %sub3A_1219 : vector<16xf32>
      %add3A_1221 = arith.addf %broadcast_in_dim3A_1205, %abs3A_1220 : vector<16xf32>
      %get3A_1222 = arith.index_cast %add3A_1203 : i32 to index
      %get3A_1223 = arith.constant 16 : index
      %get3A_1224 = tpu.vector_load %arg11[%get3A_1222, %get3A_1223] {strides = array<i32>} : memref<512x64xf32, #tpu.memory_space<vmem>>, vector<1x16xf32>,
      %get3A_1225 = vector.shape_cast %get3A_1224 : vector<1x16xf32> to vector<16xf32>
      %get3A_1226 = arith.index_cast %add3A_1203 : i32 to index
      %get3A_1227 = arith.constant 16 : index
      %get3A_1228 = tpu.vector_load %arg12[%get3A_1226, %get3A_1227] {strides = array<i32>} : memref<512x64xf32, #tpu.memory_space<vmem>>, vector<1x16xf32>,
      %get3A_1229 = vector.shape_cast %get3A_1228 : vector<1x16xf32> to vector<16xf32>
      %add3A_1230 = arith.addf %get3A_1225, %get3A_1229 : vector<16xf32>
      %get3A_1231 = arith.index_cast %add3A_1203 : i32 to index
      %get3A_1232 = arith.constant 16 : index
      %get3A_1233 = tpu.vector_load %arg13[%get3A_1231, %get3A_1232] {strides = array<i32>} : memref<512x64xf32, #tpu.memory_space<vmem>>, vector<1x16xf32>,
      %get3A_1234 = vector.shape_cast %get3A_1233 : vector<1x16xf32> to vector<16xf32>
      %sub3A_1235 = arith.subf %add3A_1230, %get3A_1234 : vector<16xf32>
      %abs3A_1236 = math.absf %sub3A_1235 : vector<16xf32>
      %add3A_1237 = arith.addf %add3A_1221, %abs3A_1236 : vector<16xf32>
      %get3A_1238 = arith.index_cast %add3A_1203 : i32 to index
      %get3A_1239 = arith.constant 32 : index
      %get3A_1240 = tpu.vector_load %arg11[%get3A_1238, %get3A_1239] {strides = array<i32>} : memref<512x64xf32, #tpu.memory_space<vmem>>, vector<1x16xf32>,
      %get3A_1241 = vector.shape_cast %get3A_1240 : vector<1x16xf32> to vector<16xf32>
      %get3A_1242 = arith.index_cast %add3A_1203 : i32 to index
      %get3A_1243 = arith.constant 32 : index
      %get3A_1244 = tpu.vector_load %arg12[%get3A_1242, %get3A_1243] {strides = array<i32>} : memref<512x64xf32, #tpu.memory_space<vmem>>, vector<1x16xf32>,
      %get3A_1245 = vector.shape_cast %get3A_1244 : vector<1x16xf32> to vector<16xf32>
      %add3A_1246 = arith.addf %get3A_1241, %get3A_1245 : vector<16xf32>
      %get3A_1247 = arith.index_cast %add3A_1203 : i32 to index
      %get3A_1248 = arith.constant 32 : index
      %get3A_1249 = tpu.vector_load %arg13[%get3A_1247, %get3A_1248] {strides = array<i32>} : memref<512x64xf32, #tpu.memory_space<vmem>>, vector<1x16xf32>,
      %get3A_1250 = vector.shape_cast %get3A_1249 : vector<1x16xf32> to vector<16xf32>
      %sub3A_1251 = arith.subf %add3A_1246, %get3A_1250 : vector<16xf32>
      %abs3A_1252 = math.absf %sub3A_1251 : vector<16xf32>
      %add3A_1253 = arith.addf %add3A_1237, %abs3A_1252 : vector<16xf32>
      %get3A_1254 = arith.index_cast %add3A_1203 : i32 to index
      %get3A_1255 = arith.constant 48 : index
      %get3A_1256 = tpu.vector_load %arg11[%get3A_1254, %get3A_1255] {strides = array<i32>} : memref<512x64xf32, #tpu.memory_space<vmem>>, vector<1x16xf32>,
      %get3A_1257 = vector.shape_cast %get3A_1256 : vector<1x16xf32> to vector<16xf32>
      %get3A_1258 = arith.index_cast %add3A_1203 : i32 to index
      %get3A_1259 = arith.constant 48 : index
      %get3A_1260 = tpu.vector_load %arg12[%get3A_1258, %get3A_1259] {strides = array<i32>} : memref<512x64xf32, #tpu.memory_space<vmem>>, vector<1x16xf32>,
      %get3A_1261 = vector.shape_cast %get3A_1260 : vector<1x16xf32> to vector<16xf32>
      %add3A_1262 = arith.addf %get3A_1257, %get3A_1261 : vector<16xf32>
      %get3A_1263 = arith.index_cast %add3A_1203 : i32 to index
      %get3A_1264 = arith.constant 48 : index
      %get3A_1265 = tpu.vector_load %arg13[%get3A_1263, %get3A_1264] {strides = array<i32>} : memref<512x64xf32, #tpu.memory_space<vmem>>, vector<1x16xf32>,
      %get3A_1266 = vector.shape_cast %get3A_1265 : vector<1x16xf32> to vector<16xf32>
      %sub3A_1267 = arith.subf %add3A_1262, %get3A_1266 : vector<16xf32>
      %abs3A_1268 = math.absf %sub3A_1267 : vector<16xf32>
      %add3A_1269 = arith.addf %add3A_1253, %abs3A_1268 : vector<16xf32>
      %lt3A_1270 = arith.constant 0 : i32
      %lt3A_1271 = vector.broadcast %lt3A_1270 : i32 to vector<16xi32>
      %lt3A_1272 = arith.cmpi slt, %xor3A_242, %lt3A_1271 : vector<16xi32>
      %add3A_1273 = arith.constant 16 : i32
      %add3A_1274 = vector.broadcast %add3A_1273 : i32 to vector<16xi32>
      %add3A_1275 = arith.addi %xor3A_242, %add3A_1274 : vector<16xi32>
      %select_n3A_1276 = arith.select %lt3A_1272, %add3A_1275, %xor3A_242 : vector<16xi1>, vector<16xi32>
      %broadcast_in_dim3A_1277 = vector.shape_cast %select_n3A_1276 : vector<16xi32> to vector<16x1xi32>
      %gather3A_1278 = vector.shape_cast %broadcast_in_dim3A_1277 : vector<16x1xi32> to vector<16xi32>
      %gather3A_1279 = tpu.dynamic_gather %add3A_1269[%gather3A_1278] in [0] : vector<16xf32>, vector<16xi32> -> vector<16xf32>
      %add3A_1280 = arith.addf %add3A_1269, %gather3A_1279 : vector<16xf32>
      %lt3A_1281 = arith.constant 0 : i32
      %lt3A_1282 = vector.broadcast %lt3A_1281 : i32 to vector<16xi32>
      %lt3A_1283 = arith.cmpi slt, %xor3A_245, %lt3A_1282 : vector<16xi32>
      %add3A_1284 = arith.constant 16 : i32
      %add3A_1285 = vector.broadcast %add3A_1284 : i32 to vector<16xi32>
      %add3A_1286 = arith.addi %xor3A_245, %add3A_1285 : vector<16xi32>
      %select_n3A_1287 = arith.select %lt3A_1283, %add3A_1286, %xor3A_245 : vector<16xi1>, vector<16xi32>
      %broadcast_in_dim3A_1288 = vector.shape_cast %select_n3A_1287 : vector<16xi32> to vector<16x1xi32>
      %gather3A_1289 = vector.shape_cast %broadcast_in_dim3A_1288 : vector<16x1xi32> to vector<16xi32>
      %gather3A_1290 = tpu.dynamic_gather %add3A_1280[%gather3A_1289] in [0] : vector<16xf32>, vector<16xi32> -> vector<16xf32>
      %add3A_1291 = arith.addf %add3A_1280, %gather3A_1290 : vector<16xf32>
      %lt3A_1292 = arith.constant 0 : i32
      %lt3A_1293 = vector.broadcast %lt3A_1292 : i32 to vector<16xi32>
      %lt3A_1294 = arith.cmpi slt, %xor3A_248, %lt3A_1293 : vector<16xi32>
      %add3A_1295 = arith.constant 16 : i32
      %add3A_1296 = vector.broadcast %add3A_1295 : i32 to vector<16xi32>
      %add3A_1297 = arith.addi %xor3A_248, %add3A_1296 : vector<16xi32>
      %select_n3A_1298 = arith.select %lt3A_1294, %add3A_1297, %xor3A_248 : vector<16xi1>, vector<16xi32>
      %broadcast_in_dim3A_1299 = vector.shape_cast %select_n3A_1298 : vector<16xi32> to vector<16x1xi32>
      %gather3A_1300 = vector.shape_cast %broadcast_in_dim3A_1299 : vector<16x1xi32> to vector<16xi32>
      %gather3A_1301 = tpu.dynamic_gather %add3A_1291[%gather3A_1300] in [0] : vector<16xf32>, vector<16xi32> -> vector<16xf32>
      %add3A_1302 = arith.addf %add3A_1291, %gather3A_1301 : vector<16xf32>
      %lt3A_1303 = arith.constant 0 : i32
      %lt3A_1304 = vector.broadcast %lt3A_1303 : i32 to vector<16xi32>
      %lt3A_1305 = arith.cmpi slt, %xor3A_251, %lt3A_1304 : vector<16xi32>
      %add3A_1306 = arith.constant 16 : i32
      %add3A_1307 = vector.broadcast %add3A_1306 : i32 to vector<16xi32>
      %add3A_1308 = arith.addi %xor3A_251, %add3A_1307 : vector<16xi32>
      %select_n3A_1309 = arith.select %lt3A_1305, %add3A_1308, %xor3A_251 : vector<16xi1>, vector<16xi32>
      %broadcast_in_dim3A_1310 = vector.shape_cast %select_n3A_1309 : vector<16xi32> to vector<16x1xi32>
      %gather3A_1311 = vector.shape_cast %broadcast_in_dim3A_1310 : vector<16x1xi32> to vector<16xi32>
      %gather3A_1312 = tpu.dynamic_gather %add3A_1302[%gather3A_1311] in [0] : vector<16xf32>, vector<16xi32> -> vector<16xf32>
      %add3A_1313 = arith.addf %add3A_1302, %gather3A_1312 : vector<16xf32>
      %eq3A_1314 = arith.constant 8 : i32
      %eq3A_1315 = vector.broadcast %eq3A_1314 : i32 to vector<16xi32>
      %eq3A_1316 = arith.cmpi eq, %iota3A, %eq3A_1315 : vector<16xi32>
      %select_n3A_1317 = arith.select %eq3A_1316, %add3A_1313, %select_n3A_1199 : vector<16xi1>, vector<16xf32>
      %mul3A_1318 = arith.constant 16 : i32
      %mul3A_1319 = arith.muli %scan3A_260, %mul3A_1318 : i32
      %add3A_1320 = arith.constant 9 : i32
      %add3A_1321 = arith.addi %mul3A_1319, %add3A_1320 : i32
      %broadcast_in_dim3A_1322 = arith.constant 0.000000e+00 : f32
      %broadcast_in_dim3A_1323 = vector.broadcast %broadcast_in_dim3A_1322 : f32 to vector<16xf32>
      %get3A_1324 = arith.index_cast %add3A_1321 : i32 to index
      %get3A_1325 = arith.constant 0 : index
      %get3A_1326 = tpu.vector_load %arg11[%get3A_1324, %get3A_1325] {strides = array<i32>} : memref<512x64xf32, #tpu.memory_space<vmem>>, vector<1x16xf32>,
      %get3A_1327 = vector.shape_cast %get3A_1326 : vector<1x16xf32> to vector<16xf32>
      %get3A_1328 = arith.index_cast %add3A_1321 : i32 to index
      %get3A_1329 = arith.constant 0 : index
      %get3A_1330 = tpu.vector_load %arg12[%get3A_1328, %get3A_1329] {strides = array<i32>} : memref<512x64xf32, #tpu.memory_space<vmem>>, vector<1x16xf32>,
      %get3A_1331 = vector.shape_cast %get3A_1330 : vector<1x16xf32> to vector<16xf32>
      %add3A_1332 = arith.addf %get3A_1327, %get3A_1331 : vector<16xf32>
      %get3A_1333 = arith.index_cast %add3A_1321 : i32 to index
      %get3A_1334 = arith.constant 0 : index
      %get3A_1335 = tpu.vector_load %arg13[%get3A_1333, %get3A_1334] {strides = array<i32>} : memref<512x64xf32, #tpu.memory_space<vmem>>, vector<1x16xf32>,
      %get3A_1336 = vector.shape_cast %get3A_1335 : vector<1x16xf32> to vector<16xf32>
      %sub3A_1337 = arith.subf %add3A_1332, %get3A_1336 : vector<16xf32>
      %abs3A_1338 = math.absf %sub3A_1337 : vector<16xf32>
      %add3A_1339 = arith.addf %broadcast_in_dim3A_1323, %abs3A_1338 : vector<16xf32>
      %get3A_1340 = arith.index_cast %add3A_1321 : i32 to index
      %get3A_1341 = arith.constant 16 : index
      %get3A_1342 = tpu.vector_load %arg11[%get3A_1340, %get3A_1341] {strides = array<i32>} : memref<512x64xf32, #tpu.memory_space<vmem>>, vector<1x16xf32>,
      %get3A_1343 = vector.shape_cast %get3A_1342 : vector<1x16xf32> to vector<16xf32>
      %get3A_1344 = arith.index_cast %add3A_1321 : i32 to index
      %get3A_1345 = arith.constant 16 : index
      %get3A_1346 = tpu.vector_load %arg12[%get3A_1344, %get3A_1345] {strides = array<i32>} : memref<512x64xf32, #tpu.memory_space<vmem>>, vector<1x16xf32>,
      %get3A_1347 = vector.shape_cast %get3A_1346 : vector<1x16xf32> to vector<16xf32>
      %add3A_1348 = arith.addf %get3A_1343, %get3A_1347 : vector<16xf32>
      %get3A_1349 = arith.index_cast %add3A_1321 : i32 to index
      %get3A_1350 = arith.constant 16 : index
      %get3A_1351 = tpu.vector_load %arg13[%get3A_1349, %get3A_1350] {strides = array<i32>} : memref<512x64xf32, #tpu.memory_space<vmem>>, vector<1x16xf32>,
      %get3A_1352 = vector.shape_cast %get3A_1351 : vector<1x16xf32> to vector<16xf32>
      %sub3A_1353 = arith.subf %add3A_1348, %get3A_1352 : vector<16xf32>
      %abs3A_1354 = math.absf %sub3A_1353 : vector<16xf32>
      %add3A_1355 = arith.addf %add3A_1339, %abs3A_1354 : vector<16xf32>
      %get3A_1356 = arith.index_cast %add3A_1321 : i32 to index
      %get3A_1357 = arith.constant 32 : index
      %get3A_1358 = tpu.vector_load %arg11[%get3A_1356, %get3A_1357] {strides = array<i32>} : memref<512x64xf32, #tpu.memory_space<vmem>>, vector<1x16xf32>,
      %get3A_1359 = vector.shape_cast %get3A_1358 : vector<1x16xf32> to vector<16xf32>
      %get3A_1360 = arith.index_cast %add3A_1321 : i32 to index
      %get3A_1361 = arith.constant 32 : index
      %get3A_1362 = tpu.vector_load %arg12[%get3A_1360, %get3A_1361] {strides = array<i32>} : memref<512x64xf32, #tpu.memory_space<vmem>>, vector<1x16xf32>,
      %get3A_1363 = vector.shape_cast %get3A_1362 : vector<1x16xf32> to vector<16xf32>
      %add3A_1364 = arith.addf %get3A_1359, %get3A_1363 : vector<16xf32>
      %get3A_1365 = arith.index_cast %add3A_1321 : i32 to index
      %get3A_1366 = arith.constant 32 : index
      %get3A_1367 = tpu.vector_load %arg13[%get3A_1365, %get3A_1366] {strides = array<i32>} : memref<512x64xf32, #tpu.memory_space<vmem>>, vector<1x16xf32>,
      %get3A_1368 = vector.shape_cast %get3A_1367 : vector<1x16xf32> to vector<16xf32>
      %sub3A_1369 = arith.subf %add3A_1364, %get3A_1368 : vector<16xf32>
      %abs3A_1370 = math.absf %sub3A_1369 : vector<16xf32>
      %add3A_1371 = arith.addf %add3A_1355, %abs3A_1370 : vector<16xf32>
      %get3A_1372 = arith.index_cast %add3A_1321 : i32 to index
      %get3A_1373 = arith.constant 48 : index
      %get3A_1374 = tpu.vector_load %arg11[%get3A_1372, %get3A_1373] {strides = array<i32>} : memref<512x64xf32, #tpu.memory_space<vmem>>, vector<1x16xf32>,
      %get3A_1375 = vector.shape_cast %get3A_1374 : vector<1x16xf32> to vector<16xf32>
      %get3A_1376 = arith.index_cast %add3A_1321 : i32 to index
      %get3A_1377 = arith.constant 48 : index
      %get3A_1378 = tpu.vector_load %arg12[%get3A_1376, %get3A_1377] {strides = array<i32>} : memref<512x64xf32, #tpu.memory_space<vmem>>, vector<1x16xf32>,
      %get3A_1379 = vector.shape_cast %get3A_1378 : vector<1x16xf32> to vector<16xf32>
      %add3A_1380 = arith.addf %get3A_1375, %get3A_1379 : vector<16xf32>
      %get3A_1381 = arith.index_cast %add3A_1321 : i32 to index
      %get3A_1382 = arith.constant 48 : index
      %get3A_1383 = tpu.vector_load %arg13[%get3A_1381, %get3A_1382] {strides = array<i32>} : memref<512x64xf32, #tpu.memory_space<vmem>>, vector<1x16xf32>,
      %get3A_1384 = vector.shape_cast %get3A_1383 : vector<1x16xf32> to vector<16xf32>
      %sub3A_1385 = arith.subf %add3A_1380, %get3A_1384 : vector<16xf32>
      %abs3A_1386 = math.absf %sub3A_1385 : vector<16xf32>
      %add3A_1387 = arith.addf %add3A_1371, %abs3A_1386 : vector<16xf32>
      %lt3A_1388 = arith.constant 0 : i32
      %lt3A_1389 = vector.broadcast %lt3A_1388 : i32 to vector<16xi32>
      %lt3A_1390 = arith.cmpi slt, %xor3A_242, %lt3A_1389 : vector<16xi32>
      %add3A_1391 = arith.constant 16 : i32
      %add3A_1392 = vector.broadcast %add3A_1391 : i32 to vector<16xi32>
      %add3A_1393 = arith.addi %xor3A_242, %add3A_1392 : vector<16xi32>
      %select_n3A_1394 = arith.select %lt3A_1390, %add3A_1393, %xor3A_242 : vector<16xi1>, vector<16xi32>
      %broadcast_in_dim3A_1395 = vector.shape_cast %select_n3A_1394 : vector<16xi32> to vector<16x1xi32>
      %gather3A_1396 = vector.shape_cast %broadcast_in_dim3A_1395 : vector<16x1xi32> to vector<16xi32>
      %gather3A_1397 = tpu.dynamic_gather %add3A_1387[%gather3A_1396] in [0] : vector<16xf32>, vector<16xi32> -> vector<16xf32>
      %add3A_1398 = arith.addf %add3A_1387, %gather3A_1397 : vector<16xf32>
      %lt3A_1399 = arith.constant 0 : i32
      %lt3A_1400 = vector.broadcast %lt3A_1399 : i32 to vector<16xi32>
      %lt3A_1401 = arith.cmpi slt, %xor3A_245, %lt3A_1400 : vector<16xi32>
      %add3A_1402 = arith.constant 16 : i32
      %add3A_1403 = vector.broadcast %add3A_1402 : i32 to vector<16xi32>
      %add3A_1404 = arith.addi %xor3A_245, %add3A_1403 : vector<16xi32>
      %select_n3A_1405 = arith.select %lt3A_1401, %add3A_1404, %xor3A_245 : vector<16xi1>, vector<16xi32>
      %broadcast_in_dim3A_1406 = vector.shape_cast %select_n3A_1405 : vector<16xi32> to vector<16x1xi32>
      %gather3A_1407 = vector.shape_cast %broadcast_in_dim3A_1406 : vector<16x1xi32> to vector<16xi32>
      %gather3A_1408 = tpu.dynamic_gather %add3A_1398[%gather3A_1407] in [0] : vector<16xf32>, vector<16xi32> -> vector<16xf32>
      %add3A_1409 = arith.addf %add3A_1398, %gather3A_1408 : vector<16xf32>
      %lt3A_1410 = arith.constant 0 : i32
      %lt3A_1411 = vector.broadcast %lt3A_1410 : i32 to vector<16xi32>
      %lt3A_1412 = arith.cmpi slt, %xor3A_248, %lt3A_1411 : vector<16xi32>
      %add3A_1413 = arith.constant 16 : i32
      %add3A_1414 = vector.broadcast %add3A_1413 : i32 to vector<16xi32>
      %add3A_1415 = arith.addi %xor3A_248, %add3A_1414 : vector<16xi32>
      %select_n3A_1416 = arith.select %lt3A_1412, %add3A_1415, %xor3A_248 : vector<16xi1>, vector<16xi32>
      %broadcast_in_dim3A_1417 = vector.shape_cast %select_n3A_1416 : vector<16xi32> to vector<16x1xi32>
      %gather3A_1418 = vector.shape_cast %broadcast_in_dim3A_1417 : vector<16x1xi32> to vector<16xi32>
      %gather3A_1419 = tpu.dynamic_gather %add3A_1409[%gather3A_1418] in [0] : vector<16xf32>, vector<16xi32> -> vector<16xf32>
      %add3A_1420 = arith.addf %add3A_1409, %gather3A_1419 : vector<16xf32>
      %lt3A_1421 = arith.constant 0 : i32
      %lt3A_1422 = vector.broadcast %lt3A_1421 : i32 to vector<16xi32>
      %lt3A_1423 = arith.cmpi slt, %xor3A_251, %lt3A_1422 : vector<16xi32>
      %add3A_1424 = arith.constant 16 : i32
      %add3A_1425 = vector.broadcast %add3A_1424 : i32 to vector<16xi32>
      %add3A_1426 = arith.addi %xor3A_251, %add3A_1425 : vector<16xi32>
      %select_n3A_1427 = arith.select %lt3A_1423, %add3A_1426, %xor3A_251 : vector<16xi1>, vector<16xi32>
      %broadcast_in_dim3A_1428 = vector.shape_cast %select_n3A_1427 : vector<16xi32> to vector<16x1xi32>
      %gather3A_1429 = vector.shape_cast %broadcast_in_dim3A_1428 : vector<16x1xi32> to vector<16xi32>
      %gather3A_1430 = tpu.dynamic_gather %add3A_1420[%gather3A_1429] in [0] : vector<16xf32>, vector<16xi32> -> vector<16xf32>
      %add3A_1431 = arith.addf %add3A_1420, %gather3A_1430 : vector<16xf32>
      %eq3A_1432 = arith.constant 9 : i32
      %eq3A_1433 = vector.broadcast %eq3A_1432 : i32 to vector<16xi32>
      %eq3A_1434 = arith.cmpi eq, %iota3A, %eq3A_1433 : vector<16xi32>
      %select_n3A_1435 = arith.select %eq3A_1434, %add3A_1431, %select_n3A_1317 : vector<16xi1>, vector<16xf32>
      %mul3A_1436 = arith.constant 16 : i32
      %mul3A_1437 = arith.muli %scan3A_260, %mul3A_1436 : i32
      %add3A_1438 = arith.constant 10 : i32
      %add3A_1439 = arith.addi %mul3A_1437, %add3A_1438 : i32
      %broadcast_in_dim3A_1440 = arith.constant 0.000000e+00 : f32
      %broadcast_in_dim3A_1441 = vector.broadcast %broadcast_in_dim3A_1440 : f32 to vector<16xf32>
      %get3A_1442 = arith.index_cast %add3A_1439 : i32 to index
      %get3A_1443 = arith.constant 0 : index
      %get3A_1444 = tpu.vector_load %arg11[%get3A_1442, %get3A_1443] {strides = array<i32>} : memref<512x64xf32, #tpu.memory_space<vmem>>, vector<1x16xf32>,
      %get3A_1445 = vector.shape_cast %get3A_1444 : vector<1x16xf32> to vector<16xf32>
      %get3A_1446 = arith.index_cast %add3A_1439 : i32 to index
      %get3A_1447 = arith.constant 0 : index
      %get3A_1448 = tpu.vector_load %arg12[%get3A_1446, %get3A_1447] {strides = array<i32>} : memref<512x64xf32, #tpu.memory_space<vmem>>, vector<1x16xf32>,
      %get3A_1449 = vector.shape_cast %get3A_1448 : vector<1x16xf32> to vector<16xf32>
      %add3A_1450 = arith.addf %get3A_1445, %get3A_1449 : vector<16xf32>
      %get3A_1451 = arith.index_cast %add3A_1439 : i32 to index
      %get3A_1452 = arith.constant 0 : index
      %get3A_1453 = tpu.vector_load %arg13[%get3A_1451, %get3A_1452] {strides = array<i32>} : memref<512x64xf32, #tpu.memory_space<vmem>>, vector<1x16xf32>,
      %get3A_1454 = vector.shape_cast %get3A_1453 : vector<1x16xf32> to vector<16xf32>
      %sub3A_1455 = arith.subf %add3A_1450, %get3A_1454 : vector<16xf32>
      %abs3A_1456 = math.absf %sub3A_1455 : vector<16xf32>
      %add3A_1457 = arith.addf %broadcast_in_dim3A_1441, %abs3A_1456 : vector<16xf32>
      %get3A_1458 = arith.index_cast %add3A_1439 : i32 to index
      %get3A_1459 = arith.constant 16 : index
      %get3A_1460 = tpu.vector_load %arg11[%get3A_1458, %get3A_1459] {strides = array<i32>} : memref<512x64xf32, #tpu.memory_space<vmem>>, vector<1x16xf32>,
      %get3A_1461 = vector.shape_cast %get3A_1460 : vector<1x16xf32> to vector<16xf32>
      %get3A_1462 = arith.index_cast %add3A_1439 : i32 to index
      %get3A_1463 = arith.constant 16 : index
      %get3A_1464 = tpu.vector_load %arg12[%get3A_1462, %get3A_1463] {strides = array<i32>} : memref<512x64xf32, #tpu.memory_space<vmem>>, vector<1x16xf32>,
      %get3A_1465 = vector.shape_cast %get3A_1464 : vector<1x16xf32> to vector<16xf32>
      %add3A_1466 = arith.addf %get3A_1461, %get3A_1465 : vector<16xf32>
      %get3A_1467 = arith.index_cast %add3A_1439 : i32 to index
      %get3A_1468 = arith.constant 16 : index
      %get3A_1469 = tpu.vector_load %arg13[%get3A_1467, %get3A_1468] {strides = array<i32>} : memref<512x64xf32, #tpu.memory_space<vmem>>, vector<1x16xf32>,
      %get3A_1470 = vector.shape_cast %get3A_1469 : vector<1x16xf32> to vector<16xf32>
      %sub3A_1471 = arith.subf %add3A_1466, %get3A_1470 : vector<16xf32>
      %abs3A_1472 = math.absf %sub3A_1471 : vector<16xf32>
      %add3A_1473 = arith.addf %add3A_1457, %abs3A_1472 : vector<16xf32>
      %get3A_1474 = arith.index_cast %add3A_1439 : i32 to index
      %get3A_1475 = arith.constant 32 : index
      %get3A_1476 = tpu.vector_load %arg11[%get3A_1474, %get3A_1475] {strides = array<i32>} : memref<512x64xf32, #tpu.memory_space<vmem>>, vector<1x16xf32>,
      %get3A_1477 = vector.shape_cast %get3A_1476 : vector<1x16xf32> to vector<16xf32>
      %get3A_1478 = arith.index_cast %add3A_1439 : i32 to index
      %get3A_1479 = arith.constant 32 : index
      %get3A_1480 = tpu.vector_load %arg12[%get3A_1478, %get3A_1479] {strides = array<i32>} : memref<512x64xf32, #tpu.memory_space<vmem>>, vector<1x16xf32>,
      %get3A_1481 = vector.shape_cast %get3A_1480 : vector<1x16xf32> to vector<16xf32>
      %add3A_1482 = arith.addf %get3A_1477, %get3A_1481 : vector<16xf32>
      %get3A_1483 = arith.index_cast %add3A_1439 : i32 to index
      %get3A_1484 = arith.constant 32 : index
      %get3A_1485 = tpu.vector_load %arg13[%get3A_1483, %get3A_1484] {strides = array<i32>} : memref<512x64xf32, #tpu.memory_space<vmem>>, vector<1x16xf32>,
      %get3A_1486 = vector.shape_cast %get3A_1485 : vector<1x16xf32> to vector<16xf32>
      %sub3A_1487 = arith.subf %add3A_1482, %get3A_1486 : vector<16xf32>
      %abs3A_1488 = math.absf %sub3A_1487 : vector<16xf32>
      %add3A_1489 = arith.addf %add3A_1473, %abs3A_1488 : vector<16xf32>
      %get3A_1490 = arith.index_cast %add3A_1439 : i32 to index
      %get3A_1491 = arith.constant 48 : index
      %get3A_1492 = tpu.vector_load %arg11[%get3A_1490, %get3A_1491] {strides = array<i32>} : memref<512x64xf32, #tpu.memory_space<vmem>>, vector<1x16xf32>,
      %get3A_1493 = vector.shape_cast %get3A_1492 : vector<1x16xf32> to vector<16xf32>
      %get3A_1494 = arith.index_cast %add3A_1439 : i32 to index
      %get3A_1495 = arith.constant 48 : index
      %get3A_1496 = tpu.vector_load %arg12[%get3A_1494, %get3A_1495] {strides = array<i32>} : memref<512x64xf32, #tpu.memory_space<vmem>>, vector<1x16xf32>,
      %get3A_1497 = vector.shape_cast %get3A_1496 : vector<1x16xf32> to vector<16xf32>
      %add3A_1498 = arith.addf %get3A_1493, %get3A_1497 : vector<16xf32>
      %get3A_1499 = arith.index_cast %add3A_1439 : i32 to index
      %get3A_1500 = arith.constant 48 : index
      %get3A_1501 = tpu.vector_load %arg13[%get3A_1499, %get3A_1500] {strides = array<i32>} : memref<512x64xf32, #tpu.memory_space<vmem>>, vector<1x16xf32>,
      %get3A_1502 = vector.shape_cast %get3A_1501 : vector<1x16xf32> to vector<16xf32>
      %sub3A_1503 = arith.subf %add3A_1498, %get3A_1502 : vector<16xf32>
      %abs3A_1504 = math.absf %sub3A_1503 : vector<16xf32>
      %add3A_1505 = arith.addf %add3A_1489, %abs3A_1504 : vector<16xf32>
      %lt3A_1506 = arith.constant 0 : i32
      %lt3A_1507 = vector.broadcast %lt3A_1506 : i32 to vector<16xi32>
      %lt3A_1508 = arith.cmpi slt, %xor3A_242, %lt3A_1507 : vector<16xi32>
      %add3A_1509 = arith.constant 16 : i32
      %add3A_1510 = vector.broadcast %add3A_1509 : i32 to vector<16xi32>
      %add3A_1511 = arith.addi %xor3A_242, %add3A_1510 : vector<16xi32>
      %select_n3A_1512 = arith.select %lt3A_1508, %add3A_1511, %xor3A_242 : vector<16xi1>, vector<16xi32>
      %broadcast_in_dim3A_1513 = vector.shape_cast %select_n3A_1512 : vector<16xi32> to vector<16x1xi32>
      %gather3A_1514 = vector.shape_cast %broadcast_in_dim3A_1513 : vector<16x1xi32> to vector<16xi32>
      %gather3A_1515 = tpu.dynamic_gather %add3A_1505[%gather3A_1514] in [0] : vector<16xf32>, vector<16xi32> -> vector<16xf32>
      %add3A_1516 = arith.addf %add3A_1505, %gather3A_1515 : vector<16xf32>
      %lt3A_1517 = arith.constant 0 : i32
      %lt3A_1518 = vector.broadcast %lt3A_1517 : i32 to vector<16xi32>
      %lt3A_1519 = arith.cmpi slt, %xor3A_245, %lt3A_1518 : vector<16xi32>
      %add3A_1520 = arith.constant 16 : i32
      %add3A_1521 = vector.broadcast %add3A_1520 : i32 to vector<16xi32>
      %add3A_1522 = arith.addi %xor3A_245, %add3A_1521 : vector<16xi32>
      %select_n3A_1523 = arith.select %lt3A_1519, %add3A_1522, %xor3A_245 : vector<16xi1>, vector<16xi32>
      %broadcast_in_dim3A_1524 = vector.shape_cast %select_n3A_1523 : vector<16xi32> to vector<16x1xi32>
      %gather3A_1525 = vector.shape_cast %broadcast_in_dim3A_1524 : vector<16x1xi32> to vector<16xi32>
      %gather3A_1526 = tpu.dynamic_gather %add3A_1516[%gather3A_1525] in [0] : vector<16xf32>, vector<16xi32> -> vector<16xf32>
      %add3A_1527 = arith.addf %add3A_1516, %gather3A_1526 : vector<16xf32>
      %lt3A_1528 = arith.constant 0 : i32
      %lt3A_1529 = vector.broadcast %lt3A_1528 : i32 to vector<16xi32>
      %lt3A_1530 = arith.cmpi slt, %xor3A_248, %lt3A_1529 : vector<16xi32>
      %add3A_1531 = arith.constant 16 : i32
      %add3A_1532 = vector.broadcast %add3A_1531 : i32 to vector<16xi32>
      %add3A_1533 = arith.addi %xor3A_248, %add3A_1532 : vector<16xi32>
      %select_n3A_1534 = arith.select %lt3A_1530, %add3A_1533, %xor3A_248 : vector<16xi1>, vector<16xi32>
      %broadcast_in_dim3A_1535 = vector.shape_cast %select_n3A_1534 : vector<16xi32> to vector<16x1xi32>
      %gather3A_1536 = vector.shape_cast %broadcast_in_dim3A_1535 : vector<16x1xi32> to vector<16xi32>
      %gather3A_1537 = tpu.dynamic_gather %add3A_1527[%gather3A_1536] in [0] : vector<16xf32>, vector<16xi32> -> vector<16xf32>
      %add3A_1538 = arith.addf %add3A_1527, %gather3A_1537 : vector<16xf32>
      %lt3A_1539 = arith.constant 0 : i32
      %lt3A_1540 = vector.broadcast %lt3A_1539 : i32 to vector<16xi32>
      %lt3A_1541 = arith.cmpi slt, %xor3A_251, %lt3A_1540 : vector<16xi32>
      %add3A_1542 = arith.constant 16 : i32
      %add3A_1543 = vector.broadcast %add3A_1542 : i32 to vector<16xi32>
      %add3A_1544 = arith.addi %xor3A_251, %add3A_1543 : vector<16xi32>
      %select_n3A_1545 = arith.select %lt3A_1541, %add3A_1544, %xor3A_251 : vector<16xi1>, vector<16xi32>
      %broadcast_in_dim3A_1546 = vector.shape_cast %select_n3A_1545 : vector<16xi32> to vector<16x1xi32>
      %gather3A_1547 = vector.shape_cast %broadcast_in_dim3A_1546 : vector<16x1xi32> to vector<16xi32>
      %gather3A_1548 = tpu.dynamic_gather %add3A_1538[%gather3A_1547] in [0] : vector<16xf32>, vector<16xi32> -> vector<16xf32>
      %add3A_1549 = arith.addf %add3A_1538, %gather3A_1548 : vector<16xf32>
      %eq3A_1550 = arith.constant 10 : i32
      %eq3A_1551 = vector.broadcast %eq3A_1550 : i32 to vector<16xi32>
      %eq3A_1552 = arith.cmpi eq, %iota3A, %eq3A_1551 : vector<16xi32>
      %select_n3A_1553 = arith.select %eq3A_1552, %add3A_1549, %select_n3A_1435 : vector<16xi1>, vector<16xf32>
      %mul3A_1554 = arith.constant 16 : i32
      %mul3A_1555 = arith.muli %scan3A_260, %mul3A_1554 : i32
      %add3A_1556 = arith.constant 11 : i32
      %add3A_1557 = arith.addi %mul3A_1555, %add3A_1556 : i32
      %broadcast_in_dim3A_1558 = arith.constant 0.000000e+00 : f32
      %broadcast_in_dim3A_1559 = vector.broadcast %broadcast_in_dim3A_1558 : f32 to vector<16xf32>
      %get3A_1560 = arith.index_cast %add3A_1557 : i32 to index
      %get3A_1561 = arith.constant 0 : index
      %get3A_1562 = tpu.vector_load %arg11[%get3A_1560, %get3A_1561] {strides = array<i32>} : memref<512x64xf32, #tpu.memory_space<vmem>>, vector<1x16xf32>,
      %get3A_1563 = vector.shape_cast %get3A_1562 : vector<1x16xf32> to vector<16xf32>
      %get3A_1564 = arith.index_cast %add3A_1557 : i32 to index
      %get3A_1565 = arith.constant 0 : index
      %get3A_1566 = tpu.vector_load %arg12[%get3A_1564, %get3A_1565] {strides = array<i32>} : memref<512x64xf32, #tpu.memory_space<vmem>>, vector<1x16xf32>,
      %get3A_1567 = vector.shape_cast %get3A_1566 : vector<1x16xf32> to vector<16xf32>
      %add3A_1568 = arith.addf %get3A_1563, %get3A_1567 : vector<16xf32>
      %get3A_1569 = arith.index_cast %add3A_1557 : i32 to index
      %get3A_1570 = arith.constant 0 : index
      %get3A_1571 = tpu.vector_load %arg13[%get3A_1569, %get3A_1570] {strides = array<i32>} : memref<512x64xf32, #tpu.memory_space<vmem>>, vector<1x16xf32>,
      %get3A_1572 = vector.shape_cast %get3A_1571 : vector<1x16xf32> to vector<16xf32>
      %sub3A_1573 = arith.subf %add3A_1568, %get3A_1572 : vector<16xf32>
      %abs3A_1574 = math.absf %sub3A_1573 : vector<16xf32>
      %add3A_1575 = arith.addf %broadcast_in_dim3A_1559, %abs3A_1574 : vector<16xf32>
      %get3A_1576 = arith.index_cast %add3A_1557 : i32 to index
      %get3A_1577 = arith.constant 16 : index
      %get3A_1578 = tpu.vector_load %arg11[%get3A_1576, %get3A_1577] {strides = array<i32>} : memref<512x64xf32, #tpu.memory_space<vmem>>, vector<1x16xf32>,
      %get3A_1579 = vector.shape_cast %get3A_1578 : vector<1x16xf32> to vector<16xf32>
      %get3A_1580 = arith.index_cast %add3A_1557 : i32 to index
      %get3A_1581 = arith.constant 16 : index
      %get3A_1582 = tpu.vector_load %arg12[%get3A_1580, %get3A_1581] {strides = array<i32>} : memref<512x64xf32, #tpu.memory_space<vmem>>, vector<1x16xf32>,
      %get3A_1583 = vector.shape_cast %get3A_1582 : vector<1x16xf32> to vector<16xf32>
      %add3A_1584 = arith.addf %get3A_1579, %get3A_1583 : vector<16xf32>
      %get3A_1585 = arith.index_cast %add3A_1557 : i32 to index
      %get3A_1586 = arith.constant 16 : index
      %get3A_1587 = tpu.vector_load %arg13[%get3A_1585, %get3A_1586] {strides = array<i32>} : memref<512x64xf32, #tpu.memory_space<vmem>>, vector<1x16xf32>,
      %get3A_1588 = vector.shape_cast %get3A_1587 : vector<1x16xf32> to vector<16xf32>
      %sub3A_1589 = arith.subf %add3A_1584, %get3A_1588 : vector<16xf32>
      %abs3A_1590 = math.absf %sub3A_1589 : vector<16xf32>
      %add3A_1591 = arith.addf %add3A_1575, %abs3A_1590 : vector<16xf32>
      %get3A_1592 = arith.index_cast %add3A_1557 : i32 to index
      %get3A_1593 = arith.constant 32 : index
      %get3A_1594 = tpu.vector_load %arg11[%get3A_1592, %get3A_1593] {strides = array<i32>} : memref<512x64xf32, #tpu.memory_space<vmem>>, vector<1x16xf32>,
      %get3A_1595 = vector.shape_cast %get3A_1594 : vector<1x16xf32> to vector<16xf32>
      %get3A_1596 = arith.index_cast %add3A_1557 : i32 to index
      %get3A_1597 = arith.constant 32 : index
      %get3A_1598 = tpu.vector_load %arg12[%get3A_1596, %get3A_1597] {strides = array<i32>} : memref<512x64xf32, #tpu.memory_space<vmem>>, vector<1x16xf32>,
      %get3A_1599 = vector.shape_cast %get3A_1598 : vector<1x16xf32> to vector<16xf32>
      %add3A_1600 = arith.addf %get3A_1595, %get3A_1599 : vector<16xf32>
      %get3A_1601 = arith.index_cast %add3A_1557 : i32 to index
      %get3A_1602 = arith.constant 32 : index
      %get3A_1603 = tpu.vector_load %arg13[%get3A_1601, %get3A_1602] {strides = array<i32>} : memref<512x64xf32, #tpu.memory_space<vmem>>, vector<1x16xf32>,
      %get3A_1604 = vector.shape_cast %get3A_1603 : vector<1x16xf32> to vector<16xf32>
      %sub3A_1605 = arith.subf %add3A_1600, %get3A_1604 : vector<16xf32>
      %abs3A_1606 = math.absf %sub3A_1605 : vector<16xf32>
      %add3A_1607 = arith.addf %add3A_1591, %abs3A_1606 : vector<16xf32>
      %get3A_1608 = arith.index_cast %add3A_1557 : i32 to index
      %get3A_1609 = arith.constant 48 : index
      %get3A_1610 = tpu.vector_load %arg11[%get3A_1608, %get3A_1609] {strides = array<i32>} : memref<512x64xf32, #tpu.memory_space<vmem>>, vector<1x16xf32>,
      %get3A_1611 = vector.shape_cast %get3A_1610 : vector<1x16xf32> to vector<16xf32>
      %get3A_1612 = arith.index_cast %add3A_1557 : i32 to index
      %get3A_1613 = arith.constant 48 : index
      %get3A_1614 = tpu.vector_load %arg12[%get3A_1612, %get3A_1613] {strides = array<i32>} : memref<512x64xf32, #tpu.memory_space<vmem>>, vector<1x16xf32>,
      %get3A_1615 = vector.shape_cast %get3A_1614 : vector<1x16xf32> to vector<16xf32>
      %add3A_1616 = arith.addf %get3A_1611, %get3A_1615 : vector<16xf32>
      %get3A_1617 = arith.index_cast %add3A_1557 : i32 to index
      %get3A_1618 = arith.constant 48 : index
      %get3A_1619 = tpu.vector_load %arg13[%get3A_1617, %get3A_1618] {strides = array<i32>} : memref<512x64xf32, #tpu.memory_space<vmem>>, vector<1x16xf32>,
      %get3A_1620 = vector.shape_cast %get3A_1619 : vector<1x16xf32> to vector<16xf32>
      %sub3A_1621 = arith.subf %add3A_1616, %get3A_1620 : vector<16xf32>
      %abs3A_1622 = math.absf %sub3A_1621 : vector<16xf32>
      %add3A_1623 = arith.addf %add3A_1607, %abs3A_1622 : vector<16xf32>
      %lt3A_1624 = arith.constant 0 : i32
      %lt3A_1625 = vector.broadcast %lt3A_1624 : i32 to vector<16xi32>
      %lt3A_1626 = arith.cmpi slt, %xor3A_242, %lt3A_1625 : vector<16xi32>
      %add3A_1627 = arith.constant 16 : i32
      %add3A_1628 = vector.broadcast %add3A_1627 : i32 to vector<16xi32>
      %add3A_1629 = arith.addi %xor3A_242, %add3A_1628 : vector<16xi32>
      %select_n3A_1630 = arith.select %lt3A_1626, %add3A_1629, %xor3A_242 : vector<16xi1>, vector<16xi32>
      %broadcast_in_dim3A_1631 = vector.shape_cast %select_n3A_1630 : vector<16xi32> to vector<16x1xi32>
      %gather3A_1632 = vector.shape_cast %broadcast_in_dim3A_1631 : vector<16x1xi32> to vector<16xi32>
      %gather3A_1633 = tpu.dynamic_gather %add3A_1623[%gather3A_1632] in [0] : vector<16xf32>, vector<16xi32> -> vector<16xf32>
      %add3A_1634 = arith.addf %add3A_1623, %gather3A_1633 : vector<16xf32>
      %lt3A_1635 = arith.constant 0 : i32
      %lt3A_1636 = vector.broadcast %lt3A_1635 : i32 to vector<16xi32>
      %lt3A_1637 = arith.cmpi slt, %xor3A_245, %lt3A_1636 : vector<16xi32>
      %add3A_1638 = arith.constant 16 : i32
      %add3A_1639 = vector.broadcast %add3A_1638 : i32 to vector<16xi32>
      %add3A_1640 = arith.addi %xor3A_245, %add3A_1639 : vector<16xi32>
      %select_n3A_1641 = arith.select %lt3A_1637, %add3A_1640, %xor3A_245 : vector<16xi1>, vector<16xi32>
      %broadcast_in_dim3A_1642 = vector.shape_cast %select_n3A_1641 : vector<16xi32> to vector<16x1xi32>
      %gather3A_1643 = vector.shape_cast %broadcast_in_dim3A_1642 : vector<16x1xi32> to vector<16xi32>
      %gather3A_1644 = tpu.dynamic_gather %add3A_1634[%gather3A_1643] in [0] : vector<16xf32>, vector<16xi32> -> vector<16xf32>
      %add3A_1645 = arith.addf %add3A_1634, %gather3A_1644 : vector<16xf32>
      %lt3A_1646 = arith.constant 0 : i32
      %lt3A_1647 = vector.broadcast %lt3A_1646 : i32 to vector<16xi32>
      %lt3A_1648 = arith.cmpi slt, %xor3A_248, %lt3A_1647 : vector<16xi32>
      %add3A_1649 = arith.constant 16 : i32
      %add3A_1650 = vector.broadcast %add3A_1649 : i32 to vector<16xi32>
      %add3A_1651 = arith.addi %xor3A_248, %add3A_1650 : vector<16xi32>
      %select_n3A_1652 = arith.select %lt3A_1648, %add3A_1651, %xor3A_248 : vector<16xi1>, vector<16xi32>
      %broadcast_in_dim3A_1653 = vector.shape_cast %select_n3A_1652 : vector<16xi32> to vector<16x1xi32>
      %gather3A_1654 = vector.shape_cast %broadcast_in_dim3A_1653 : vector<16x1xi32> to vector<16xi32>
      %gather3A_1655 = tpu.dynamic_gather %add3A_1645[%gather3A_1654] in [0] : vector<16xf32>, vector<16xi32> -> vector<16xf32>
      %add3A_1656 = arith.addf %add3A_1645, %gather3A_1655 : vector<16xf32>
      %lt3A_1657 = arith.constant 0 : i32
      %lt3A_1658 = vector.broadcast %lt3A_1657 : i32 to vector<16xi32>
      %lt3A_1659 = arith.cmpi slt, %xor3A_251, %lt3A_1658 : vector<16xi32>
      %add3A_1660 = arith.constant 16 : i32
      %add3A_1661 = vector.broadcast %add3A_1660 : i32 to vector<16xi32>
      %add3A_1662 = arith.addi %xor3A_251, %add3A_1661 : vector<16xi32>
      %select_n3A_1663 = arith.select %lt3A_1659, %add3A_1662, %xor3A_251 : vector<16xi1>, vector<16xi32>
      %broadcast_in_dim3A_1664 = vector.shape_cast %select_n3A_1663 : vector<16xi32> to vector<16x1xi32>
      %gather3A_1665 = vector.shape_cast %broadcast_in_dim3A_1664 : vector<16x1xi32> to vector<16xi32>
      %gather3A_1666 = tpu.dynamic_gather %add3A_1656[%gather3A_1665] in [0] : vector<16xf32>, vector<16xi32> -> vector<16xf32>
      %add3A_1667 = arith.addf %add3A_1656, %gather3A_1666 : vector<16xf32>
      %eq3A_1668 = arith.constant 11 : i32
      %eq3A_1669 = vector.broadcast %eq3A_1668 : i32 to vector<16xi32>
      %eq3A_1670 = arith.cmpi eq, %iota3A, %eq3A_1669 : vector<16xi32>
      %select_n3A_1671 = arith.select %eq3A_1670, %add3A_1667, %select_n3A_1553 : vector<16xi1>, vector<16xf32>
      %mul3A_1672 = arith.constant 16 : i32
      %mul3A_1673 = arith.muli %scan3A_260, %mul3A_1672 : i32
      %add3A_1674 = arith.constant 12 : i32
      %add3A_1675 = arith.addi %mul3A_1673, %add3A_1674 : i32
      %broadcast_in_dim3A_1676 = arith.constant 0.000000e+00 : f32
      %broadcast_in_dim3A_1677 = vector.broadcast %broadcast_in_dim3A_1676 : f32 to vector<16xf32>
      %get3A_1678 = arith.index_cast %add3A_1675 : i32 to index
      %get3A_1679 = arith.constant 0 : index
      %get3A_1680 = tpu.vector_load %arg11[%get3A_1678, %get3A_1679] {strides = array<i32>} : memref<512x64xf32, #tpu.memory_space<vmem>>, vector<1x16xf32>,
      %get3A_1681 = vector.shape_cast %get3A_1680 : vector<1x16xf32> to vector<16xf32>
      %get3A_1682 = arith.index_cast %add3A_1675 : i32 to index
      %get3A_1683 = arith.constant 0 : index
      %get3A_1684 = tpu.vector_load %arg12[%get3A_1682, %get3A_1683] {strides = array<i32>} : memref<512x64xf32, #tpu.memory_space<vmem>>, vector<1x16xf32>,
      %get3A_1685 = vector.shape_cast %get3A_1684 : vector<1x16xf32> to vector<16xf32>
      %add3A_1686 = arith.addf %get3A_1681, %get3A_1685 : vector<16xf32>
      %get3A_1687 = arith.index_cast %add3A_1675 : i32 to index
      %get3A_1688 = arith.constant 0 : index
      %get3A_1689 = tpu.vector_load %arg13[%get3A_1687, %get3A_1688] {strides = array<i32>} : memref<512x64xf32, #tpu.memory_space<vmem>>, vector<1x16xf32>,
      %get3A_1690 = vector.shape_cast %get3A_1689 : vector<1x16xf32> to vector<16xf32>
      %sub3A_1691 = arith.subf %add3A_1686, %get3A_1690 : vector<16xf32>
      %abs3A_1692 = math.absf %sub3A_1691 : vector<16xf32>
      %add3A_1693 = arith.addf %broadcast_in_dim3A_1677, %abs3A_1692 : vector<16xf32>
      %get3A_1694 = arith.index_cast %add3A_1675 : i32 to index
      %get3A_1695 = arith.constant 16 : index
      %get3A_1696 = tpu.vector_load %arg11[%get3A_1694, %get3A_1695] {strides = array<i32>} : memref<512x64xf32, #tpu.memory_space<vmem>>, vector<1x16xf32>,
      %get3A_1697 = vector.shape_cast %get3A_1696 : vector<1x16xf32> to vector<16xf32>
      %get3A_1698 = arith.index_cast %add3A_1675 : i32 to index
      %get3A_1699 = arith.constant 16 : index
      %get3A_1700 = tpu.vector_load %arg12[%get3A_1698, %get3A_1699] {strides = array<i32>} : memref<512x64xf32, #tpu.memory_space<vmem>>, vector<1x16xf32>,
      %get3A_1701 = vector.shape_cast %get3A_1700 : vector<1x16xf32> to vector<16xf32>
      %add3A_1702 = arith.addf %get3A_1697, %get3A_1701 : vector<16xf32>
      %get3A_1703 = arith.index_cast %add3A_1675 : i32 to index
      %get3A_1704 = arith.constant 16 : index
      %get3A_1705 = tpu.vector_load %arg13[%get3A_1703, %get3A_1704] {strides = array<i32>} : memref<512x64xf32, #tpu.memory_space<vmem>>, vector<1x16xf32>,
      %get3A_1706 = vector.shape_cast %get3A_1705 : vector<1x16xf32> to vector<16xf32>
      %sub3A_1707 = arith.subf %add3A_1702, %get3A_1706 : vector<16xf32>
      %abs3A_1708 = math.absf %sub3A_1707 : vector<16xf32>
      %add3A_1709 = arith.addf %add3A_1693, %abs3A_1708 : vector<16xf32>
      %get3A_1710 = arith.index_cast %add3A_1675 : i32 to index
      %get3A_1711 = arith.constant 32 : index
      %get3A_1712 = tpu.vector_load %arg11[%get3A_1710, %get3A_1711] {strides = array<i32>} : memref<512x64xf32, #tpu.memory_space<vmem>>, vector<1x16xf32>,
      %get3A_1713 = vector.shape_cast %get3A_1712 : vector<1x16xf32> to vector<16xf32>
      %get3A_1714 = arith.index_cast %add3A_1675 : i32 to index
      %get3A_1715 = arith.constant 32 : index
      %get3A_1716 = tpu.vector_load %arg12[%get3A_1714, %get3A_1715] {strides = array<i32>} : memref<512x64xf32, #tpu.memory_space<vmem>>, vector<1x16xf32>,
      %get3A_1717 = vector.shape_cast %get3A_1716 : vector<1x16xf32> to vector<16xf32>
      %add3A_1718 = arith.addf %get3A_1713, %get3A_1717 : vector<16xf32>
      %get3A_1719 = arith.index_cast %add3A_1675 : i32 to index
      %get3A_1720 = arith.constant 32 : index
      %get3A_1721 = tpu.vector_load %arg13[%get3A_1719, %get3A_1720] {strides = array<i32>} : memref<512x64xf32, #tpu.memory_space<vmem>>, vector<1x16xf32>,
      %get3A_1722 = vector.shape_cast %get3A_1721 : vector<1x16xf32> to vector<16xf32>
      %sub3A_1723 = arith.subf %add3A_1718, %get3A_1722 : vector<16xf32>
      %abs3A_1724 = math.absf %sub3A_1723 : vector<16xf32>
      %add3A_1725 = arith.addf %add3A_1709, %abs3A_1724 : vector<16xf32>
      %get3A_1726 = arith.index_cast %add3A_1675 : i32 to index
      %get3A_1727 = arith.constant 48 : index
      %get3A_1728 = tpu.vector_load %arg11[%get3A_1726, %get3A_1727] {strides = array<i32>} : memref<512x64xf32, #tpu.memory_space<vmem>>, vector<1x16xf32>,
      %get3A_1729 = vector.shape_cast %get3A_1728 : vector<1x16xf32> to vector<16xf32>
      %get3A_1730 = arith.index_cast %add3A_1675 : i32 to index
      %get3A_1731 = arith.constant 48 : index
      %get3A_1732 = tpu.vector_load %arg12[%get3A_1730, %get3A_1731] {strides = array<i32>} : memref<512x64xf32, #tpu.memory_space<vmem>>, vector<1x16xf32>,
      %get3A_1733 = vector.shape_cast %get3A_1732 : vector<1x16xf32> to vector<16xf32>
      %add3A_1734 = arith.addf %get3A_1729, %get3A_1733 : vector<16xf32>
      %get3A_1735 = arith.index_cast %add3A_1675 : i32 to index
      %get3A_1736 = arith.constant 48 : index
      %get3A_1737 = tpu.vector_load %arg13[%get3A_1735, %get3A_1736] {strides = array<i32>} : memref<512x64xf32, #tpu.memory_space<vmem>>, vector<1x16xf32>,
      %get3A_1738 = vector.shape_cast %get3A_1737 : vector<1x16xf32> to vector<16xf32>
      %sub3A_1739 = arith.subf %add3A_1734, %get3A_1738 : vector<16xf32>
      %abs3A_1740 = math.absf %sub3A_1739 : vector<16xf32>
      %add3A_1741 = arith.addf %add3A_1725, %abs3A_1740 : vector<16xf32>
      %lt3A_1742 = arith.constant 0 : i32
      %lt3A_1743 = vector.broadcast %lt3A_1742 : i32 to vector<16xi32>
      %lt3A_1744 = arith.cmpi slt, %xor3A_242, %lt3A_1743 : vector<16xi32>
      %add3A_1745 = arith.constant 16 : i32
      %add3A_1746 = vector.broadcast %add3A_1745 : i32 to vector<16xi32>
      %add3A_1747 = arith.addi %xor3A_242, %add3A_1746 : vector<16xi32>
      %select_n3A_1748 = arith.select %lt3A_1744, %add3A_1747, %xor3A_242 : vector<16xi1>, vector<16xi32>
      %broadcast_in_dim3A_1749 = vector.shape_cast %select_n3A_1748 : vector<16xi32> to vector<16x1xi32>
      %gather3A_1750 = vector.shape_cast %broadcast_in_dim3A_1749 : vector<16x1xi32> to vector<16xi32>
      %gather3A_1751 = tpu.dynamic_gather %add3A_1741[%gather3A_1750] in [0] : vector<16xf32>, vector<16xi32> -> vector<16xf32>
      %add3A_1752 = arith.addf %add3A_1741, %gather3A_1751 : vector<16xf32>
      %lt3A_1753 = arith.constant 0 : i32
      %lt3A_1754 = vector.broadcast %lt3A_1753 : i32 to vector<16xi32>
      %lt3A_1755 = arith.cmpi slt, %xor3A_245, %lt3A_1754 : vector<16xi32>
      %add3A_1756 = arith.constant 16 : i32
      %add3A_1757 = vector.broadcast %add3A_1756 : i32 to vector<16xi32>
      %add3A_1758 = arith.addi %xor3A_245, %add3A_1757 : vector<16xi32>
      %select_n3A_1759 = arith.select %lt3A_1755, %add3A_1758, %xor3A_245 : vector<16xi1>, vector<16xi32>
      %broadcast_in_dim3A_1760 = vector.shape_cast %select_n3A_1759 : vector<16xi32> to vector<16x1xi32>
      %gather3A_1761 = vector.shape_cast %broadcast_in_dim3A_1760 : vector<16x1xi32> to vector<16xi32>
      %gather3A_1762 = tpu.dynamic_gather %add3A_1752[%gather3A_1761] in [0] : vector<16xf32>, vector<16xi32> -> vector<16xf32>
      %add3A_1763 = arith.addf %add3A_1752, %gather3A_1762 : vector<16xf32>
      %lt3A_1764 = arith.constant 0 : i32
      %lt3A_1765 = vector.broadcast %lt3A_1764 : i32 to vector<16xi32>
      %lt3A_1766 = arith.cmpi slt, %xor3A_248, %lt3A_1765 : vector<16xi32>
      %add3A_1767 = arith.constant 16 : i32
      %add3A_1768 = vector.broadcast %add3A_1767 : i32 to vector<16xi32>
      %add3A_1769 = arith.addi %xor3A_248, %add3A_1768 : vector<16xi32>
      %select_n3A_1770 = arith.select %lt3A_1766, %add3A_1769, %xor3A_248 : vector<16xi1>, vector<16xi32>
      %broadcast_in_dim3A_1771 = vector.shape_cast %select_n3A_1770 : vector<16xi32> to vector<16x1xi32>
      %gather3A_1772 = vector.shape_cast %broadcast_in_dim3A_1771 : vector<16x1xi32> to vector<16xi32>
      %gather3A_1773 = tpu.dynamic_gather %add3A_1763[%gather3A_1772] in [0] : vector<16xf32>, vector<16xi32> -> vector<16xf32>
      %add3A_1774 = arith.addf %add3A_1763, %gather3A_1773 : vector<16xf32>
      %lt3A_1775 = arith.constant 0 : i32
      %lt3A_1776 = vector.broadcast %lt3A_1775 : i32 to vector<16xi32>
      %lt3A_1777 = arith.cmpi slt, %xor3A_251, %lt3A_1776 : vector<16xi32>
      %add3A_1778 = arith.constant 16 : i32
      %add3A_1779 = vector.broadcast %add3A_1778 : i32 to vector<16xi32>
      %add3A_1780 = arith.addi %xor3A_251, %add3A_1779 : vector<16xi32>
      %select_n3A_1781 = arith.select %lt3A_1777, %add3A_1780, %xor3A_251 : vector<16xi1>, vector<16xi32>
      %broadcast_in_dim3A_1782 = vector.shape_cast %select_n3A_1781 : vector<16xi32> to vector<16x1xi32>
      %gather3A_1783 = vector.shape_cast %broadcast_in_dim3A_1782 : vector<16x1xi32> to vector<16xi32>
      %gather3A_1784 = tpu.dynamic_gather %add3A_1774[%gather3A_1783] in [0] : vector<16xf32>, vector<16xi32> -> vector<16xf32>
      %add3A_1785 = arith.addf %add3A_1774, %gather3A_1784 : vector<16xf32>
      %eq3A_1786 = arith.constant 12 : i32
      %eq3A_1787 = vector.broadcast %eq3A_1786 : i32 to vector<16xi32>
      %eq3A_1788 = arith.cmpi eq, %iota3A, %eq3A_1787 : vector<16xi32>
      %select_n3A_1789 = arith.select %eq3A_1788, %add3A_1785, %select_n3A_1671 : vector<16xi1>, vector<16xf32>
      %mul3A_1790 = arith.constant 16 : i32
      %mul3A_1791 = arith.muli %scan3A_260, %mul3A_1790 : i32
      %add3A_1792 = arith.constant 13 : i32
      %add3A_1793 = arith.addi %mul3A_1791, %add3A_1792 : i32
      %broadcast_in_dim3A_1794 = arith.constant 0.000000e+00 : f32
      %broadcast_in_dim3A_1795 = vector.broadcast %broadcast_in_dim3A_1794 : f32 to vector<16xf32>
      %get3A_1796 = arith.index_cast %add3A_1793 : i32 to index
      %get3A_1797 = arith.constant 0 : index
      %get3A_1798 = tpu.vector_load %arg11[%get3A_1796, %get3A_1797] {strides = array<i32>} : memref<512x64xf32, #tpu.memory_space<vmem>>, vector<1x16xf32>,
      %get3A_1799 = vector.shape_cast %get3A_1798 : vector<1x16xf32> to vector<16xf32>
      %get3A_1800 = arith.index_cast %add3A_1793 : i32 to index
      %get3A_1801 = arith.constant 0 : index
      %get3A_1802 = tpu.vector_load %arg12[%get3A_1800, %get3A_1801] {strides = array<i32>} : memref<512x64xf32, #tpu.memory_space<vmem>>, vector<1x16xf32>,
      %get3A_1803 = vector.shape_cast %get3A_1802 : vector<1x16xf32> to vector<16xf32>
      %add3A_1804 = arith.addf %get3A_1799, %get3A_1803 : vector<16xf32>
      %get3A_1805 = arith.index_cast %add3A_1793 : i32 to index
      %get3A_1806 = arith.constant 0 : index
      %get3A_1807 = tpu.vector_load %arg13[%get3A_1805, %get3A_1806] {strides = array<i32>} : memref<512x64xf32, #tpu.memory_space<vmem>>, vector<1x16xf32>,
      %get3A_1808 = vector.shape_cast %get3A_1807 : vector<1x16xf32> to vector<16xf32>
      %sub3A_1809 = arith.subf %add3A_1804, %get3A_1808 : vector<16xf32>
      %abs3A_1810 = math.absf %sub3A_1809 : vector<16xf32>
      %add3A_1811 = arith.addf %broadcast_in_dim3A_1795, %abs3A_1810 : vector<16xf32>
      %get3A_1812 = arith.index_cast %add3A_1793 : i32 to index
      %get3A_1813 = arith.constant 16 : index
      %get3A_1814 = tpu.vector_load %arg11[%get3A_1812, %get3A_1813] {strides = array<i32>} : memref<512x64xf32, #tpu.memory_space<vmem>>, vector<1x16xf32>,
      %get3A_1815 = vector.shape_cast %get3A_1814 : vector<1x16xf32> to vector<16xf32>
      %get3A_1816 = arith.index_cast %add3A_1793 : i32 to index
      %get3A_1817 = arith.constant 16 : index
      %get3A_1818 = tpu.vector_load %arg12[%get3A_1816, %get3A_1817] {strides = array<i32>} : memref<512x64xf32, #tpu.memory_space<vmem>>, vector<1x16xf32>,
      %get3A_1819 = vector.shape_cast %get3A_1818 : vector<1x16xf32> to vector<16xf32>
      %add3A_1820 = arith.addf %get3A_1815, %get3A_1819 : vector<16xf32>
      %get3A_1821 = arith.index_cast %add3A_1793 : i32 to index
      %get3A_1822 = arith.constant 16 : index
      %get3A_1823 = tpu.vector_load %arg13[%get3A_1821, %get3A_1822] {strides = array<i32>} : memref<512x64xf32, #tpu.memory_space<vmem>>, vector<1x16xf32>,
      %get3A_1824 = vector.shape_cast %get3A_1823 : vector<1x16xf32> to vector<16xf32>
      %sub3A_1825 = arith.subf %add3A_1820, %get3A_1824 : vector<16xf32>
      %abs3A_1826 = math.absf %sub3A_1825 : vector<16xf32>
      %add3A_1827 = arith.addf %add3A_1811, %abs3A_1826 : vector<16xf32>
      %get3A_1828 = arith.index_cast %add3A_1793 : i32 to index
      %get3A_1829 = arith.constant 32 : index
      %get3A_1830 = tpu.vector_load %arg11[%get3A_1828, %get3A_1829] {strides = array<i32>} : memref<512x64xf32, #tpu.memory_space<vmem>>, vector<1x16xf32>,
      %get3A_1831 = vector.shape_cast %get3A_1830 : vector<1x16xf32> to vector<16xf32>
      %get3A_1832 = arith.index_cast %add3A_1793 : i32 to index
      %get3A_1833 = arith.constant 32 : index
      %get3A_1834 = tpu.vector_load %arg12[%get3A_1832, %get3A_1833] {strides = array<i32>} : memref<512x64xf32, #tpu.memory_space<vmem>>, vector<1x16xf32>,
      %get3A_1835 = vector.shape_cast %get3A_1834 : vector<1x16xf32> to vector<16xf32>
      %add3A_1836 = arith.addf %get3A_1831, %get3A_1835 : vector<16xf32>
      %get3A_1837 = arith.index_cast %add3A_1793 : i32 to index
      %get3A_1838 = arith.constant 32 : index
      %get3A_1839 = tpu.vector_load %arg13[%get3A_1837, %get3A_1838] {strides = array<i32>} : memref<512x64xf32, #tpu.memory_space<vmem>>, vector<1x16xf32>,
      %get3A_1840 = vector.shape_cast %get3A_1839 : vector<1x16xf32> to vector<16xf32>
      %sub3A_1841 = arith.subf %add3A_1836, %get3A_1840 : vector<16xf32>
      %abs3A_1842 = math.absf %sub3A_1841 : vector<16xf32>
      %add3A_1843 = arith.addf %add3A_1827, %abs3A_1842 : vector<16xf32>
      %get3A_1844 = arith.index_cast %add3A_1793 : i32 to index
      %get3A_1845 = arith.constant 48 : index
      %get3A_1846 = tpu.vector_load %arg11[%get3A_1844, %get3A_1845] {strides = array<i32>} : memref<512x64xf32, #tpu.memory_space<vmem>>, vector<1x16xf32>,
      %get3A_1847 = vector.shape_cast %get3A_1846 : vector<1x16xf32> to vector<16xf32>
      %get3A_1848 = arith.index_cast %add3A_1793 : i32 to index
      %get3A_1849 = arith.constant 48 : index
      %get3A_1850 = tpu.vector_load %arg12[%get3A_1848, %get3A_1849] {strides = array<i32>} : memref<512x64xf32, #tpu.memory_space<vmem>>, vector<1x16xf32>,
      %get3A_1851 = vector.shape_cast %get3A_1850 : vector<1x16xf32> to vector<16xf32>
      %add3A_1852 = arith.addf %get3A_1847, %get3A_1851 : vector<16xf32>
      %get3A_1853 = arith.index_cast %add3A_1793 : i32 to index
      %get3A_1854 = arith.constant 48 : index
      %get3A_1855 = tpu.vector_load %arg13[%get3A_1853, %get3A_1854] {strides = array<i32>} : memref<512x64xf32, #tpu.memory_space<vmem>>, vector<1x16xf32>,
      %get3A_1856 = vector.shape_cast %get3A_1855 : vector<1x16xf32> to vector<16xf32>
      %sub3A_1857 = arith.subf %add3A_1852, %get3A_1856 : vector<16xf32>
      %abs3A_1858 = math.absf %sub3A_1857 : vector<16xf32>
      %add3A_1859 = arith.addf %add3A_1843, %abs3A_1858 : vector<16xf32>
      %lt3A_1860 = arith.constant 0 : i32
      %lt3A_1861 = vector.broadcast %lt3A_1860 : i32 to vector<16xi32>
      %lt3A_1862 = arith.cmpi slt, %xor3A_242, %lt3A_1861 : vector<16xi32>
      %add3A_1863 = arith.constant 16 : i32
      %add3A_1864 = vector.broadcast %add3A_1863 : i32 to vector<16xi32>
      %add3A_1865 = arith.addi %xor3A_242, %add3A_1864 : vector<16xi32>
      %select_n3A_1866 = arith.select %lt3A_1862, %add3A_1865, %xor3A_242 : vector<16xi1>, vector<16xi32>
      %broadcast_in_dim3A_1867 = vector.shape_cast %select_n3A_1866 : vector<16xi32> to vector<16x1xi32>
      %gather3A_1868 = vector.shape_cast %broadcast_in_dim3A_1867 : vector<16x1xi32> to vector<16xi32>
      %gather3A_1869 = tpu.dynamic_gather %add3A_1859[%gather3A_1868] in [0] : vector<16xf32>, vector<16xi32> -> vector<16xf32>
      %add3A_1870 = arith.addf %add3A_1859, %gather3A_1869 : vector<16xf32>
      %lt3A_1871 = arith.constant 0 : i32
      %lt3A_1872 = vector.broadcast %lt3A_1871 : i32 to vector<16xi32>
      %lt3A_1873 = arith.cmpi slt, %xor3A_245, %lt3A_1872 : vector<16xi32>
      %add3A_1874 = arith.constant 16 : i32
      %add3A_1875 = vector.broadcast %add3A_1874 : i32 to vector<16xi32>
      %add3A_1876 = arith.addi %xor3A_245, %add3A_1875 : vector<16xi32>
      %select_n3A_1877 = arith.select %lt3A_1873, %add3A_1876, %xor3A_245 : vector<16xi1>, vector<16xi32>
      %broadcast_in_dim3A_1878 = vector.shape_cast %select_n3A_1877 : vector<16xi32> to vector<16x1xi32>
      %gather3A_1879 = vector.shape_cast %broadcast_in_dim3A_1878 : vector<16x1xi32> to vector<16xi32>
      %gather3A_1880 = tpu.dynamic_gather %add3A_1870[%gather3A_1879] in [0] : vector<16xf32>, vector<16xi32> -> vector<16xf32>
      %add3A_1881 = arith.addf %add3A_1870, %gather3A_1880 : vector<16xf32>
      %lt3A_1882 = arith.constant 0 : i32
      %lt3A_1883 = vector.broadcast %lt3A_1882 : i32 to vector<16xi32>
      %lt3A_1884 = arith.cmpi slt, %xor3A_248, %lt3A_1883 : vector<16xi32>
      %add3A_1885 = arith.constant 16 : i32
      %add3A_1886 = vector.broadcast %add3A_1885 : i32 to vector<16xi32>
      %add3A_1887 = arith.addi %xor3A_248, %add3A_1886 : vector<16xi32>
      %select_n3A_1888 = arith.select %lt3A_1884, %add3A_1887, %xor3A_248 : vector<16xi1>, vector<16xi32>
      %broadcast_in_dim3A_1889 = vector.shape_cast %select_n3A_1888 : vector<16xi32> to vector<16x1xi32>
      %gather3A_1890 = vector.shape_cast %broadcast_in_dim3A_1889 : vector<16x1xi32> to vector<16xi32>
      %gather3A_1891 = tpu.dynamic_gather %add3A_1881[%gather3A_1890] in [0] : vector<16xf32>, vector<16xi32> -> vector<16xf32>
      %add3A_1892 = arith.addf %add3A_1881, %gather3A_1891 : vector<16xf32>
      %lt3A_1893 = arith.constant 0 : i32
      %lt3A_1894 = vector.broadcast %lt3A_1893 : i32 to vector<16xi32>
      %lt3A_1895 = arith.cmpi slt, %xor3A_251, %lt3A_1894 : vector<16xi32>
      %add3A_1896 = arith.constant 16 : i32
      %add3A_1897 = vector.broadcast %add3A_1896 : i32 to vector<16xi32>
      %add3A_1898 = arith.addi %xor3A_251, %add3A_1897 : vector<16xi32>
      %select_n3A_1899 = arith.select %lt3A_1895, %add3A_1898, %xor3A_251 : vector<16xi1>, vector<16xi32>
      %broadcast_in_dim3A_1900 = vector.shape_cast %select_n3A_1899 : vector<16xi32> to vector<16x1xi32>
      %gather3A_1901 = vector.shape_cast %broadcast_in_dim3A_1900 : vector<16x1xi32> to vector<16xi32>
      %gather3A_1902 = tpu.dynamic_gather %add3A_1892[%gather3A_1901] in [0] : vector<16xf32>, vector<16xi32> -> vector<16xf32>
      %add3A_1903 = arith.addf %add3A_1892, %gather3A_1902 : vector<16xf32>
      %eq3A_1904 = arith.constant 13 : i32
      %eq3A_1905 = vector.broadcast %eq3A_1904 : i32 to vector<16xi32>
      %eq3A_1906 = arith.cmpi eq, %iota3A, %eq3A_1905 : vector<16xi32>
      %select_n3A_1907 = arith.select %eq3A_1906, %add3A_1903, %select_n3A_1789 : vector<16xi1>, vector<16xf32>
      %mul3A_1908 = arith.constant 16 : i32
      %mul3A_1909 = arith.muli %scan3A_260, %mul3A_1908 : i32
      %add3A_1910 = arith.constant 14 : i32
      %add3A_1911 = arith.addi %mul3A_1909, %add3A_1910 : i32
      %broadcast_in_dim3A_1912 = arith.constant 0.000000e+00 : f32
      %broadcast_in_dim3A_1913 = vector.broadcast %broadcast_in_dim3A_1912 : f32 to vector<16xf32>
      %get3A_1914 = arith.index_cast %add3A_1911 : i32 to index
      %get3A_1915 = arith.constant 0 : index
      %get3A_1916 = tpu.vector_load %arg11[%get3A_1914, %get3A_1915] {strides = array<i32>} : memref<512x64xf32, #tpu.memory_space<vmem>>, vector<1x16xf32>,
      %get3A_1917 = vector.shape_cast %get3A_1916 : vector<1x16xf32> to vector<16xf32>
      %get3A_1918 = arith.index_cast %add3A_1911 : i32 to index
      %get3A_1919 = arith.constant 0 : index
      %get3A_1920 = tpu.vector_load %arg12[%get3A_1918, %get3A_1919] {strides = array<i32>} : memref<512x64xf32, #tpu.memory_space<vmem>>, vector<1x16xf32>,
      %get3A_1921 = vector.shape_cast %get3A_1920 : vector<1x16xf32> to vector<16xf32>
      %add3A_1922 = arith.addf %get3A_1917, %get3A_1921 : vector<16xf32>
      %get3A_1923 = arith.index_cast %add3A_1911 : i32 to index
      %get3A_1924 = arith.constant 0 : index
      %get3A_1925 = tpu.vector_load %arg13[%get3A_1923, %get3A_1924] {strides = array<i32>} : memref<512x64xf32, #tpu.memory_space<vmem>>, vector<1x16xf32>,
      %get3A_1926 = vector.shape_cast %get3A_1925 : vector<1x16xf32> to vector<16xf32>
      %sub3A_1927 = arith.subf %add3A_1922, %get3A_1926 : vector<16xf32>
      %abs3A_1928 = math.absf %sub3A_1927 : vector<16xf32>
      %add3A_1929 = arith.addf %broadcast_in_dim3A_1913, %abs3A_1928 : vector<16xf32>
      %get3A_1930 = arith.index_cast %add3A_1911 : i32 to index
      %get3A_1931 = arith.constant 16 : index
      %get3A_1932 = tpu.vector_load %arg11[%get3A_1930, %get3A_1931] {strides = array<i32>} : memref<512x64xf32, #tpu.memory_space<vmem>>, vector<1x16xf32>,
      %get3A_1933 = vector.shape_cast %get3A_1932 : vector<1x16xf32> to vector<16xf32>
      %get3A_1934 = arith.index_cast %add3A_1911 : i32 to index
      %get3A_1935 = arith.constant 16 : index
      %get3A_1936 = tpu.vector_load %arg12[%get3A_1934, %get3A_1935] {strides = array<i32>} : memref<512x64xf32, #tpu.memory_space<vmem>>, vector<1x16xf32>,
      %get3A_1937 = vector.shape_cast %get3A_1936 : vector<1x16xf32> to vector<16xf32>
      %add3A_1938 = arith.addf %get3A_1933, %get3A_1937 : vector<16xf32>
      %get3A_1939 = arith.index_cast %add3A_1911 : i32 to index
      %get3A_1940 = arith.constant 16 : index
      %get3A_1941 = tpu.vector_load %arg13[%get3A_1939, %get3A_1940] {strides = array<i32>} : memref<512x64xf32, #tpu.memory_space<vmem>>, vector<1x16xf32>,
      %get3A_1942 = vector.shape_cast %get3A_1941 : vector<1x16xf32> to vector<16xf32>
      %sub3A_1943 = arith.subf %add3A_1938, %get3A_1942 : vector<16xf32>
      %abs3A_1944 = math.absf %sub3A_1943 : vector<16xf32>
      %add3A_1945 = arith.addf %add3A_1929, %abs3A_1944 : vector<16xf32>
      %get3A_1946 = arith.index_cast %add3A_1911 : i32 to index
      %get3A_1947 = arith.constant 32 : index
      %get3A_1948 = tpu.vector_load %arg11[%get3A_1946, %get3A_1947] {strides = array<i32>} : memref<512x64xf32, #tpu.memory_space<vmem>>, vector<1x16xf32>,
      %get3A_1949 = vector.shape_cast %get3A_1948 : vector<1x16xf32> to vector<16xf32>
      %get3A_1950 = arith.index_cast %add3A_1911 : i32 to index
      %get3A_1951 = arith.constant 32 : index
      %get3A_1952 = tpu.vector_load %arg12[%get3A_1950, %get3A_1951] {strides = array<i32>} : memref<512x64xf32, #tpu.memory_space<vmem>>, vector<1x16xf32>,
      %get3A_1953 = vector.shape_cast %get3A_1952 : vector<1x16xf32> to vector<16xf32>
      %add3A_1954 = arith.addf %get3A_1949, %get3A_1953 : vector<16xf32>
      %get3A_1955 = arith.index_cast %add3A_1911 : i32 to index
      %get3A_1956 = arith.constant 32 : index
      %get3A_1957 = tpu.vector_load %arg13[%get3A_1955, %get3A_1956] {strides = array<i32>} : memref<512x64xf32, #tpu.memory_space<vmem>>, vector<1x16xf32>,
      %get3A_1958 = vector.shape_cast %get3A_1957 : vector<1x16xf32> to vector<16xf32>
      %sub3A_1959 = arith.subf %add3A_1954, %get3A_1958 : vector<16xf32>
      %abs3A_1960 = math.absf %sub3A_1959 : vector<16xf32>
      %add3A_1961 = arith.addf %add3A_1945, %abs3A_1960 : vector<16xf32>
      %get3A_1962 = arith.index_cast %add3A_1911 : i32 to index
      %get3A_1963 = arith.constant 48 : index
      %get3A_1964 = tpu.vector_load %arg11[%get3A_1962, %get3A_1963] {strides = array<i32>} : memref<512x64xf32, #tpu.memory_space<vmem>>, vector<1x16xf32>,
      %get3A_1965 = vector.shape_cast %get3A_1964 : vector<1x16xf32> to vector<16xf32>
      %get3A_1966 = arith.index_cast %add3A_1911 : i32 to index
      %get3A_1967 = arith.constant 48 : index
      %get3A_1968 = tpu.vector_load %arg12[%get3A_1966, %get3A_1967] {strides = array<i32>} : memref<512x64xf32, #tpu.memory_space<vmem>>, vector<1x16xf32>,
      %get3A_1969 = vector.shape_cast %get3A_1968 : vector<1x16xf32> to vector<16xf32>
      %add3A_1970 = arith.addf %get3A_1965, %get3A_1969 : vector<16xf32>
      %get3A_1971 = arith.index_cast %add3A_1911 : i32 to index
      %get3A_1972 = arith.constant 48 : index
      %get3A_1973 = tpu.vector_load %arg13[%get3A_1971, %get3A_1972] {strides = array<i32>} : memref<512x64xf32, #tpu.memory_space<vmem>>, vector<1x16xf32>,
      %get3A_1974 = vector.shape_cast %get3A_1973 : vector<1x16xf32> to vector<16xf32>
      %sub3A_1975 = arith.subf %add3A_1970, %get3A_1974 : vector<16xf32>
      %abs3A_1976 = math.absf %sub3A_1975 : vector<16xf32>
      %add3A_1977 = arith.addf %add3A_1961, %abs3A_1976 : vector<16xf32>
      %lt3A_1978 = arith.constant 0 : i32
      %lt3A_1979 = vector.broadcast %lt3A_1978 : i32 to vector<16xi32>
      %lt3A_1980 = arith.cmpi slt, %xor3A_242, %lt3A_1979 : vector<16xi32>
      %add3A_1981 = arith.constant 16 : i32
      %add3A_1982 = vector.broadcast %add3A_1981 : i32 to vector<16xi32>
      %add3A_1983 = arith.addi %xor3A_242, %add3A_1982 : vector<16xi32>
      %select_n3A_1984 = arith.select %lt3A_1980, %add3A_1983, %xor3A_242 : vector<16xi1>, vector<16xi32>
      %broadcast_in_dim3A_1985 = vector.shape_cast %select_n3A_1984 : vector<16xi32> to vector<16x1xi32>
      %gather3A_1986 = vector.shape_cast %broadcast_in_dim3A_1985 : vector<16x1xi32> to vector<16xi32>
      %gather3A_1987 = tpu.dynamic_gather %add3A_1977[%gather3A_1986] in [0] : vector<16xf32>, vector<16xi32> -> vector<16xf32>
      %add3A_1988 = arith.addf %add3A_1977, %gather3A_1987 : vector<16xf32>
      %lt3A_1989 = arith.constant 0 : i32
      %lt3A_1990 = vector.broadcast %lt3A_1989 : i32 to vector<16xi32>
      %lt3A_1991 = arith.cmpi slt, %xor3A_245, %lt3A_1990 : vector<16xi32>
      %add3A_1992 = arith.constant 16 : i32
      %add3A_1993 = vector.broadcast %add3A_1992 : i32 to vector<16xi32>
      %add3A_1994 = arith.addi %xor3A_245, %add3A_1993 : vector<16xi32>
      %select_n3A_1995 = arith.select %lt3A_1991, %add3A_1994, %xor3A_245 : vector<16xi1>, vector<16xi32>
      %broadcast_in_dim3A_1996 = vector.shape_cast %select_n3A_1995 : vector<16xi32> to vector<16x1xi32>
      %gather3A_1997 = vector.shape_cast %broadcast_in_dim3A_1996 : vector<16x1xi32> to vector<16xi32>
      %gather3A_1998 = tpu.dynamic_gather %add3A_1988[%gather3A_1997] in [0] : vector<16xf32>, vector<16xi32> -> vector<16xf32>
      %add3A_1999 = arith.addf %add3A_1988, %gather3A_1998 : vector<16xf32>
      %lt3A_2000 = arith.constant 0 : i32
      %lt3A_2001 = vector.broadcast %lt3A_2000 : i32 to vector<16xi32>
      %lt3A_2002 = arith.cmpi slt, %xor3A_248, %lt3A_2001 : vector<16xi32>
      %add3A_2003 = arith.constant 16 : i32
      %add3A_2004 = vector.broadcast %add3A_2003 : i32 to vector<16xi32>
      %add3A_2005 = arith.addi %xor3A_248, %add3A_2004 : vector<16xi32>
      %select_n3A_2006 = arith.select %lt3A_2002, %add3A_2005, %xor3A_248 : vector<16xi1>, vector<16xi32>
      %broadcast_in_dim3A_2007 = vector.shape_cast %select_n3A_2006 : vector<16xi32> to vector<16x1xi32>
      %gather3A_2008 = vector.shape_cast %broadcast_in_dim3A_2007 : vector<16x1xi32> to vector<16xi32>
      %gather3A_2009 = tpu.dynamic_gather %add3A_1999[%gather3A_2008] in [0] : vector<16xf32>, vector<16xi32> -> vector<16xf32>
      %add3A_2010 = arith.addf %add3A_1999, %gather3A_2009 : vector<16xf32>
      %lt3A_2011 = arith.constant 0 : i32
      %lt3A_2012 = vector.broadcast %lt3A_2011 : i32 to vector<16xi32>
      %lt3A_2013 = arith.cmpi slt, %xor3A_251, %lt3A_2012 : vector<16xi32>
      %add3A_2014 = arith.constant 16 : i32
      %add3A_2015 = vector.broadcast %add3A_2014 : i32 to vector<16xi32>
      %add3A_2016 = arith.addi %xor3A_251, %add3A_2015 : vector<16xi32>
      %select_n3A_2017 = arith.select %lt3A_2013, %add3A_2016, %xor3A_251 : vector<16xi1>, vector<16xi32>
      %broadcast_in_dim3A_2018 = vector.shape_cast %select_n3A_2017 : vector<16xi32> to vector<16x1xi32>
      %gather3A_2019 = vector.shape_cast %broadcast_in_dim3A_2018 : vector<16x1xi32> to vector<16xi32>
      %gather3A_2020 = tpu.dynamic_gather %add3A_2010[%gather3A_2019] in [0] : vector<16xf32>, vector<16xi32> -> vector<16xf32>
      %add3A_2021 = arith.addf %add3A_2010, %gather3A_2020 : vector<16xf32>
      %eq3A_2022 = arith.constant 14 : i32
      %eq3A_2023 = vector.broadcast %eq3A_2022 : i32 to vector<16xi32>
      %eq3A_2024 = arith.cmpi eq, %iota3A, %eq3A_2023 : vector<16xi32>
      %select_n3A_2025 = arith.select %eq3A_2024, %add3A_2021, %select_n3A_1907 : vector<16xi1>, vector<16xf32>
      %mul3A_2026 = arith.constant 16 : i32
      %mul3A_2027 = arith.muli %scan3A_260, %mul3A_2026 : i32
      %add3A_2028 = arith.constant 15 : i32
      %add3A_2029 = arith.addi %mul3A_2027, %add3A_2028 : i32
      %broadcast_in_dim3A_2030 = arith.constant 0.000000e+00 : f32
      %broadcast_in_dim3A_2031 = vector.broadcast %broadcast_in_dim3A_2030 : f32 to vector<16xf32>
      %get3A_2032 = arith.index_cast %add3A_2029 : i32 to index
      %get3A_2033 = arith.constant 0 : index
      %get3A_2034 = tpu.vector_load %arg11[%get3A_2032, %get3A_2033] {strides = array<i32>} : memref<512x64xf32, #tpu.memory_space<vmem>>, vector<1x16xf32>,
      %get3A_2035 = vector.shape_cast %get3A_2034 : vector<1x16xf32> to vector<16xf32>
      %get3A_2036 = arith.index_cast %add3A_2029 : i32 to index
      %get3A_2037 = arith.constant 0 : index
      %get3A_2038 = tpu.vector_load %arg12[%get3A_2036, %get3A_2037] {strides = array<i32>} : memref<512x64xf32, #tpu.memory_space<vmem>>, vector<1x16xf32>,
      %get3A_2039 = vector.shape_cast %get3A_2038 : vector<1x16xf32> to vector<16xf32>
      %add3A_2040 = arith.addf %get3A_2035, %get3A_2039 : vector<16xf32>
      %get3A_2041 = arith.index_cast %add3A_2029 : i32 to index
      %get3A_2042 = arith.constant 0 : index
      %get3A_2043 = tpu.vector_load %arg13[%get3A_2041, %get3A_2042] {strides = array<i32>} : memref<512x64xf32, #tpu.memory_space<vmem>>, vector<1x16xf32>,
      %get3A_2044 = vector.shape_cast %get3A_2043 : vector<1x16xf32> to vector<16xf32>
      %sub3A_2045 = arith.subf %add3A_2040, %get3A_2044 : vector<16xf32>
      %abs3A_2046 = math.absf %sub3A_2045 : vector<16xf32>
      %add3A_2047 = arith.addf %broadcast_in_dim3A_2031, %abs3A_2046 : vector<16xf32>
      %get3A_2048 = arith.index_cast %add3A_2029 : i32 to index
      %get3A_2049 = arith.constant 16 : index
      %get3A_2050 = tpu.vector_load %arg11[%get3A_2048, %get3A_2049] {strides = array<i32>} : memref<512x64xf32, #tpu.memory_space<vmem>>, vector<1x16xf32>,
      %get3A_2051 = vector.shape_cast %get3A_2050 : vector<1x16xf32> to vector<16xf32>
      %get3A_2052 = arith.index_cast %add3A_2029 : i32 to index
      %get3A_2053 = arith.constant 16 : index
      %get3A_2054 = tpu.vector_load %arg12[%get3A_2052, %get3A_2053] {strides = array<i32>} : memref<512x64xf32, #tpu.memory_space<vmem>>, vector<1x16xf32>,
      %get3A_2055 = vector.shape_cast %get3A_2054 : vector<1x16xf32> to vector<16xf32>
      %add3A_2056 = arith.addf %get3A_2051, %get3A_2055 : vector<16xf32>
      %get3A_2057 = arith.index_cast %add3A_2029 : i32 to index
      %get3A_2058 = arith.constant 16 : index
      %get3A_2059 = tpu.vector_load %arg13[%get3A_2057, %get3A_2058] {strides = array<i32>} : memref<512x64xf32, #tpu.memory_space<vmem>>, vector<1x16xf32>,
      %get3A_2060 = vector.shape_cast %get3A_2059 : vector<1x16xf32> to vector<16xf32>
      %sub3A_2061 = arith.subf %add3A_2056, %get3A_2060 : vector<16xf32>
      %abs3A_2062 = math.absf %sub3A_2061 : vector<16xf32>
      %add3A_2063 = arith.addf %add3A_2047, %abs3A_2062 : vector<16xf32>
      %get3A_2064 = arith.index_cast %add3A_2029 : i32 to index
      %get3A_2065 = arith.constant 32 : index
      %get3A_2066 = tpu.vector_load %arg11[%get3A_2064, %get3A_2065] {strides = array<i32>} : memref<512x64xf32, #tpu.memory_space<vmem>>, vector<1x16xf32>,
      %get3A_2067 = vector.shape_cast %get3A_2066 : vector<1x16xf32> to vector<16xf32>
      %get3A_2068 = arith.index_cast %add3A_2029 : i32 to index
      %get3A_2069 = arith.constant 32 : index
      %get3A_2070 = tpu.vector_load %arg12[%get3A_2068, %get3A_2069] {strides = array<i32>} : memref<512x64xf32, #tpu.memory_space<vmem>>, vector<1x16xf32>,
      %get3A_2071 = vector.shape_cast %get3A_2070 : vector<1x16xf32> to vector<16xf32>
      %add3A_2072 = arith.addf %get3A_2067, %get3A_2071 : vector<16xf32>
      %get3A_2073 = arith.index_cast %add3A_2029 : i32 to index
      %get3A_2074 = arith.constant 32 : index
      %get3A_2075 = tpu.vector_load %arg13[%get3A_2073, %get3A_2074] {strides = array<i32>} : memref<512x64xf32, #tpu.memory_space<vmem>>, vector<1x16xf32>,
      %get3A_2076 = vector.shape_cast %get3A_2075 : vector<1x16xf32> to vector<16xf32>
      %sub3A_2077 = arith.subf %add3A_2072, %get3A_2076 : vector<16xf32>
      %abs3A_2078 = math.absf %sub3A_2077 : vector<16xf32>
      %add3A_2079 = arith.addf %add3A_2063, %abs3A_2078 : vector<16xf32>
      %get3A_2080 = arith.index_cast %add3A_2029 : i32 to index
      %get3A_2081 = arith.constant 48 : index
      %get3A_2082 = tpu.vector_load %arg11[%get3A_2080, %get3A_2081] {strides = array<i32>} : memref<512x64xf32, #tpu.memory_space<vmem>>, vector<1x16xf32>,
      %get3A_2083 = vector.shape_cast %get3A_2082 : vector<1x16xf32> to vector<16xf32>
      %get3A_2084 = arith.index_cast %add3A_2029 : i32 to index
      %get3A_2085 = arith.constant 48 : index
      %get3A_2086 = tpu.vector_load %arg12[%get3A_2084, %get3A_2085] {strides = array<i32>} : memref<512x64xf32, #tpu.memory_space<vmem>>, vector<1x16xf32>,
      %get3A_2087 = vector.shape_cast %get3A_2086 : vector<1x16xf32> to vector<16xf32>
      %add3A_2088 = arith.addf %get3A_2083, %get3A_2087 : vector<16xf32>
      %get3A_2089 = arith.index_cast %add3A_2029 : i32 to index
      %get3A_2090 = arith.constant 48 : index
      %get3A_2091 = tpu.vector_load %arg13[%get3A_2089, %get3A_2090] {strides = array<i32>} : memref<512x64xf32, #tpu.memory_space<vmem>>, vector<1x16xf32>,
      %get3A_2092 = vector.shape_cast %get3A_2091 : vector<1x16xf32> to vector<16xf32>
      %sub3A_2093 = arith.subf %add3A_2088, %get3A_2092 : vector<16xf32>
      %abs3A_2094 = math.absf %sub3A_2093 : vector<16xf32>
      %add3A_2095 = arith.addf %add3A_2079, %abs3A_2094 : vector<16xf32>
      %lt3A_2096 = arith.constant 0 : i32
      %lt3A_2097 = vector.broadcast %lt3A_2096 : i32 to vector<16xi32>
      %lt3A_2098 = arith.cmpi slt, %xor3A_242, %lt3A_2097 : vector<16xi32>
      %add3A_2099 = arith.constant 16 : i32
      %add3A_2100 = vector.broadcast %add3A_2099 : i32 to vector<16xi32>
      %add3A_2101 = arith.addi %xor3A_242, %add3A_2100 : vector<16xi32>
      %select_n3A_2102 = arith.select %lt3A_2098, %add3A_2101, %xor3A_242 : vector<16xi1>, vector<16xi32>
      %broadcast_in_dim3A_2103 = vector.shape_cast %select_n3A_2102 : vector<16xi32> to vector<16x1xi32>
      %gather3A_2104 = vector.shape_cast %broadcast_in_dim3A_2103 : vector<16x1xi32> to vector<16xi32>
      %gather3A_2105 = tpu.dynamic_gather %add3A_2095[%gather3A_2104] in [0] : vector<16xf32>, vector<16xi32> -> vector<16xf32>
      %add3A_2106 = arith.addf %add3A_2095, %gather3A_2105 : vector<16xf32>
      %lt3A_2107 = arith.constant 0 : i32
      %lt3A_2108 = vector.broadcast %lt3A_2107 : i32 to vector<16xi32>
      %lt3A_2109 = arith.cmpi slt, %xor3A_245, %lt3A_2108 : vector<16xi32>
      %add3A_2110 = arith.constant 16 : i32
      %add3A_2111 = vector.broadcast %add3A_2110 : i32 to vector<16xi32>
      %add3A_2112 = arith.addi %xor3A_245, %add3A_2111 : vector<16xi32>
      %select_n3A_2113 = arith.select %lt3A_2109, %add3A_2112, %xor3A_245 : vector<16xi1>, vector<16xi32>
      %broadcast_in_dim3A_2114 = vector.shape_cast %select_n3A_2113 : vector<16xi32> to vector<16x1xi32>
      %gather3A_2115 = vector.shape_cast %broadcast_in_dim3A_2114 : vector<16x1xi32> to vector<16xi32>
      %gather3A_2116 = tpu.dynamic_gather %add3A_2106[%gather3A_2115] in [0] : vector<16xf32>, vector<16xi32> -> vector<16xf32>
      %add3A_2117 = arith.addf %add3A_2106, %gather3A_2116 : vector<16xf32>
      %lt3A_2118 = arith.constant 0 : i32
      %lt3A_2119 = vector.broadcast %lt3A_2118 : i32 to vector<16xi32>
      %lt3A_2120 = arith.cmpi slt, %xor3A_248, %lt3A_2119 : vector<16xi32>
      %add3A_2121 = arith.constant 16 : i32
      %add3A_2122 = vector.broadcast %add3A_2121 : i32 to vector<16xi32>
      %add3A_2123 = arith.addi %xor3A_248, %add3A_2122 : vector<16xi32>
      %select_n3A_2124 = arith.select %lt3A_2120, %add3A_2123, %xor3A_248 : vector<16xi1>, vector<16xi32>
      %broadcast_in_dim3A_2125 = vector.shape_cast %select_n3A_2124 : vector<16xi32> to vector<16x1xi32>
      %gather3A_2126 = vector.shape_cast %broadcast_in_dim3A_2125 : vector<16x1xi32> to vector<16xi32>
      %gather3A_2127 = tpu.dynamic_gather %add3A_2117[%gather3A_2126] in [0] : vector<16xf32>, vector<16xi32> -> vector<16xf32>
      %add3A_2128 = arith.addf %add3A_2117, %gather3A_2127 : vector<16xf32>
      %lt3A_2129 = arith.constant 0 : i32
      %lt3A_2130 = vector.broadcast %lt3A_2129 : i32 to vector<16xi32>
      %lt3A_2131 = arith.cmpi slt, %xor3A_251, %lt3A_2130 : vector<16xi32>
      %add3A_2132 = arith.constant 16 : i32
      %add3A_2133 = vector.broadcast %add3A_2132 : i32 to vector<16xi32>
      %add3A_2134 = arith.addi %xor3A_251, %add3A_2133 : vector<16xi32>
      %select_n3A_2135 = arith.select %lt3A_2131, %add3A_2134, %xor3A_251 : vector<16xi1>, vector<16xi32>
      %broadcast_in_dim3A_2136 = vector.shape_cast %select_n3A_2135 : vector<16xi32> to vector<16x1xi32>
      %gather3A_2137 = vector.shape_cast %broadcast_in_dim3A_2136 : vector<16x1xi32> to vector<16xi32>
      %gather3A_2138 = tpu.dynamic_gather %add3A_2128[%gather3A_2137] in [0] : vector<16xf32>, vector<16xi32> -> vector<16xf32>
      %add3A_2139 = arith.addf %add3A_2128, %gather3A_2138 : vector<16xf32>
      %eq3A_2140 = arith.constant 15 : i32
      %eq3A_2141 = vector.broadcast %eq3A_2140 : i32 to vector<16xi32>
      %eq3A_2142 = arith.cmpi eq, %iota3A, %eq3A_2141 : vector<16xi32>
      %select_n3A_2143 = arith.select %eq3A_2142, %add3A_2139, %select_n3A_2025 : vector<16xi1>, vector<16xf32>
      %mul3A_2144 = arith.constant 16 : i32
      %mul3A_2145 = arith.muli %scan3A_260, %mul3A_2144 : i32
      %swap3A = arith.index_cast %mul3A_2145 : i32 to index
      %swap3A_2146 = tpu.vector_load %arg14[%swap3A] {strides = array<i32>} : memref<512xf32, #tpu.memory_space<vmem>>, vector<16xf32>,
      %swap3A_2147 = vector.shape_cast %swap3A_2146 : vector<16xf32> to vector<16xf32>
      %swap3A_2148 = vector.shape_cast %select_n3A_2143 : vector<16xf32> to vector<16xf32>
      tpu.vector_store %arg14[%swap3A], %swap3A_2148 {strides = array<i32>} : memref<512xf32, #tpu.memory_space<vmem>>, vector<16xf32>,
      %scan3A_2149 = arith.constant 0 : i32
      scf.yield %scan3A_2149 : i32
    }
    %scan3A_257 = arith.constant 32 : i32
    %mul3A_258 = arith.constant 512 : i32
    %mul3A_259 = arith.muli %add3A, %mul3A_258 : i32
    "tpu.region"() ({
      %run_scoped3A = tpu.sem_alloc : memref<!tpu.dma_semaphore, #tpu.memory_space<semaphore_mem>>
      %dma_start3A_260 = tpu.memref_slice %arg7[%mul3A_259] : memref<16384xf32, #tpu.memory_space<hbm>> -> memref<512xf32, #tpu.memory_space<hbm>>
      %dma_start3A_261 = tpu.memref_slice %arg7[%mul3A_259] : memref<16384xf32, #tpu.memory_space<hbm>> -> memref<512xf32, #tpu.memory_space<hbm>>
      tpu.enqueue_dma source(%arg14 : memref<512xf32, #tpu.memory_space<vmem>>) target(%dma_start3A_261 : memref<512xf32, #tpu.memory_space<hbm>>) target_semaphore(%run_scoped3A : memref<!tpu.dma_semaphore, #tpu.memory_space<semaphore_mem>>)
      %dma_wait3A_262 = tpu.memref_slice %arg7[%mul3A_259] : memref<16384xf32, #tpu.memory_space<hbm>> -> memref<512xf32, #tpu.memory_space<hbm>>
      %dma_wait3A_263 = tpu.memref_slice %arg7[%mul3A_259] : memref<16384xf32, #tpu.memory_space<hbm>> -> memref<512xf32, #tpu.memory_space<hbm>>
      tpu.wait_dma2 semaphore(%run_scoped3A : memref<!tpu.dma_semaphore, #tpu.memory_space<semaphore_mem>>) src(%arg14 : memref<512xf32, #tpu.memory_space<vmem>>) dst(%dma_wait3A_263 : memref<512xf32, #tpu.memory_space<hbm>>)
      tpu.yield
    }) : () -> ()
    return
  }
}

</mosaic_0001>

<sc_bundles>
// kernel: _transe_sc.3.cloned.1.call-start
scs
__scs_entry_jumppad:
0x0: {  	(pc) =	sbr.rel $0x88, $3  }
0x1: {  	(tag) =	ssettag $0x0;
	lr =	simm.s32 $0x1  }
0x2: {  	[smem:$0x3F9C] =	sst lr;
	_ =	strace $0xD0000000  }
0x3: {  	_ = 	snop  }
0x4: {  	_ = 	snop  }
0x5: {  	_ = 	snop  }
0x6: {  	_ = 	snop  }
0x7: {  	_ = 	snop  }
__scs_overlays_trampoline_lowered:
0x8: {  	[smem:$0x3FAB] =	sst s0  }
0x9: {  	[smem:$0x3FAC] =	sst s1  }
0xa: {  	[smem:$0x3FAD] =	sst s2  }
0xb: {  	[smem:$0x3FAE] =	sst s3  }
0xc: {  	[smem:$0x3FAF] =	sst s4  }
0xd: {  	[smem:$0x3FB0] =	sst s5  }
0xe: {  	[smem:$0x3FB1] =	sst s6  }
0xf: {  	[smem:$0x3FB2] =	sst s7  }
0x10: {  	[smem:$0x3FB3] =	sst s8  }
0x11: {  	[smem:$0x3FB4] =	sst s9;
	s0 =	simm.s32 @!p0 $0x0  }
0x12: {  	s1 =	sld [smem:$0x3F9A];
	s0 =	simm.s32 @p0 $0x1  }
0x13: {  	[smem:$0x3FB5] =	sst s0;
	s0 =	simm.s32 @!p1 $0x0  }
0x14: {  	s2 =	sld [smem:$0x3F99];
	s0 =	simm.s32 @p1 $0x1  }
0x15: {  	[smem:$0x3FB6] =	sst s0;
	s0 =	simm.s32 @!p2 $0x0  }
0x16: {  	s3 =	sld [smem:$0x3FDB];
	s0 =	simm.s32 @p2 $0x1  }
0x17: {  	s4 =	simm.s32 $0x1BF5;
	[smem:$0x3FB8] =	sst s0  }
0x18: {  	s0 =	sld [smem:$0x3F9B];
	_ =	swait.ge [sflag:s4], $0x0  }
0x19: {  	s7 =	sld [smem:$0x3F9C]  }
0x1a: {  	s8 =	sadd.s32 $0xFFFFE003, lr  }
0x1b: {  	s9 =	sadd.s32 $0xFFFFFEF7, lr;
	s5 =	simm.s32 $0xFFFFFFFF;
	p2 =	slt.u32 s8, $0xFFFFF086  }
0x1c: {  	p1 =	slt.u32 s9, $0xF7A;
	s5 =	simm.s32 @!p2 $0x0  }
0x1d: {  	s5 =	simm.s32 @p1 $0x1;
	p0 =	seq.s32 s7, s2  }
0x1e: {  	s7 =	smul.u32 @!p0 $0xF7A, s2;
	p2 =	seq.s32 @!p0 s5, $0x0  }
0x1f: {  	s9 =	smul.u32 $0xF7A, s1;
	s8 =	simm.s32 @!p0 $0x1BF5;
	p2 =	por !p2, p0  }
0x20: {  	[sflag:s8] =	ssyncset.s32 @!p0 $0xFFFFF086;
	s6 =	sadd.s32 @!p0 s3, s7;
	s7 =	simm.s32 @!p0 $0x108  }
0x21: {  	s3 =	sadd.s32 s3, s9;
	s6 =	sadd.s32 @!p0 $0x88, s6;
	s7 =	simm.s32 @p2 $0x1082  }
0x22: {  	[simem:s7], [sflag:s8] =	dma.local @!p0 [hbm:s6], $0xF7A  }
0x23: {  	s9 =	sor.u32 $0xD0000000, s2;
	s6 =	simm.s32 $0x108;
	_ =	swait.ge @!p0 [sflag:s8], $0x0  }
0x24: {  	s3 =	sadd.s32 $0x88, s3;
	s6 =	simm.s32 @!p1 $0x1082;
	[sflag:s4] =	ssyncset.s32 $0xFFFFF086  }
0x25: {  	[simem:s6], [sflag:s4] =	dma.local [hbm:s3], $0xF7A  }
0x26: {  	[smem:$0x3F9C] =	sst s1;
	(tag) =	ssettag s2;
	_ =	strace s9  }
0x27: {  	s1 =	sld [smem:$0x3FAC]  }
0x28: {  	s2 =	sld [smem:$0x3FAD]  }
0x29: {  	s4 =	sld [smem:$0x3FAF]  }
0x2a: {  	p0 =	seq.s32 s5, $0x0;
	s5 =	sld [smem:$0x3FB0]  }
0x2b: {  	s6 =	sld [smem:$0x3FB1]  }
0x2c: {  	s7 =	sld [smem:$0x3FB2]  }
0x2d: {  	s3 =	simm.s32 $0x108;
	s8 =	sld [smem:$0x3FB3]  }
0x2e: {  	s3 =	simm.s32 @!p0 $0x1082;
	s9 =	sld [smem:$0x3FB4]  }
0x2f: {  	lr =	sadd.s32 s0, s3;
	s0 =	sld [smem:$0x3FAB]  }
0x30: {  	s3 =	sld [smem:$0x3FAE]  }
0x31: {  	[smem:$0x3FB7] =	sst s10  }
0x32: {  	s10 =	sld [smem:$0x3FB5];
	_ =	sdelay $0x3  }
0x33: {  	p0 =	seq.s32 s10, $0x1;
	s10 =	sld [smem:$0x3FB7];
	_ =	sdelay $0x3  }
0x34: {  	[smem:$0x3FB7] =	sst s10  }
0x35: {  	s10 =	sld [smem:$0x3FB6];
	_ =	sdelay $0x3  }
0x36: {  	p1 =	seq.s32 s10, $0x1;
	s10 =	sld [smem:$0x3FB7];
	_ =	sdelay $0x3  }
0x37: {  	[smem:$0x3FB7] =	sst s10  }
0x38: {  	s10 =	sld [smem:$0x3FB8]  }
0x39: {  	_ = 	snop;
	(pc) =	sbr.ind lr, $3  }
0x3a: {  	_ = 	snop  }
0x3b: {  	_ = 	snop  }
0x3c: {  	p2 =	seq.s32 s10, $0x1;
	s10 =	sld [smem:$0x3FB7]  }
0x3d: {  	_ =	shalt  }
0x3e: {  	_ =	shalt  }
0x3f: {  	_ =	shalt  }
0x40: {  	_ =	shalt  }
0x41: {  	_ =	shalt  }
0x42: {  	_ =	shalt  }
0x43: {  	_ =	shalt  }
0x44: {  	_ =	shalt  }
0x45: {  	_ =	shalt  }
0x46: {  	_ =	shalt  }
0x47: {  	_ =	shalt  }
0x48: {  	_ =	shalt  }
0x49: {  	_ =	shalt  }
0x4a: {  	_ =	shalt  }
0x4b: {  	_ =	shalt  }
0x4c: {  	_ =	shalt  }
0x4d: {  	_ =	shalt  }
0x4e: {  	_ =	shalt  }
0x4f: {  	_ =	shalt  }
0x50: {  	_ =	shalt  }
0x51: {  	_ =	shalt  }
0x52: {  	_ =	shalt  }
0x53: {  	_ =	shalt  }
0x54: {  	_ =	shalt  }
0x55: {  	_ =	shalt  }
0x56: {  	_ =	shalt  }
0x57: {  	_ =	shalt  }
0x58: {  	_ =	shalt  }
0x59: {  	_ =	shalt  }
0x5a: {  	_ =	shalt  }
0x5b: {  	_ =	shalt  }
0x5c: {  	_ =	shalt  }
0x5d: {  	_ =	shalt  }
0x5e: {  	_ =	shalt  }
0x5f: {  	_ =	shalt  }
0x60: {  	_ =	shalt  }
0x61: {  	_ =	shalt  }
0x62: {  	_ =	shalt  }
0x63: {  	_ =	shalt  }
0x64: {  	_ =	shalt  }
0x65: {  	_ =	shalt  }
0x66: {  	_ =	shalt  }
0x67: {  	_ =	shalt  }
0x68: {  	_ =	shalt  }
0x69: {  	_ =	shalt  }
0x6a: {  	_ =	shalt  }
0x6b: {  	_ =	shalt  }
0x6c: {  	_ =	shalt  }
0x6d: {  	_ =	shalt  }
0x6e: {  	_ =	shalt  }
0x6f: {  	_ =	shalt  }
0x70: {  	_ =	shalt  }
0x71: {  	_ =	shalt  }
0x72: {  	_ =	shalt  }
0x73: {  	_ =	shalt  }
0x74: {  	_ =	shalt  }
0x75: {  	_ =	shalt  }
0x76: {  	_ =	shalt  }
0x77: {  	_ =	shalt  }
0x78: {  	_ =	shalt  }
0x79: {  	_ =	shalt  }
0x7a: {  	_ =	shalt  }
0x7b: {  	_ =	shalt  }
0x7c: {  	_ =	shalt  }
0x7d: {  	_ =	shalt  }
0x7e: {  	_ =	shalt  }
0x7f: {  	_ =	shalt  }
0x80: {  	_ =	shalt  }
0x81: {  	_ =	shalt  }
0x82: {  	_ =	shalt  }
0x83: {  	_ =	shalt  }
0x84: {  	_ =	shalt  }
0x85: {  	_ =	shalt  }
0x86: {  	_ =	shalt  }
0x87: {  	_ =	shalt  }
.Lfunc_end0:
.L_simem_size_0:
called_computation_lowered:
.L_overlay_start_0:
0x88: {  	s2 =	sld [smem:$0x3FD9]  }
0x89: {  	s3 =	sld [smem:$0x3FFE];
	_ =	sdelay $0x1  }
0x8a: {  	s1 =	srdreg.scid  }
0x8b: {  	s0 =	sand.u32 $0x1, s1  }
0x8c: {  	s17 =	sshll.u32 s0, $0xA;
	s2 =	sadd.s32 s3, s2  }
0x8d: {  	s2 =	sadd.s32 s2, s17  }
0x8e: {  	[smem:$0x3FC3] =	sst s2  }
0x8f: {  	_ = 	snop  }
0x90: {  	s2 =	sld [smem:$0x3FC9]  }
0x91: {  	s18 =	sld [smem:$0x3FC8]  }
0x92: {  	s4 =	sld [smem:$0x3FC7]  }
0x93: {  	s5 =	sld [smem:$0x3FD0];
	(tm) =	ssettm $0x1  }
0x94: {  	s6 =	sld [smem:$0x3FFB];
	_ =	sdelay $0x3  }
0x95: {  	_ =	strace s6  }
0x96: {  	s6 =	sld [smem:$0x3FFC];
	_ =	sdelay $0x3  }
0x97: {  	_ =	strace s6  }
0x98: {  	s6 =	sld [smem:$0x3FFD];
	_ =	sdelay $0x3  }
0x99: {  	_ =	strace s6  }
0x9a: {  	_ =	strace $0x8FFFFFFF  }
0x9b: {  	s19 =	sld [smem:$0x3FDB];
	_ =	sdelay $0x1  }
0x9c: {  	s7 =	simm.s32 $_scs_section_size  }
0x9d: {  	s8 =	simm.s32 $_size__tile_overlayer_lowered;
	s9 =	simm.s32 $_tile_overlayer_lowered  }
0x9e: {  	s22 =	simm.s32 $0x1BFF;
	s21 =	sshll.u32 s9, $0x1;
	s6 =	sadd.s32 s7, s19  }
0x9f: {  	s10 =	simm.s32 $0x0;
	s20 =	sshll.u32 s8, $0x1;
	s8 =	sadd.s32 s21, s6  }
0xa0: {  	[timem:s10], [sflag:s22] =	dma.local [hbm:s8], s20  }
0xa1: {  	_ =	swait.ge [sflag:s22], s20  }
0xa2: {  	s7 =	ssub.s32 $0x0, s20;
	[sflag:s22] =	ssyncset.done $0x0  }
0xa3: {  	[sflag:s22] =	ssyncadd.s32 s7;
	_ =	sdelay $0x1  }
0xa4: {  	s23 =	simm.s32 $0x1B8B  }
0xa5: {  	_ =	swait.ge [sflag:s23], $0x1  }
0xa6: {  	[sflag:s23] =	ssyncset.done $0x0  }
0xa7: {  	s25 =	simm.s32 $0x1B8E;
	s24 =	sld [smem:$0x3FFE];
	[sflag:s23] =	ssyncadd.s32 $0xFFFFFFFF  }
0xa8: {  	s26 =	simm.s32 $execute0_lowered;
	[smem:$0x3FD2] =	sst s25  }
0xa9: {  	s8 =	sshll.u32 s26, $0x1;
	_ =	strace $0x80000046;
	[dreg:$0x1] =	wrdreg $0xFFFFFFFF  }
0xaa: {  	s28 =	simm.s32 $_size_execute0_lowered;
	s6 =	sadd.s32 s6, s8;
	[dreg:$0x0] =	wrdreg $0x0  }
0xab: {  	s8 =	sshll.u32 s28, $0x1;
	[dreg:$0x2] =	wrdreg s6  }
0xac: {  	[dreg:$0x3] =	wrdreg s8  }
0xad: {  	[dreg:$0x4] =	wrdreg $0xC0  }
0xae: {  	_ =	task [dreg:s10], $0x5FFFF  }
0xaf: {  	[dreg:$0x1] =	wrdreg $0xFFFFFFFF  }
0xb0: {  	[dreg:$0x0] =	wrdreg $0x60  }
0xb1: {  	[dreg:$0x2] =	wrdreg s2  }
0xb2: {  	[dreg:$0x3] =	wrdreg s18  }
0xb3: {  	[dreg:$0x4] =	wrdreg s4  }
0xb4: {  	[dreg:$0x5] =	wrdreg s24  }
0xb5: {  	[dreg:$0x6] =	wrdreg s5  }
0xb6: {  	[dreg:$0x7] =	wrdreg $0x9  }
0xb7: {  	_ =	task.clear_ibuf [dreg:s10], $0x8FFFF;
	_ =	strace $0x90000046  }
0xb8: {  	s29 =	simm.s32 $0x9;
	_ =	strace $0x80000048  }
0xb9: {  	_ =	swait.ge [sflag:s29], $0x1  }
0xba: {  	[sflag:s29] =	ssyncadd.s32 $0xFFFFFFFF  }
0xbb: {  	_ =	strace $0x90000048  }
0xbc: {  	_ =	sfence  }
0xbd: {  	s30 =	sld [smem:$0x0];
	_ =	sdelay $0x2  }
0xbe: {  	s31 =	sshll.u32 s1, $0xD;
	s1 =	sshrl.u32 s1, $0x2  }
0xbf: {  	s3 =	sand.u32 $0x4000, s31;
	s1 =	sadd.s32 s1, s30  }
0xc0: {  	s0 =	sor.u32 s3, s0;
	s1 =	sshll.u32 s1, $0x11  }
0xc1: {  	s0 =	sor.u32 s1, s0  }
0xc2: {  	s0 =	sadd.s32 $0x8F2B, s0  }
0xc3: {  	[sflag:s0] =	ssyncadd.remote.s32 $0x1  }
0xc4: {  	_ =	sfence.sel $0xFFFF  }
0xc5: {  	[dreg:$0x0] =	wrdreg $0xFFFFFFFF;
	(pc) =	sbr.abs _section_cstart, $3  }
0xc6: {  	[dreg:$0x1] =	wrdreg $0xFFFFFFFF  }
0xc7: {  	_ =	task.clear_ibuf [dreg:s10], $0x2FFFF;
	_ =	strace $0x9FFFFFFF  }
0xc8: {  	(tm) =	ssettm $0x7FFFFFFF  }
0xc9: {  	_ =	shalt  }
tec
execute0_lowered:
.L_overlay_start_1:
0x0: {  	(tag) =	ssettag $0x1  }
0x1: {  	s0 =	rddreg [dreg:$0x0]  }
0x2: {  	s2 =	rddreg [dreg:$0x1]  }
0x3: {  	s7 =	rddreg [dreg:$0x2];
	v0 =	vimm.s32 $0xEFCDAB89;
	v1 =	vimm.s32 $0x67452301  }
0x4: {  	s4 =	rddreg [dreg:$0x3];
	v2 =	vimm.s32 $0xDCFE98BA;
	v3 =	vimm.s32 $0x54761032;
	v4 =	vimm.s32 $0xBA98FEDC  }
0x5: {  	s8 =	rddreg [dreg:$0x4];
	v5 =	vimm.s32 $0x32107654;
	v6 =	vimm.s32 $0xFEDCBA98;
	v7 =	vimm.s32 $0x76543210  }
0x6: {  	s1 =	simm.s32 $0x0;
	s5 =	srdreg.scid;
	s9 =	stileid.u32;
	vm0 =	vmmov $0x1;
	vm1 =	vmmov $0x3;
	vm2 =	vmmov $0x7  }
0x7: {  	s11 =	simm.s32 $0x200;
	s12 =	simm.s32 $0x400;
	s13 =	simm.s32 $0x80;
	vm3 =	vmmov $0xf;
	vm4 =	vmmov $0x1f;
	vm5 =	vmmov $0x3f  }
0x8: {  	s21 =	simm.s32 $0x12600;
	s22 =	simm.s32 $0x100;
	s23 =	simm.s32 $0x4600;
	v0 =	vunpack.c.l.s4.s8 v0;
	v1 =	vunpack.c.l.s4.s8 v1;
	v2 =	vunpack.c.l.s4.s8 v2  }
0x9: {  	s24 =	simm.s32 $0x300;
	s25 =	simm.s32 $0xC600;
	s26 =	simm.s32 $0x500;
	v3 =	vunpack.c.l.s4.s8 v3;
	v4 =	vunpack.c.l.s4.s8 v4;
	v5 =	vunpack.c.l.s4.s8 v5  }
0xa: {  	s28 =	simm.s32 $0x14600;
	s29 =	simm.s32 $0x180;
	s30 =	simm.s32 $0x6600;
	v6 =	vunpack.c.l.s4.s8 v6;
	v0 =	vunpack.c.0.s8.s32 v0;
	v1 =	vunpack.c.0.s8.s32 v1  }
0xb: {  	s31 =	simm.s32 $0x380;
	s14 =	simm.s32 $0x16600;
	s15 =	simm.s32 $0x1;
	v7 =	vunpack.c.l.s4.s8 v7;
	v2 =	vunpack.c.0.s8.s32 v2;
	v3 =	vunpack.c.0.s8.s32 v3  }
0xc: {  	s16 =	simm.s32 $0x18600;
	s17 =	simm.s32 $0x0;
	[smem:$0x7FF] =	sst s1;
	v4 =	vunpack.c.0.s8.s32 v4;
	v5 =	vunpack.c.0.s8.s32 v5;
	v0 =	vcombine.low v1, v0  }
0xd: {  	vm6 =	vmmov $0x7f;
	s3 =	sadd.s32 $0xF42800, s4;
	s5 =	sand.u32 $0x1, s5;
	s9 =	sshll.u32 s9, $0x7;
	v58 =	vunpack.c.0.s8.s32 v6;
	v2 =	vcombine.low v3, v2  }
0xe: {  	s4 =	sadd.s32 $0x16E3A00, s4;
	s6 =	ssub.s32 $0x2, s5;
	s5 =	sshll.u32 s5, $0x6;
	v60 =	vunpack.c.0.s8.s32 v7;
	v59 =	vcombine.low v5, v4;
	v0 =	vand.u32 $0xF, v0  }
0xf: {  	vm7 =	vmmov $0xff;
	_ =	strace $0x80000047;
	s10 =	sshrl.u32 s6, $0x1;
	s9 =	sor.u32 s5, s9;
	v61 =	vand.u32 $0xF, v58;
	v62 =	vand.u32 $0xF, v2;
	[tilespmem:$0x1FFC0] =	vst v0  }
0x10: {  	vm8 =	vmmov $0x1ff;
	s10 =	ssub.s32 s6, s10;
	s5 =	sadd.s32 s0, s9;
	s6 =	sadd.s32 s2, s9;
	v63 =	vand.u32 $0xF, v59;
	[tilespmem:$0x1FFD0] =	vst v62;
	v0 =	vcombine.low v61, v60  }
0x11: {  	vm9 =	vmmov $0x3ff;
	vm10 =	vmmov $0x7ff;
	vm11 =	vmmov $0xfff;
	s7 =	sadd.s32 s7, s9;
	s8 =	sadd.s32 s8, s9;
	s0 =	simm.s32 $0xE600;
	[tilespmem:$0x1FFE0] =	vst v63  }
0x12: {  	vm12 =	vmmov $0x1fff;
	vm13 =	vmmov $0x3fff;
	vm14 =	vmmov $0x7fff;
	s2 =	simm.s32 $0x580;
	s9 =	smax.u32 s10, $0x1;
	s10 =	simm.s32 $0x2;
	[tilespmem:$0x1FFF0] =	vst v0  }
.LBB2_1:
0x13: {  	[tilespmem:s1], [sflag:$0x2] =	stream.linear.gather [hbm4b:s5+s1], $0x200, $0x38;
	[tilespmem:$0x18800] =	vst v63  }
0x14: {  	_ =	swait.ge [sflag:s10], $0x200  }
0x15: {  	[sflag:s10] =	ssyncset.done $0x0  }
0x16: {  	[sflag:s10] =	ssyncadd.s32 $0xFFFFFE00  }
0x17: {  	[tilespmem:s11], [sflag:$0x2] =	stream.linear.gather [hbm4b:s6+s1], $0x200, $0x38;
	[tilespmem:$0x18800] =	vst v63  }
0x18: {  	_ =	swait.ge [sflag:s10], $0x200  }
0x19: {  	[sflag:s10] =	ssyncset.done $0x0  }
0x1a: {  	[sflag:s10] =	ssyncadd.s32 $0xFFFFFE00  }
0x1b: {  	[tilespmem:s12], [sflag:$0x2] =	stream.linear.gather [hbm4b:s7+s1], $0x200, $0x38;
	[tilespmem:$0x18800] =	vst v63  }
0x1c: {  	_ =	swait.ge [sflag:s10], $0x200  }
0x1d: {  	[sflag:s10] =	ssyncset.done $0x0  }
0x1e: {  	s18 =	simm.s32 $0x600;
	[sflag:s10] =	ssyncadd.s32 $0xFFFFFE00  }
0x1f: {  	[tilespmem:s18], [sflag:$0x1] =	stream.indirect.gather [hbm4b:s3+s13], $0x40, s1, s13, $0xb8;
	[tilespmem:$0x18800] =	vst v63  }
0x20: {  	s19 =	simm.s32 $0x8600  }
0x21: {  	[tilespmem:s19], [sflag:$0x1] =	stream.indirect.gather [hbm4b:s4+s13], $0x40, s11, s13, $0xb8;
	[tilespmem:$0x18800] =	vst v63  }
0x22: {  	s20 =	simm.s32 $0x10600  }
0x23: {  	[tilespmem:s20], [sflag:$0x1] =	stream.indirect.gather [hbm4b:s3+s13], $0x40, s12, s13, $0xb8;
	[tilespmem:$0x18800] =	vst v63  }
0x24: {  	s19 =	simm.s32 $0x2600  }
0x25: {  	[tilespmem:s19], [sflag:$0x1] =	stream.indirect.gather [hbm4b:s3+s13], $0x40, s13, s13, $0xb8;
	[tilespmem:$0x18800] =	vst v63  }
0x26: {  	s20 =	simm.s32 $0x280;
	s19 =	simm.s32 $0xA600  }
0x27: {  	[tilespmem:s19], [sflag:$0x1] =	stream.indirect.gather [hbm4b:s4+s13], $0x40, s20, s13, $0xb8;
	[tilespmem:$0x18800] =	vst v63  }
0x28: {  	s19 =	simm.s32 $0x480  }
0x29: {  	[tilespmem:s21], [sflag:$0x1] =	stream.indirect.gather [hbm4b:s3+s13], $0x40, s19, s13, $0xb8;
	[tilespmem:$0x18800] =	vst v63  }
0x2a: {  	_ = 	snop  }
0x2b: {  	[tilespmem:s23], [sflag:$0x1] =	stream.indirect.gather [hbm4b:s3+s13], $0x40, s22, s13, $0xb8;
	[tilespmem:$0x18800] =	vst v63  }
0x2c: {  	_ = 	snop  }
0x2d: {  	[tilespmem:s25], [sflag:$0x1] =	stream.indirect.gather [hbm4b:s4+s13], $0x40, s24, s13, $0xb8;
	[tilespmem:$0x18800] =	vst v63  }
0x2e: {  	_ = 	snop  }
0x2f: {  	[tilespmem:s28], [sflag:$0x1] =	stream.indirect.gather [hbm4b:s3+s13], $0x40, s26, s13, $0xb8;
	[tilespmem:$0x18800] =	vst v63  }
0x30: {  	_ = 	snop  }
0x31: {  	[tilespmem:s30], [sflag:$0x1] =	stream.indirect.gather [hbm4b:s3+s13], $0x40, s29, s13, $0xb8;
	[tilespmem:$0x18800] =	vst v63  }
0x32: {  	_ = 	snop  }
0x33: {  	[tilespmem:s0], [sflag:$0x1] =	stream.indirect.gather [hbm4b:s4+s13], $0x40, s31, s13, $0xb8;
	[tilespmem:$0x18800] =	vst v63  }
0x34: {  	_ = 	snop  }
0x35: {  	[tilespmem:s14], [sflag:$0x1] =	stream.indirect.gather [hbm4b:s3+s13], $0x40, s2, s13, $0xb8;
	[tilespmem:$0x18800] =	vst v63  }
0x36: {  	_ =	swait.ge [sflag:s15], $0x2000  }
0x37: {  	[sflag:s15] =	ssyncset.done $0x0  }
0x38: {  	[sflag:s15] =	ssyncadd.s32 $0xFFFFE000  }
0x39: {  	_ =	swait.ge [sflag:s15], $0x2000  }
0x3a: {  	[sflag:s15] =	ssyncset.done $0x0  }
0x3b: {  	[sflag:s15] =	ssyncadd.s32 $0xFFFFE000  }
0x3c: {  	_ =	swait.ge [sflag:s15], $0x2000  }
0x3d: {  	[sflag:s15] =	ssyncset.done $0x0  }
0x3e: {  	[sflag:s15] =	ssyncadd.s32 $0xFFFFE000  }
0x3f: {  	_ =	swait.ge [sflag:s15], $0x2000  }
0x40: {  	[sflag:s15] =	ssyncset.done $0x0  }
0x41: {  	[sflag:s15] =	ssyncadd.s32 $0xFFFFE000  }
0x42: {  	_ =	swait.ge [sflag:s15], $0x2000  }
0x43: {  	[sflag:s15] =	ssyncset.done $0x0  }
0x44: {  	[sflag:s15] =	ssyncadd.s32 $0xFFFFE000  }
0x45: {  	_ =	swait.ge [sflag:s15], $0x2000  }
0x46: {  	[sflag:s15] =	ssyncset.done $0x0  }
0x47: {  	[sflag:s15] =	ssyncadd.s32 $0xFFFFE000  }
0x48: {  	_ =	swait.ge [sflag:s15], $0x2000  }
0x49: {  	[sflag:s15] =	ssyncset.done $0x0  }
0x4a: {  	[sflag:s15] =	ssyncadd.s32 $0xFFFFE000  }
0x4b: {  	_ =	swait.ge [sflag:s15], $0x2000  }
0x4c: {  	[sflag:s15] =	ssyncset.done $0x0  }
0x4d: {  	[sflag:s15] =	ssyncadd.s32 $0xFFFFE000  }
0x4e: {  	_ =	swait.ge [sflag:s15], $0x2000  }
0x4f: {  	[sflag:s15] =	ssyncset.done $0x0  }
0x50: {  	[sflag:s15] =	ssyncadd.s32 $0xFFFFE000  }
0x51: {  	_ =	swait.ge [sflag:s15], $0x2000  }
0x52: {  	[sflag:s15] =	ssyncset.done $0x0  }
0x53: {  	[sflag:s15] =	ssyncadd.s32 $0xFFFFE000  }
0x54: {  	_ =	swait.ge [sflag:s15], $0x2000  }
0x55: {  	[sflag:s15] =	ssyncset.done $0x0  }
0x56: {  	[sflag:s15] =	ssyncadd.s32 $0xFFFFE000  }
0x57: {  	_ =	swait.ge [sflag:s15], $0x2000  }
0x58: {  	[sflag:s15] =	ssyncset.done $0x0  }
0x59: {  	s20 =	simm.s32 $0x0;
	[sflag:s15] =	ssyncadd.s32 $0xFFFFE000  }
0x5a: {  	v39 =	vld [tilespmem:s20+$0x109F0]  }
0x5b: {  	v63 =	vld [tilespmem:s20+$0x109B0]  }
0x5c: {  	v57 =	vld [tilespmem:s20+$0x109E0]  }
0x5d: {  	v9 =	vld [tilespmem:s20+$0x9F0]  }
0x5e: {  	v8 =	vld [tilespmem:s20+$0x89F0]  }
0x5f: {  	v50 =	vld [tilespmem:s20+$0x10970]  }
0x60: {  	v32 =	vld [tilespmem:s20+$0x109A0]  }
0x61: {  	v0 =	vld [tilespmem:s20+$0x9B0]  }
0x62: {  	v14 =	vld [tilespmem:s20+$0x89B0]  }
0x63: {  	v16 =	vld [tilespmem:s20+$0x109C0]  }
0x64: {  	v21 =	vld [tilespmem:s20+$0x109D0]  }
0x65: {  	v25 =	vld [tilespmem:s20+$0x9E0]  }
0x66: {  	v28 =	vld [tilespmem:s20+$0x89E0]  }
0x67: {  	v47 =	vld [tilespmem:s20+$0x10930]  }
0x68: {  	v36 =	vld [tilespmem:s20+$0x10960]  }
0x69: {  	v40 =	vld [tilespmem:s20+$0x970]  }
0x6a: {  	v43 =	vld [tilespmem:s20+$0x8970]  }
0x6b: {  	v45 =	vld [tilespmem:s20+$0x10980]  }
0x6c: {  	v52 =	vld [tilespmem:s20+$0x10990]  }
0x6d: {  	v55 =	vld [tilespmem:s20+$0x9A0]  }
0x6e: {  	v62 =	vld [tilespmem:s20+$0x89A0]  }
0x6f: {  	v15 =	vld [tilespmem:s20+$0x9C0]  }
0x70: {  	v31 =	vld [tilespmem:s20+$0x89C0]  }
0x71: {  	v33 =	vld [tilespmem:s20+$0x9D0]  }
0x72: {  	v35 =	vld [tilespmem:s20+$0x89D0]  }
0x73: {  	v1 =	vld [tilespmem:s20+$0x108F0]  }
0x74: {  	v56 =	vld [tilespmem:s20+$0x10920]  }
0x75: {  	v30 =	vld [tilespmem:s20+$0x930]  }
0x76: {  	v29 =	vld [tilespmem:s20+$0x8930]  }
0x77: {  	v20 =	vld [tilespmem:s20+$0x10940]  }
0x78: {  	v22 =	vld [tilespmem:s20+$0x10950]  }
0x79: {  	v19 =	vld [tilespmem:s20+$0x960]  }
0x7a: {  	v18 =	vld [tilespmem:s20+$0x8960]  }
0x7b: {  	v3 =	vld [tilespmem:s20+$0x980]  }
0x7c: {  	v2 =	vld [tilespmem:s20+$0x990]  }
0x7d: {  	v11 =	vld [tilespmem:s20+$0x8990]  }
0x7e: {  	v4 =	vld [tilespmem:s20+$0x108B0]  }
0x7f: {  	v42 =	vld [tilespmem:s20+$0x8F0]  }
0x80: {  	v49 =	vld [tilespmem:s20+$0x88F0]  }
0x81: {  	v48 =	vld [tilespmem:s20+$0x10900]  }
0x82: {  	v54 =	vld [tilespmem:s20+$0x10910]  }
0x83: {  	v37 =	vld [tilespmem:s20+$0x920]  }
0x84: {  	v34 =	vld [tilespmem:s20+$0x8920]  }
0x85: {  	v7 =	vld [tilespmem:s20+$0x940]  }
0x86: {  	v6 =	vld [tilespmem:s20+$0x8940]  }
0x87: {  	v5 =	vld [tilespmem:s20+$0x950]  }
0x88: {  	v10 =	vld [tilespmem:s20+$0x10870]  }
0x89: {  	v46 =	vld [tilespmem:s20+$0x108C0]  }
0x8a: {  	v44 =	vld [tilespmem:s20+$0x108D0]  }
0x8b: {  	v51 =	vld [tilespmem:s20+$0x8E0]  }
0x8c: {  	v41 =	vld [tilespmem:s20+$0x88E0]  }
0x8d: {  	v17 =	vld [tilespmem:s20+$0x900]  }
0x8e: {  	v13 =	vld [tilespmem:s20+$0x8900]  }
0x8f: {  	v12 =	vld [tilespmem:s20+$0x910]  }
0x90: {  	v23 =	vld [tilespmem:s20+$0x10830]  }
0x91: {  	v53 =	vld [tilespmem:s20+$0x88A0]  }
0x92: {  	v27 =	vld [tilespmem:s20+$0x8C0]  }
0x93: {  	v26 =	vld [tilespmem:s20+$0x88C0]  }
0x94: {  	v24 =	vld [tilespmem:s20+$0x8D0]  }
0x95: {  	v38 =	vld [tilespmem:s20+$0x107F0]  }
0x96: {  	v59 =	vld [tilespmem:s20+$0x10820]  }
0x97: {  	v60 =	vld [tilespmem:s20+$0x830]  }
0x98: {  	v61 =	vld [tilespmem:s20+$0x8830]  }
0x99: {  	v58 =	vld [tilespmem:s20+$0x10840]  }
0x9a: {  	[tilespmem:$0x1FC20] =	vst v1;
	v1 =	vld [tilespmem:s20+$0x8980]  }
0x9b: {  	[tilespmem:$0x1FCB0] =	vst v4;
	v4 =	vld [tilespmem:s20+$0x108E0]  }
0x9c: {  	[tilespmem:$0x1FCC0] =	vst v10;
	v10 =	vld [tilespmem:s20+$0x108A0]  }
0x9d: {  	[tilespmem:$0x1FD40] =	vst v23;
	v23 =	vld [tilespmem:s20+$0x10860]  }
0x9e: {  	[tilespmem:$0x1FD50] =	vst v59;
	v59 =	vld [tilespmem:s20+$0x10850]  }
0x9f: {  	[tilespmem:$0x1FD10] =	vst v60;
	v60 =	vld [tilespmem:s20+$0x860]  }
0xa0: {  	[tilespmem:$0x1FD20] =	vst v61;
	v61 =	vld [tilespmem:s20+$0x8860]  }
0xa1: {  	[tilespmem:$0x1FCF0] =	vst v58;
	v58 =	vld [tilespmem:s20+$0x890]  }
0xa2: {  	[tilespmem:$0x1FD70] =	vst v38;
	v38 =	vld [tilespmem:s20+$0x107B0]  }
0xa3: {  	v15 =	vadd.f32 v31, v15;
	v31 =	vld [tilespmem:s20+$0x107E0]  }
0xa4: {  	v25 =	vadd.f32 v28, v25;
	v28 =	vld [tilespmem:s20+$0x10800]  }
0xa5: {  	v33 =	vadd.f32 v35, v33;
	v35 =	vld [tilespmem:s20+$0x820]  }
0xa6: {  	v0 =	vadd.f32 v14, v0;
	v14 =	vld [tilespmem:s20+$0x10770]  }
0xa7: {  	v2 =	vadd.f32 v11, v2;
	v11 =	vld [tilespmem:s20+$0x107C0]  }
0xa8: {  	v6 =	vadd.f32 v6, v7;
	v7 =	vadd.f32 v29, v30;
	v30 =	vld [tilespmem:s20+$0x10760]  }
0xa9: {  	v15 =	vsub.f32 v15, v16;
	v16 =	vsub.f32 v33, v21;
	v33 =	vld [tilespmem:s20+$0x87F0]  }
0xaa: {  	v8 =	vadd.f32 v8, v9;
	v9 =	vsub.f32 v25, v57;
	v25 =	vld [tilespmem:s20+$0x10810]  }
0xab: {  	v21 =	vld [tilespmem:s20+$0x840]  }
0xac: {  	v8 =	vsub.f32 v8, v39;
	v39 =	vld [tilespmem:s20+$0x850]  }
0xad: {  	v57 =	vld [tilespmem:s20+$0x8850]  }
0xae: {  	v2 =	vsub.f32 v2, v52;
	v52 =	vld [tilespmem:s20+$0x7E0]  }
0xaf: {  	v6 =	vsub.f32 v6, v20;
	v20 =	vld [tilespmem:s20+$0x10730]  }
0xb0: {  	v7 =	vsub.f32 v7, v47;
	v47 =	vld [tilespmem:s20+$0x8790]  }
0xb1: {  	[tilespmem:$0x1FC10] =	vst v4;
	v4 =	vld [tilespmem:s20+$0x8950]  }
0xb2: {  	[tilespmem:$0x1FCA0] =	vst v10;
	v10 =	vld [tilespmem:s20+$0x8B0]  }
0xb3: {  	[tilespmem:$0x1FD30] =	vst v23;
	v23 =	vld [tilespmem:s20+$0x870]  }
0xb4: {  	[tilespmem:$0x1FD00] =	vst v59;
	v59 =	vld [tilespmem:s20+$0x880]  }
0xb5: {  	[tilespmem:$0x1FCE0] =	vst v61;
	v61 =	vld [tilespmem:s20+$0x8880]  }
0xb6: {  	[tilespmem:$0x1FCD0] =	vst v60;
	v60 =	vld [tilespmem:s20+$0x8890]  }
0xb7: {  	v15 =	vand.u32 $0x7FFFFFFF, v15;
	v16 =	vand.u32 $0x7FFFFFFF, v16;
	[tilespmem:$0x1FD60] =	vst v31;
	v31 =	vld [tilespmem:s20+$0x7F0]  }
0xb8: {  	v16 =	vadd.f32 v16, v15;
	v15 =	vld [tilespmem:s20+$0x8820]  }
0xb9: {  	[tilespmem:$0x1FD90] =	vst v38;
	v38 =	vld [tilespmem:$0x1FFC0]  }
0xba: {  	v9 =	vand.u32 $0x7FFFFFFF, v9;
	v1 =	vadd.f32 v1, v3;
	v3 =	vld [tilespmem:s20+$0x107A0]  }
0xbb: {  	v9 =	vadd.f32 v9, v16;
	v16 =	vand.u32 $0x7FFFFFFF, v8;
	v8 =	vld [tilespmem:s20+$0x8840]  }
0xbc: {  	v1 =	vsub.f32 v1, v45;
	v45 =	vadd.f32 v43, v40;
	v40 =	vld [tilespmem:$0x1FFD0]  }
0xbd: {  	v43 =	vld [tilespmem:s20+$0x107D0]  }
0xbe: {  	v9 =	vadd.f32 v16, v9;
	v16 =	vld [tilespmem:s20+$0x87B0]  }
0xbf: {  	[tilespmem:$0x1FC30] =	vst v10;
	v10 =	vld [tilespmem:s20+$0x88B0]  }
0xc0: {  	[tilespmem:$0x1FC80] =	vst v23;
	v23 =	vld [tilespmem:s20+$0x8870]  }
0xc1: {  	[tilespmem:$0x1FD80] =	vst v3;
	v3 =	vadd.f32 v62, v55;
	v55 =	vld [tilespmem:s20+$0x87E0]  }
0xc2: {  	[tilespmem:$0x1FDA0] =	vst v14;
	v4 =	vadd.f32 v4, v5;
	v5 =	vadd.f32 v18, v19;
	v62 =	vld [tilespmem:s20+$0x800];
	v14 =	vperm.xlane v9, v38  }
0xc3: {  	v18 =	vadd.f32 v41, v51;
	v51 =	vld [tilespmem:s20+$0x8730]  }
0xc4: {  	v5 =	vsub.f32 v5, v36;
	v36 =	vld [tilespmem:$0x1FFE0];
	v9 =	vadd.f32 v9, v14  }
0xc5: {  	v2 =	vand.u32 $0x7FFFFFFF, v2;
	v1 =	vand.u32 $0x7FFFFFFF, v1;
	[tilespmem:$0x1FC90] =	vst v23;
	v23 =	vld [tilespmem:s20+$0x10880]  }
0xc6: {  	v0 =	vsub.f32 v0, v63;
	v1 =	vadd.f32 v2, v1;
	v41 =	vld [tilespmem:s20+$0x106B0];
	v63 =	vperm.xlane v9, v40  }
0xc7: {  	v31 =	vadd.f32 v33, v31;
	v33 =	vld [tilespmem:s20+$0x750];
	v4 =	vsub.f32 v4, v22  }
0xc8: {  	v15 =	vadd.f32 v15, v35;
	v35 =	vld [tilespmem:s20+$0x8750];
	v2 =	vadd.f32 v9, v63  }
0xc9: {  	v6 =	vand.u32 $0x7FFFFFFF, v6;
	v3 =	vsub.f32 v3, v32;
	v4 =	vand.u32 $0x7FFFFFFF, v4;
	[tilespmem:$0x1FC40] =	vst v10;
	v10 =	vld [tilespmem:s20+$0x8910]  }
0xca: {  	v4 =	vadd.f32 v4, v6;
	v6 =	vperm.xlane v2, v36;
	[tilespmem:$0x1FC60] =	vst v23;
	v23 =	vld [tilespmem:s20+$0x10890]  }
0xcb: {  	v32 =	vld [tilespmem:s20+$0x106F0];
	v8 =	vadd.f32 v8, v21;
	v3 =	vand.u32 $0x7FFFFFFF, v3  }
0xcc: {  	v21 =	vld [tilespmem:$0x1FCE0];
	v3 =	vadd.f32 v3, v1;
	v2 =	vadd.f32 v2, v6  }
0xcd: {  	v14 =	vld [tilespmem:s20+$0x7B0];
	v52 =	vadd.f32 v55, v52;
	v9 =	vand.u32 $0x7FFFFFFF, v0  }
0xce: {  	v5 =	vand.u32 $0x7FFFFFFF, v5;
	v1 =	vld [tilespmem:s20+$0x810];
	v3 =	vadd.f32 v9, v3;
	v6 =	vadd.f32 v10, v12;
	[tilespmem:$0x1FDC0] =	vst v2  }
0xcf: {  	v2 =	vadd.f32 v5, v4;
	v4 =	vadd.f32 v13, v17;
	[tilespmem:$0x1FC70] =	vst v23;
	v23 =	vld [tilespmem:s20+$0x8A0]  }
0xd0: {  	v55 =	vld [tilespmem:s20+$0x8700];
	v9 =	vsub.f32 v45, v50;
	v12 =	vadd.f32 v34, v37  }
0xd1: {  	v29 =	vld [tilespmem:$0x1FC90];
	v6 =	vsub.f32 v6, v54;
	v4 =	vsub.f32 v4, v48  }
0xd2: {  	v63 =	vld [tilespmem:s20+$0x8800];
	v10 =	vand.u32 $0x7FFFFFFF, v9  }
0xd3: {  	v0 =	vld [tilespmem:s20+$0x8810];
	v12 =	vsub.f32 v12, v56;
	v6 =	vand.u32 $0x7FFFFFFF, v6;
	v4 =	vand.u32 $0x7FFFFFFF, v4  }
0xd4: {  	v2 =	vadd.f32 v10, v2;
	v4 =	vadd.f32 v6, v4;
	[tilespmem:$0x1FC50] =	vst v23;
	v23 =	vld [tilespmem:s20+$0x88D0]  }
0xd5: {  	v45 =	vld [tilespmem:s20+$0x10780];
	v12 =	vand.u32 $0x7FFFFFFF, v12  }
0xd6: {  	v9 =	vld [tilespmem:s20+$0x8770];
	v13 =	vperm.xlane v2, v38;
	v4 =	vadd.f32 v12, v4  }
0xd7: {  	v7 =	vand.u32 $0x7FFFFFFF, v7;
	v37 =	vld [tilespmem:s20+$0x10740]  }
0xd8: {  	v10 =	vperm.xlane v3, v38;
	v2 =	vadd.f32 v2, v13;
	v7 =	vadd.f32 v7, v4;
	v4 =	vld [tilespmem:$0x1FC10]  }
0xd9: {  	v34 =	vld [tilespmem:s20+$0x8780];
	v13 =	vadd.f32 v26, v27;
	v17 =	vadd.f32 v23, v24  }
0xda: {  	v0 =	vadd.f32 v0, v1;
	v1 =	vld [tilespmem:$0x1FD50];
	v3 =	vadd.f32 v3, v10;
	v19 =	vperm.xlane v2, v40  }
0xdb: {  	v5 =	vld [tilespmem:s20+$0x770];
	v13 =	vsub.f32 v13, v46;
	v17 =	vsub.f32 v17, v44  }
0xdc: {  	v54 =	vld [tilespmem:s20+$0x7A0];
	v25 =	vsub.f32 v0, v25;
	v2 =	vadd.f32 v2, v19;
	v19 =	vperm.xlane v3, v40  }
0xdd: {  	v56 =	vld [tilespmem:s20+$0x87A0];
	v13 =	vand.u32 $0x7FFFFFFF, v13;
	v18 =	vsub.f32 v18, v4;
	v17 =	vand.u32 $0x7FFFFFFF, v17  }
0xde: {  	v0 =	vld [tilespmem:s20+$0x106C0];
	v3 =	vadd.f32 v3, v19;
	v13 =	vadd.f32 v17, v13  }
0xdf: {  	v63 =	vadd.f32 v63, v62;
	v48 =	vld [tilespmem:s20+$0x10790];
	v17 =	vand.u32 $0x7FFFFFFF, v18;
	v18 =	vperm.xlane v7, v38  }
0xe0: {  	v22 =	vld [tilespmem:$0x1FC70];
	v19 =	vperm.xlane v2, v36;
	v13 =	vadd.f32 v17, v13;
	v17 =	vperm.xlane v3, v36  }
0xe1: {  	v10 =	vadd.f32 v49, v42;
	v49 =	vld [tilespmem:s20+$0x730];
	v18 =	vadd.f32 v7, v18  }
0xe2: {  	v4 =	vld [tilespmem:$0x1FC20];
	v7 =	vadd.f32 v2, v19;
	v2 =	vadd.f32 v3, v17  }
0xe3: {  	v3 =	vld [tilespmem:$0x1FC40]  }
0xe4: {  	v28 =	vsub.f32 v63, v28;
	[tilespmem:$0x1FDB0] =	vst v2;
	v2 =	vld [tilespmem:$0x1FC30]  }
0xe5: {  	v42 =	vld [tilespmem:s20+$0x790]  }
0xe6: {  	v28 =	vand.u32 $0x7FFFFFFF, v28;
	v25 =	vand.u32 $0x7FFFFFFF, v25;
	v15 =	vsub.f32 v15, v1;
	v1 =	vld [tilespmem:s20+$0x10670]  }
0xe7: {  	v25 =	vadd.f32 v25, v28;
	v28 =	vld [tilespmem:s20+$0x6E0];
	v10 =	vsub.f32 v10, v4  }
0xe8: {  	v6 =	vld [tilespmem:s20+$0x7C0]  }
0xe9: {  	v27 =	vld [tilespmem:s20+$0x10720];
	v2 =	vadd.f32 v3, v2;
	v3 =	vand.u32 $0x7FFFFFFF, v10  }
0xea: {  	v26 =	vld [tilespmem:s20+$0x780];
	v3 =	vadd.f32 v3, v13;
	v13 =	vperm.xlane v18, v40  }
0xeb: {  	v12 =	vld [tilespmem:s20+$0x7D0]  }
0xec: {  	v13 =	vadd.f32 v18, v13;
	v18 =	vld [tilespmem:$0x1FC60]  }
0xed: {  	v24 =	vld [tilespmem:s20+$0x87D0]  }
0xee: {  	v23 =	vld [tilespmem:s20+$0x87C0]  }
0xef: {  	v46 =	vld [tilespmem:s20+$0x8760];
	v10 =	vadd.f32 v61, v59  }
0xf0: {  	v44 =	vld [tilespmem:s20+$0x760]  }
0xf1: {  	v19 =	vld [tilespmem:$0x1FC50];
	v10 =	vsub.f32 v10, v18;
	v18 =	vperm.xlane v3, v38  }
0xf2: {  	v12 =	vadd.f32 v24, v12;
	v24 =	vld [tilespmem:s20+$0x86B0];
	v17 =	vadd.f32 v60, v58  }
0xf3: {  	v6 =	vadd.f32 v23, v6;
	v3 =	vadd.f32 v3, v18;
	v18 =	vld [tilespmem:$0x1FCA0]  }
0xf4: {  	v4 =	vld [tilespmem:s20+$0x10750];
	v17 =	vsub.f32 v17, v22  }
0xf5: {  	v6 =	vsub.f32 v6, v11;
	v11 =	vld [tilespmem:$0x1FD60]  }
0xf6: {  	v60 =	vld [tilespmem:s20+$0x86F0];
	v19 =	vadd.f32 v53, v19;
	v17 =	vand.u32 $0x7FFFFFFF, v17;
	v10 =	vand.u32 $0x7FFFFFFF, v10  }
0xf7: {  	v10 =	vadd.f32 v17, v10;
	v17 =	vld [tilespmem:$0x1FCB0]  }
0xf8: {  	v12 =	vsub.f32 v12, v43;
	v22 =	vld [tilespmem:$0x1FC80];
	v18 =	vsub.f32 v19, v18;
	v19 =	vperm.xlane v13, v36  }
0xf9: {  	v58 =	vld [tilespmem:$0x1FD20];
	v6 =	vand.u32 $0x7FFFFFFF, v6  }
0xfa: {  	v12 =	vand.u32 $0x7FFFFFFF, v12;
	v19 =	vadd.f32 v13, v19;
	v13 =	vand.u32 $0x7FFFFFFF, v18;
	v18 =	vld [tilespmem:$0x1FCD0]  }
0xfb: {  	v15 =	vand.u32 $0x7FFFFFFF, v15;
	v6 =	vadd.f32 v12, v6;
	v53 =	vld [tilespmem:$0x1FCC0]  }
0xfc: {  	v12 =	vadd.f32 v15, v25;
	v25 =	vld [tilespmem:s20+$0x700];
	v2 =	vsub.f32 v2, v17;
	v17 =	vperm.xlane v3, v40  }
0xfd: {  	v22 =	vadd.f32 v29, v22;
	v29 =	vld [tilespmem:s20+$0x106E0];
	v10 =	vadd.f32 v13, v10  }
0xfe: {  	v13 =	vadd.f32 v3, v17;
	v17 =	vadd.f32 v57, v39;
	v57 =	vld [tilespmem:$0x1FD10]  }
0xff: {  	v18 =	vadd.f32 v21, v18;
	v21 =	vld [tilespmem:$0x1FCF0]  }
0x100: {  	v50 =	vsub.f32 v22, v53;
	v22 =	vld [tilespmem:s20+$0x6F0]  }
0x101: {  	v61 =	vld [tilespmem:$0x1FD40];
	v3 =	vand.u32 $0x7FFFFFFF, v2  }
0x102: {  	v59 =	vld [tilespmem:$0x1FD30];
	v10 =	vadd.f32 v3, v10  }
0x103: {  	v2 =	vld [tilespmem:s20+$0x10700]  }
0x104: {  	v39 =	vadd.f32 v58, v57;
	v58 =	vperm.xlane v10, v38;
	v8 =	vsub.f32 v8, v21;
	v21 =	vld [tilespmem:$0x1FD00]  }
0x105: {  	v25 =	vadd.f32 v55, v25;
	v53 =	vld [tilespmem:s20+$0x8720];
	v22 =	vadd.f32 v60, v22  }
0x106: {  	v60 =	vld [tilespmem:s20+$0x660];
	v39 =	vsub.f32 v39, v61;
	v10 =	vadd.f32 v10, v58  }
0x107: {  	v3 =	vld [tilespmem:s20+$0x10710]  }
0x108: {  	v57 =	vld [tilespmem:s20+$0x740];
	v2 =	vsub.f32 v25, v2;
	v15 =	vand.u32 $0x7FFFFFFF, v39;
	v63 =	vperm.xlane v10, v40  }
0x109: {  	v23 =	vperm.xlane v13, v36;
	v25 =	vld [tilespmem:s20+$0x8690];
	v12 =	vadd.f32 v15, v12;
	v17 =	vsub.f32 v17, v21  }
0x10a: {  	v18 =	vsub.f32 v18, v59;
	v39 =	vld [tilespmem:s20+$0x710];
	v8 =	vand.u32 $0x7FFFFFFF, v8;
	v43 =	vadd.f32 v10, v63  }
0x10b: {  	v10 =	vadd.f32 v13, v23;
	v13 =	vld [tilespmem:s20+$0x8710];
	v23 =	vperm.xlane v12, v38;
	v17 =	vand.u32 $0x7FFFFFFF, v17  }
0x10c: {  	v59 =	vld [tilespmem:s20+$0x8740];
	v8 =	vadd.f32 v17, v8  }
0x10d: {  	v44 =	vadd.f32 v46, v44;
	v61 =	vld [tilespmem:s20+$0x106D0];
	v12 =	vadd.f32 v12, v23;
	v17 =	vand.u32 $0x7FFFFFFF, v18  }
0x10e: {  	v14 =	vadd.f32 v16, v14;
	v21 =	vld [tilespmem:s20+$0x720];
	v8 =	vadd.f32 v17, v8  }
0x10f: {  	v30 =	vsub.f32 v44, v30;
	v23 =	vld [tilespmem:s20+$0x8630];
	v16 =	vperm.xlane v12, v40;
	v17 =	vand.u32 $0x7FFFFFFF, v50  }
0x110: {  	v13 =	vadd.f32 v13, v39;
	v18 =	vld [tilespmem:s20+$0x10630];
	v8 =	vadd.f32 v17, v8  }
0x111: {  	v12 =	vadd.f32 v12, v16;
	v16 =	vld [tilespmem:s20+$0x6A0]  }
0x112: {  	v3 =	vsub.f32 v13, v3;
	v13 =	vand.u32 $0x7FFFFFFF, v30;
	v30 =	vld [tilespmem:s20+$0x600];
	v58 =	vperm.xlane v8, v38  }
0x113: {  	v33 =	vadd.f32 v35, v33;
	v50 =	vld [tilespmem:s20+$0x6B0]  }
0x114: {  	v21 =	vadd.f32 v53, v21;
	v53 =	vld [tilespmem:s20+$0x690];
	v8 =	vadd.f32 v8, v58  }
0x115: {  	v58 =	vsub.f32 v52, v11;
	v11 =	vld [tilespmem:$0x1FD70]  }
0x116: {  	v33 =	vsub.f32 v33, v4;
	v17 =	vld [tilespmem:s20+$0x106A0];
	v15 =	vperm.xlane v8, v40  }
0x117: {  	v2 =	vand.u32 $0x7FFFFFFF, v2;
	v3 =	vand.u32 $0x7FFFFFFF, v3;
	v4 =	vsub.f32 v21, v27;
	v27 =	vld [tilespmem:s20+$0x8680]  }
0x118: {  	v2 =	vadd.f32 v3, v2;
	v3 =	vld [tilespmem:s20+$0x610];
	v15 =	vadd.f32 v8, v15  }
0x119: {  	v52 =	vld [tilespmem:s20+$0x86E0];
	v8 =	vadd.f32 v34, v26;
	v26 =	vadd.f32 v47, v42  }
0x11a: {  	v62 =	vand.u32 $0x7FFFFFFF, v58;
	v58 =	vadd.f32 v56, v54;
	v54 =	vld [tilespmem:s20+$0x6C0];
	v31 =	vsub.f32 v31, v11  }
0x11b: {  	v11 =	vld [tilespmem:$0x1FD80];
	v8 =	vsub.f32 v8, v45;
	v26 =	vsub.f32 v26, v48  }
0x11c: {  	v56 =	vld [tilespmem:$0x1FDA0];
	v6 =	vadd.f32 v62, v6  }
0x11d: {  	v34 =	vld [tilespmem:s20+$0x630];
	v31 =	vand.u32 $0x7FFFFFFF, v31;
	v8 =	vand.u32 $0x7FFFFFFF, v8;
	v26 =	vand.u32 $0x7FFFFFFF, v26  }
0x11e: {  	v6 =	vadd.f32 v31, v6;
	v8 =	vadd.f32 v26, v8;
	v26 =	vld [tilespmem:$0x1FD90]  }
0x11f: {  	v9 =	vadd.f32 v9, v5;
	v47 =	vld [tilespmem:s20+$0x10660];
	v28 =	vadd.f32 v52, v28  }
0x120: {  	v22 =	vsub.f32 v22, v32;
	v42 =	vld [tilespmem:s20+$0x670];
	v62 =	vperm.xlane v6, v38;
	v11 =	vsub.f32 v58, v11  }
0x121: {  	v24 =	vadd.f32 v24, v50;
	v45 =	vld [tilespmem:s20+$0x8670];
	v28 =	vsub.f32 v28, v29  }
0x122: {  	v48 =	vld [tilespmem:s20+$0x10680];
	v6 =	vadd.f32 v6, v62;
	v11 =	vand.u32 $0x7FFFFFFF, v11;
	v62 =	vperm.xlane v15, v36  }
0x123: {  	v29 =	vld [tilespmem:s20+$0x8610];
	v11 =	vadd.f32 v11, v8;
	v14 =	vsub.f32 v14, v26  }
0x124: {  	v31 =	vld [tilespmem:s20+$0x10620];
	v26 =	vperm.xlane v43, v36;
	v63 =	vperm.xlane v6, v40;
	v5 =	vadd.f32 v15, v62  }
0x125: {  	v15 =	vadd.f32 v51, v49;
	v49 =	vsub.f32 v9, v56;
	v56 =	vld [tilespmem:s20+$0x86D0]  }
0x126: {  	v4 =	vand.u32 $0x7FFFFFFF, v4;
	v8 =	vadd.f32 v43, v26;
	v26 =	vld [tilespmem:s20+$0x86A0];
	v43 =	vadd.f32 v6, v63  }
0x127: {  	v14 =	vand.u32 $0x7FFFFFFF, v14;
	v6 =	vperm.xlane v12, v36;
	v15 =	vsub.f32 v15, v20;
	v20 =	vld [tilespmem:s20+$0x10610]  }
0x128: {  	v25 =	vadd.f32 v25, v53;
	v11 =	vadd.f32 v14, v11;
	v14 =	vld [tilespmem:s20+$0x86C0];
	v63 =	vperm.xlane v43, v36  }
0x129: {  	v2 =	vadd.f32 v4, v2;
	v6 =	vadd.f32 v12, v6;
	v12 =	vld [tilespmem:s20+$0x6D0]  }
0x12a: {  	v24 =	vsub.f32 v24, v41;
	v9 =	vadd.f32 v43, v63;
	v43 =	vld [tilespmem:s20+$0x10600]  }
0x12b: {  	v23 =	vadd.f32 v23, v34;
	v62 =	vperm.xlane v11, v38;
	v63 =	vadd.f32 v59, v57;
	v57 =	vld [tilespmem:s20+$0x620]  }
0x12c: {  	v55 =	vadd.f32 v45, v42;
	v3 =	vadd.f32 v29, v3;
	v59 =	vld [tilespmem:s20+$0x8620]  }
0x12d: {  	v11 =	vadd.f32 v11, v62;
	v62 =	vld [tilespmem:s20+$0x8660];
	v16 =	vadd.f32 v26, v16  }
0x12e: {  	v15 =	vand.u32 $0x7FFFFFFF, v15;
	v26 =	vld [tilespmem:s20+$0x8650];
	v37 =	vsub.f32 v63, v37;
	v14 =	vadd.f32 v14, v54  }
0x12f: {  	v33 =	vand.u32 $0x7FFFFFFF, v33;
	v1 =	vsub.f32 v55, v1;
	v2 =	vadd.f32 v15, v2;
	v63 =	vld [tilespmem:s20+$0x680]  }
0x130: {  	v12 =	vadd.f32 v56, v12;
	v56 =	vld [tilespmem:s20+$0x640];
	v21 =	vand.u32 $0x7FFFFFFF, v37;
	v0 =	vsub.f32 v14, v0  }
0x131: {  	v14 =	vsub.f32 v23, v18;
	v18 =	vld [tilespmem:s20+$0x8640];
	v21 =	vadd.f32 v33, v21  }
0x132: {  	v58 =	vperm.xlane v11, v40;
	v16 =	vsub.f32 v16, v17;
	v23 =	vld [tilespmem:s20+$0x650];
	v12 =	vsub.f32 v12, v61  }
0x133: {  	v17 =	vadd.f32 v59, v57;
	v13 =	vadd.f32 v13, v21;
	v21 =	vld [tilespmem:s20+$0x8600]  }
0x134: {  	v11 =	vadd.f32 v11, v58;
	v58 =	vld [tilespmem:s20+$0x10640];
	v0 =	vand.u32 $0x7FFFFFFF, v0;
	v12 =	vand.u32 $0x7FFFFFFF, v12  }
0x135: {  	v0 =	vadd.f32 v12, v0;
	v12 =	vsub.f32 v17, v31;
	v17 =	vld [tilespmem:s20+$0x10650]  }
0x136: {  	v3 =	vsub.f32 v3, v20;
	v57 =	vadd.f32 v62, v60;
	v60 =	vld [tilespmem:s20+$0x10690]  }
0x137: {  	v32 =	vadd.f32 v27, v63;
	v18 =	vadd.f32 v18, v56  }
0x138: {  	v1 =	vand.u32 $0x7FFFFFFF, v1;
	v23 =	vadd.f32 v26, v23;
	v21 =	vadd.f32 v21, v30  }
0x139: {  	v20 =	vand.u32 $0x7FFFFFFF, v28;
	v32 =	vsub.f32 v32, v48;
	v18 =	vsub.f32 v18, v58  }
0x13a: {  	v3 =	vand.u32 $0x7FFFFFFF, v3;
	v17 =	vsub.f32 v23, v17;
	v21 =	vsub.f32 v21, v43  }
0x13b: {  	v31 =	vsub.f32 v57, v47;
	v25 =	vsub.f32 v25, v60;
	v23 =	vand.u32 $0x7FFFFFFF, v32  }
0x13c: {  	v18 =	vand.u32 $0x7FFFFFFF, v18;
	v17 =	vand.u32 $0x7FFFFFFF, v17;
	v21 =	vand.u32 $0x7FFFFFFF, v21  }
0x13d: {  	v17 =	vadd.f32 v17, v18;
	v18 =	vand.u32 $0x7FFFFFFF, v25;
	v3 =	vadd.f32 v3, v21  }
0x13e: {  	v12 =	vand.u32 $0x7FFFFFFF, v12;
	v21 =	vand.u32 $0x7FFFFFFF, v31;
	v18 =	vadd.f32 v18, v23  }
0x13f: {  	v16 =	vand.u32 $0x7FFFFFFF, v16;
	v3 =	vadd.f32 v12, v3;
	v12 =	vadd.f32 v21, v17  }
0x140: {  	v14 =	vand.u32 $0x7FFFFFFF, v14;
	v0 =	vadd.f32 v20, v0;
	v16 =	vadd.f32 v16, v18  }
0x141: {  	v3 =	vadd.f32 v14, v3;
	v1 =	vadd.f32 v1, v12;
	v12 =	vand.u32 $0x7FFFFFFF, v24  }
0x142: {  	v59 =	vand.u32 $0x7FFFFFFF, v49;
	v14 =	vand.u32 $0x7FFFFFFF, v22;
	v12 =	vadd.f32 v12, v16  }
0x143: {  	v0 =	vadd.f32 v14, v0;
	v4 =	vperm.xlane v3, v38;
	v16 =	vperm.xlane v1, v38  }
0x144: {  	v29 =	vperm.xlane v11, v36;
	v13 =	vadd.f32 v59, v13;
	v14 =	vperm.xlane v12, v38  }
0x145: {  	v3 =	vadd.f32 v3, v4;
	v1 =	vadd.f32 v1, v16;
	v4 =	vperm.xlane v0, v38  }
0x146: {  	v15 =	vperm.xlane v13, v38;
	v12 =	vadd.f32 v12, v14;
	v14 =	vperm.xlane v2, v38  }
0x147: {  	v16 =	vperm.xlane v3, v40;
	v17 =	vperm.xlane v1, v40;
	v0 =	vadd.f32 v0, v4  }
0x148: {  	v13 =	vadd.f32 v13, v15;
	v4 =	vperm.xlane v12, v40;
	v2 =	vadd.f32 v2, v14  }
0x149: {  	v3 =	vadd.f32 v3, v16;
	v1 =	vadd.f32 v1, v17;
	v14 =	vperm.xlane v0, v40  }
0x14a: {  	v15 =	vperm.xlane v13, v40;
	v18 =	vld [tilespmem:$0x1FFF0];
	v4 =	vadd.f32 v12, v4;
	v12 =	vperm.xlane v2, v40  }
0x14b: {  	v16 =	vperm.xlane v3, v36;
	v17 =	vperm.xlane v1, v36;
	v0 =	vadd.f32 v0, v14  }
0x14c: {  	v14 =	vperm.xlane v4, v36;
	v2 =	vadd.f32 v2, v12;
	v12 =	vadd.f32 v13, v15  }
0x14d: {  	v3 =	vadd.f32 v3, v16;
	v1 =	vadd.f32 v1, v17;
	v13 =	vperm.xlane v0, v36  }
0x14e: {  	v4 =	vadd.f32 v4, v14;
	v14 =	vperm.xlane v2, v36;
	v15 =	vperm.xlane v12, v36  }
0x14f: {  	v16 =	vperm.xlane v3, v18;
	v17 =	vperm.xlane v1, v18;
	v0 =	vadd.f32 v0, v13  }
0x150: {  	v13 =	vperm.xlane v4, v18;
	v2 =	vadd.f32 v2, v14;
	v12 =	vadd.f32 v12, v15  }
0x151: {  	v3 =	vadd.f32 v3, v16;
	v1 =	vadd.f32 v1, v17;
	v14 =	vperm.xlane v0, v18  }
0x152: {  	v11 =	vadd.f32 v11, v29;
	v4 =	vadd.f32 v4, v13;
	v13 =	vperm.xlane v2, v18  }
0x153: {  	v1 =	vsel vm0, v3, v1;
	v0 =	vadd.f32 v0, v14;
	v3 =	vperm.xlane v12, v18  }
0x154: {  	v1 =	vsel vm1, v1, v4;
	v2 =	vadd.f32 v2, v13;
	v4 =	vperm.xlane v11, v18  }
0x155: {  	v0 =	vsel vm2, v1, v0;
	v1 =	vadd.f32 v12, v3;
	v3 =	vperm.xlane v9, v18  }
0x156: {  	v0 =	vsel vm3, v0, v2;
	v2 =	vadd.f32 v11, v4;
	v4 =	vperm.xlane v6, v18  }
0x157: {  	v0 =	vsel vm4, v0, v1;
	v1 =	vadd.f32 v9, v3;
	v3 =	vperm.xlane v5, v18  }
0x158: {  	v0 =	vsel vm5, v0, v2;
	v2 =	vadd.f32 v6, v4;
	v6 =	vld [tilespmem:$0x1FDB0]  }
0x159: {  	v4 =	vperm.xlane v8, v18;
	v0 =	vsel vm6, v0, v1;
	v1 =	vadd.f32 v5, v3;
	v5 =	vld [tilespmem:$0x1FDC0]  }
0x15a: {  	v3 =	vperm.xlane v10, v18  }
0x15b: {  	v0 =	vsel vm7, v0, v2;
	v2 =	vadd.f32 v8, v4;
	v4 =	vperm.xlane v19, v18  }
0x15c: {  	v0 =	vsel vm8, v0, v1;
	v1 =	vadd.f32 v10, v3;
	v3 =	vperm.xlane v7, v18  }
0x15d: {  	v0 =	vsel vm9, v0, v2;
	v2 =	vadd.f32 v19, v4;
	v4 =	vperm.xlane v6, v18  }
0x15e: {  	v0 =	vsel vm10, v0, v1;
	v1 =	vadd.f32 v7, v3;
	v3 =	vperm.xlane v5, v18  }
0x15f: {  	v0 =	vsel vm11, v0, v2;
	v2 =	vadd.f32 v6, v4  }
0x160: {  	v0 =	vsel vm12, v0, v1;
	v1 =	vadd.f32 v5, v3  }
0x161: {  	v0 =	vsel vm13, v0, v2  }
0x162: {  	v0 =	vsel vm14, v0, v1  }
0x163: {  	s18 =	simm.s32 $0x400;
	[tilespmem:s16+$0x0] =	vst v0  }
0x164: {  	v54 =	vld [tilespmem:s18+$0x109F0]  }
0x165: {  	v32 =	vld [tilespmem:s18+$0x109B0]  }
0x166: {  	v55 =	vld [tilespmem:s18+$0x109E0]  }
0x167: {  	v11 =	vld [tilespmem:s18+$0x9F0]  }
0x168: {  	v12 =	vld [tilespmem:s18+$0x89F0]  }
0x169: {  	v49 =	vld [tilespmem:s18+$0x10970]  }
0x16a: {  	v27 =	vld [tilespmem:s18+$0x109A0]  }
0x16b: {  	v57 =	vld [tilespmem:s18+$0x9B0]  }
0x16c: {  	v22 =	vld [tilespmem:s18+$0x89B0]  }
0x16d: {  	v25 =	vld [tilespmem:s18+$0x109C0]  }
0x16e: {  	v28 =	vld [tilespmem:s18+$0x109D0]  }
0x16f: {  	v15 =	vld [tilespmem:s18+$0x9E0]  }
0x170: {  	v31 =	vld [tilespmem:s18+$0x89E0]  }
0x171: {  	v45 =	vld [tilespmem:s18+$0x10930]  }
0x172: {  	v34 =	vld [tilespmem:s18+$0x10960]  }
0x173: {  	v43 =	vld [tilespmem:s18+$0x970]  }
0x174: {  	v44 =	vld [tilespmem:s18+$0x8970]  }
0x175: {  	v51 =	vld [tilespmem:s18+$0x10980]  }
0x176: {  	v52 =	vld [tilespmem:s18+$0x10990]  }
0x177: {  	v62 =	vld [tilespmem:s18+$0x9A0]  }
0x178: {  	v63 =	vld [tilespmem:s18+$0x89A0]  }
0x179: {  	v33 =	vld [tilespmem:s18+$0x9C0]  }
0x17a: {  	v35 =	vld [tilespmem:s18+$0x89C0]  }
0x17b: {  	v37 =	vld [tilespmem:s18+$0x9D0]  }
0x17c: {  	v39 =	vld [tilespmem:s18+$0x89D0]  }
0x17d: {  	v0 =	vld [tilespmem:s18+$0x108F0]  }
0x17e: {  	v26 =	vld [tilespmem:s18+$0x930]  }
0x17f: {  	v24 =	vld [tilespmem:s18+$0x8930]  }
0x180: {  	v18 =	vld [tilespmem:s18+$0x10940]  }
0x181: {  	v17 =	vld [tilespmem:s18+$0x10950]  }
0x182: {  	v14 =	vld [tilespmem:s18+$0x960]  }
0x183: {  	v13 =	vld [tilespmem:s18+$0x8960]  }
0x184: {  	v16 =	vld [tilespmem:s18+$0x8980]  }
0x185: {  	v3 =	vld [tilespmem:s18+$0x990]  }
0x186: {  	v10 =	vld [tilespmem:s18+$0x8990]  }
0x187: {  	v1 =	vld [tilespmem:s18+$0x108B0]  }
0x188: {  	v47 =	vld [tilespmem:s18+$0x8F0]  }
0x189: {  	v19 =	vld [tilespmem:s18+$0x10830]  }
0x18a: {  	v48 =	vld [tilespmem:s18+$0x88F0]  }
0x18b: {  	v46 =	vld [tilespmem:s18+$0x10900]  }
0x18c: {  	v53 =	vld [tilespmem:s18+$0x10910]  }
0x18d: {  	v30 =	vld [tilespmem:s18+$0x920]  }
0x18e: {  	[tilespmem:$0x1FF40] =	vst v19;
	v19 =	vld [tilespmem:s18+$0x10860]  }
0x18f: {  	v29 =	vld [tilespmem:s18+$0x8920]  }
0x190: {  	v5 =	vld [tilespmem:s18+$0x940]  }
0x191: {  	v4 =	vld [tilespmem:s18+$0x8940]  }
0x192: {  	v2 =	vld [tilespmem:s18+$0x950]  }
0x193: {  	[tilespmem:$0x1FF30] =	vst v19;
	v19 =	vld [tilespmem:s18+$0x870]  }
0x194: {  	v6 =	vld [tilespmem:s18+$0x10870]  }
0x195: {  	v42 =	vld [tilespmem:s18+$0x108C0]  }
0x196: {  	v33 =	vadd.f32 v35, v33;
	v35 =	vadd.f32 v39, v37;
	v37 =	vld [tilespmem:s18+$0x107B0]  }
0x197: {  	[tilespmem:$0x1FE00] =	vst v0;
	v0 =	vld [tilespmem:s18+$0x10920]  }
0x198: {  	[tilespmem:$0x1FE80] =	vst v19;
	v19 =	vld [tilespmem:s18+$0x8870]  }
0x199: {  	v41 =	vld [tilespmem:s18+$0x108D0];
	[tilespmem:$0x1FEB0] =	vst v1  }
0x19a: {  	v1 =	vld [tilespmem:s18+$0x108E0];
	[tilespmem:$0x1FEC0] =	vst v6;
	v25 =	vsub.f32 v33, v25  }
0x19b: {  	v6 =	vld [tilespmem:s18+$0x108A0];
	v28 =	vsub.f32 v35, v28;
	[tilespmem:$0x1FF80] =	vst v37;
	v37 =	vadd.f32 v31, v15  }
0x19c: {  	v11 =	vadd.f32 v12, v11;
	[tilespmem:$0x1FDE0] =	vst v0;
	v0 =	vld [tilespmem:s18+$0x980]  }
0x19d: {  	v39 =	vand.u32 $0x7FFFFFFF, v25;
	v28 =	vand.u32 $0x7FFFFFFF, v28;
	v12 =	vsub.f32 v37, v55;
	[tilespmem:$0x1FE90] =	vst v19;
	v19 =	vld [tilespmem:s18+$0x10880]  }
0x19e: {  	v3 =	vadd.f32 v10, v3;
	v10 =	vld [tilespmem:s18+$0x10770];
	v55 =	vadd.f32 v28, v39  }
0x19f: {  	v50 =	vld [tilespmem:s18+$0x8E0];
	v11 =	vsub.f32 v11, v54;
	v12 =	vand.u32 $0x7FFFFFFF, v12  }
0x1a0: {  	[tilespmem:$0x1FEA0] =	vst v6;
	v6 =	vld [tilespmem:s18+$0x8B0];
	v12 =	vadd.f32 v12, v55  }
0x1a1: {  	v11 =	vand.u32 $0x7FFFFFFF, v11;
	[tilespmem:$0x1FDF0] =	vst v1;
	v1 =	vld [tilespmem:s18+$0x8950]  }
0x1a2: {  	v0 =	vadd.f32 v16, v0;
	v11 =	vadd.f32 v11, v12;
	[tilespmem:$0x1FE60] =	vst v19;
	v19 =	vld [tilespmem:s18+$0x10890]  }
0x1a3: {  	v60 =	vld [tilespmem:s18+$0x88E0];
	v3 =	vsub.f32 v3, v52;
	[tilespmem:$0x1FF90] =	vst v10;
	v10 =	vadd.f32 v63, v62  }
0x1a4: {  	v61 =	vld [tilespmem:s18+$0x107F0];
	v12 =	vadd.f32 v22, v57;
	v0 =	vsub.f32 v0, v51;
	v22 =	vperm.xlane v11, v38  }
0x1a5: {  	v3 =	vand.u32 $0x7FFFFFFF, v3;
	v10 =	vsub.f32 v10, v27;
	[tilespmem:$0x1FE20] =	vst v6;
	v6 =	vld [tilespmem:s18+$0x88B0]  }
0x1a6: {  	v1 =	vadd.f32 v1, v2;
	v0 =	vand.u32 $0x7FFFFFFF, v0;
	v16 =	vadd.f32 v11, v22;
	v22 =	vld [tilespmem:s18+$0x7B0]  }
0x1a7: {  	v0 =	vadd.f32 v3, v0;
	v3 =	vadd.f32 v4, v5;
	[tilespmem:$0x1FE70] =	vst v19;
	v19 =	vld [tilespmem:s18+$0x8A0]  }
0x1a8: {  	v7 =	vld [tilespmem:s18+$0x910];
	v2 =	vand.u32 $0x7FFFFFFF, v10;
	v1 =	vsub.f32 v1, v17;
	v4 =	vadd.f32 v13, v14  }
0x1a9: {  	[tilespmem:$0x1FF60] =	vst v61;
	v61 =	vld [tilespmem:s18+$0x10820];
	v2 =	vadd.f32 v2, v0;
	v0 =	vsub.f32 v3, v18  }
0x1aa: {  	v32 =	vsub.f32 v12, v32;
	v1 =	vand.u32 $0x7FFFFFFF, v1;
	[tilespmem:$0x1FE30] =	vst v6;
	v6 =	vld [tilespmem:s18+$0x8910]  }
0x1ab: {  	v9 =	vld [tilespmem:s18+$0x900];
	v4 =	vsub.f32 v4, v34;
	v10 =	vand.u32 $0x7FFFFFFF, v0;
	[tilespmem:$0x1FF70] =	vst v22;
	v22 =	vadd.f32 v44, v43  }
0x1ac: {  	v1 =	vadd.f32 v1, v10;
	[tilespmem:$0x1FE40] =	vst v19;
	v19 =	vld [tilespmem:s18+$0x88A0]  }
0x1ad: {  	v8 =	vld [tilespmem:s18+$0x8900];
	v3 =	vand.u32 $0x7FFFFFFF, v32;
	v4 =	vand.u32 $0x7FFFFFFF, v4;
	v13 =	vsub.f32 v22, v49  }
0x1ae: {  	v20 =	vld [tilespmem:s18+$0x8D0];
	v2 =	vadd.f32 v3, v2;
	v1 =	vadd.f32 v4, v1  }
0x1af: {  	[tilespmem:$0x1FF50] =	vst v61;
	v61 =	vld [tilespmem:s18+$0x830];
	v6 =	vadd.f32 v6, v7;
	v7 =	vand.u32 $0x7FFFFFFF, v13  }
0x1b0: {  	v13 =	vld [tilespmem:$0x1FDE0];
	v1 =	vadd.f32 v7, v1;
	v7 =	vperm.xlane v2, v38  }
0x1b1: {  	[tilespmem:$0x1FE50] =	vst v19;
	v19 =	vld [tilespmem:s18+$0x88D0]  }
0x1b2: {  	v23 =	vld [tilespmem:s18+$0x8C0];
	v7 =	vadd.f32 v2, v7;
	v2 =	vperm.xlane v1, v38  }
0x1b3: {  	v21 =	vld [tilespmem:s18+$0x88C0];
	v4 =	vadd.f32 v8, v9  }
0x1b4: {  	[tilespmem:$0x1FF10] =	vst v61;
	v61 =	vld [tilespmem:s18+$0x8830];
	v8 =	vadd.f32 v29, v30;
	v1 =	vadd.f32 v1, v2  }
0x1b5: {  	v58 =	vld [tilespmem:s18+$0x880]  }
0x1b6: {  	v56 =	vld [tilespmem:s18+$0x890];
	v8 =	vsub.f32 v8, v13;
	v13 =	vadd.f32 v19, v20;
	v19 =	vperm.xlane v1, v40  }
0x1b7: {  	v59 =	vld [tilespmem:s18+$0x8890];
	v6 =	vsub.f32 v6, v53;
	v4 =	vsub.f32 v4, v46  }
0x1b8: {  	v1 =	vadd.f32 v1, v19;
	v19 =	vld [tilespmem:$0x1FDF0]  }
0x1b9: {  	[tilespmem:$0x1FF20] =	vst v61;
	v61 =	vld [tilespmem:s18+$0x10840];
	v5 =	vadd.f32 v24, v26;
	v6 =	vand.u32 $0x7FFFFFFF, v6;
	v4 =	vand.u32 $0x7FFFFFFF, v4  }
0x1ba: {  	v33 =	vld [tilespmem:s18+$0x87F0];
	v4 =	vadd.f32 v6, v4;
	v6 =	vadd.f32 v21, v23  }
0x1bb: {  	v35 =	vld [tilespmem:s18+$0x820];
	v5 =	vsub.f32 v5, v45;
	v18 =	vadd.f32 v60, v50;
	v8 =	vand.u32 $0x7FFFFFFF, v8  }
0x1bc: {  	v54 =	vld [tilespmem:s18+$0x8840];
	v6 =	vsub.f32 v6, v42;
	v4 =	vadd.f32 v8, v4  }
0x1bd: {  	v5 =	vand.u32 $0x7FFFFFFF, v5;
	v13 =	vsub.f32 v13, v41;
	v18 =	vsub.f32 v18, v19;
	v19 =	vld [tilespmem:s18+$0x106F0]  }
0x1be: {  	[tilespmem:$0x1FEF0] =	vst v61;
	v61 =	vld [tilespmem:s18+$0x10850];
	v4 =	vadd.f32 v5, v4;
	v5 =	vperm.xlane v7, v40  }
0x1bf: {  	v25 =	vld [tilespmem:s18+$0x10800];
	v6 =	vand.u32 $0x7FFFFFFF, v6;
	v13 =	vand.u32 $0x7FFFFFFF, v13  }
0x1c0: {  	v15 =	vld [tilespmem:s18+$0x107E0];
	v5 =	vadd.f32 v7, v5;
	v6 =	vadd.f32 v13, v6  }
0x1c1: {  	v31 =	vld [tilespmem:s18+$0x7F0];
	v13 =	vand.u32 $0x7FFFFFFF, v18  }
0x1c2: {  	v62 =	vld [tilespmem:s18+$0x800];
	v6 =	vadd.f32 v13, v6;
	v13 =	vperm.xlane v5, v36;
	[tilespmem:$0x1FFA0] =	vst v19;
	v19 =	vperm.xlane v1, v36  }
0x1c3: {  	[tilespmem:$0x1FF00] =	vst v61;
	v61 =	vld [tilespmem:s18+$0x860];
	v18 =	vperm.xlane v4, v38  }
0x1c4: {  	v7 =	vld [tilespmem:s18+$0x10720];
	v60 =	vadd.f32 v1, v19;
	v1 =	vadd.f32 v5, v13  }
0x1c5: {  	v18 =	vadd.f32 v4, v18;
	v4 =	vld [tilespmem:$0x1FE30]  }
0x1c6: {  	[tilespmem:$0x1FE10] =	vst v1;
	v1 =	vld [tilespmem:$0x1FE20]  }
0x1c7: {  	v63 =	vld [tilespmem:s18+$0x8800]  }
0x1c8: {  	[tilespmem:$0x1FED0] =	vst v61;
	v61 =	vld [tilespmem:s18+$0x8860]  }
0x1c9: {  	v20 =	vld [tilespmem:$0x1FE50]  }
0x1ca: {  	[tilespmem:$0x1FFB0] =	vst v7;
	v7 =	vld [tilespmem:$0x1FE00]  }
0x1cb: {  	v1 =	vadd.f32 v4, v1;
	v4 =	vld [tilespmem:$0x1FE40]  }
0x1cc: {  	v28 =	vld [tilespmem:s18+$0x10810]  }
0x1cd: {  	v37 =	vld [tilespmem:s18+$0x8820]  }
0x1ce: {  	v9 =	vadd.f32 v48, v47;
	[tilespmem:$0x1FEE0] =	vst v61;
	v61 =	vld [tilespmem:s18+$0x8880]  }
0x1cf: {  	v39 =	vld [tilespmem:s18+$0x840]  }
0x1d0: {  	v9 =	vsub.f32 v9, v7;
	v20 =	vadd.f32 v20, v4;
	v4 =	vld [tilespmem:$0x1FE60]  }
0x1d1: {  	v55 =	vld [tilespmem:s18+$0x850]  }
0x1d2: {  	v31 =	vadd.f32 v33, v31;
	v33 =	vld [tilespmem:s18+$0x8740];
	v5 =	vand.u32 $0x7FFFFFFF, v9  }
0x1d3: {  	v57 =	vld [tilespmem:s18+$0x8850];
	v5 =	vadd.f32 v5, v6;
	v6 =	vadd.f32 v61, v58  }
0x1d4: {  	v51 =	vld [tilespmem:s18+$0x7E0]  }
0x1d5: {  	v6 =	vsub.f32 v6, v4;
	v4 =	vld [tilespmem:$0x1FE70]  }
0x1d6: {  	v62 =	vadd.f32 v63, v62;
	v17 =	vld [tilespmem:s18+$0x7C0]  }
0x1d7: {  	v35 =	vadd.f32 v37, v35;
	v37 =	vld [tilespmem:s18+$0x750]  }
0x1d8: {  	v25 =	vsub.f32 v62, v25;
	v62 =	vld [tilespmem:s18+$0x86D0];
	v13 =	vadd.f32 v59, v56  }
0x1d9: {  	v23 =	vld [tilespmem:$0x1FE90]  }
0x1da: {  	v13 =	vsub.f32 v13, v4;
	v4 =	vld [tilespmem:$0x1FE80]  }
0x1db: {  	v12 =	vld [tilespmem:s18+$0x87B0]  }
0x1dc: {  	v14 =	vld [tilespmem:s18+$0x10760]  }
0x1dd: {  	v24 =	vld [tilespmem:s18+$0x7D0]  }
0x1de: {  	v11 =	vld [tilespmem:s18+$0x107A0]  }
0x1df: {  	v23 =	vadd.f32 v23, v4;
	v4 =	vld [tilespmem:$0x1FEA0]  }
0x1e0: {  	v50 =	vld [tilespmem:s18+$0x8730]  }
0x1e1: {  	v32 =	vld [tilespmem:s18+$0x10750]  }
0x1e2: {  	v45 =	vld [tilespmem:s18+$0x790];
	v21 =	vperm.xlane v5, v38  }
0x1e3: {  	v0 =	vld [tilespmem:s18+$0x810]  }
0x1e4: {  	v52 =	vperm.xlane v16, v40;
	v5 =	vadd.f32 v5, v21;
	v21 =	vsub.f32 v20, v4;
	v4 =	vld [tilespmem:$0x1FEB0]  }
0x1e5: {  	v3 =	vld [tilespmem:s18+$0x8810]  }
0x1e6: {  	v27 =	vadd.f32 v16, v52;
	v52 =	vld [tilespmem:s18+$0x87E0]  }
0x1e7: {  	v16 =	vld [tilespmem:s18+$0x10730];
	v9 =	vperm.xlane v18, v40  }
0x1e8: {  	v43 =	vld [tilespmem:s18+$0x107C0]  }
0x1e9: {  	v9 =	vadd.f32 v18, v9;
	v1 =	vsub.f32 v1, v4;
	v4 =	vld [tilespmem:$0x1FEC0]  }
0x1ea: {  	v44 =	vld [tilespmem:s18+$0x107D0]  }
0x1eb: {  	v48 =	vld [tilespmem:s18+$0x10790];
	v26 =	vperm.xlane v9, v36  }
0x1ec: {  	v10 =	vperm.xlane v27, v36;
	v53 =	vld [tilespmem:s18+$0x7A0]  }
0x1ed: {  	v34 =	vadd.f32 v9, v26;
	v26 =	vld [tilespmem:$0x1FEE0]  }
0x1ee: {  	v10 =	vadd.f32 v27, v10;
	v27 =	vsub.f32 v23, v4;
	v23 =	vld [tilespmem:$0x1FED0]  }
0x1ef: {  	v30 =	vld [tilespmem:s18+$0x87D0]  }
0x1f0: {  	v47 =	vld [tilespmem:s18+$0x730]  }
0x1f1: {  	v29 =	vld [tilespmem:s18+$0x6F0]  }
0x1f2: {  	v22 =	vld [tilespmem:s18+$0x8770]  }
0x1f3: {  	v6 =	vand.u32 $0x7FFFFFFF, v6;
	v13 =	vand.u32 $0x7FFFFFFF, v13;
	v26 =	vadd.f32 v26, v23;
	v23 =	vld [tilespmem:$0x1FEF0]  }
0x1f4: {  	v49 =	vld [tilespmem:s18+$0x8790];
	v6 =	vadd.f32 v13, v6  }
0x1f5: {  	v46 =	vld [tilespmem:s18+$0x10780];
	v0 =	vadd.f32 v3, v0;
	v9 =	vand.u32 $0x7FFFFFFF, v21  }
0x1f6: {  	v3 =	vld [tilespmem:s18+$0x8750];
	v6 =	vadd.f32 v9, v6;
	v9 =	vadd.f32 v54, v39  }
0x1f7: {  	v2 =	vld [tilespmem:s18+$0x87A0]  }
0x1f8: {  	v9 =	vsub.f32 v9, v23;
	v23 =	vld [tilespmem:$0x1FF00]  }
0x1f9: {  	v8 =	vld [tilespmem:s18+$0x87C0];
	v13 =	vperm.xlane v5, v40  }
0x1fa: {  	v59 =	vld [tilespmem:$0x1FF30]  }
0x1fb: {  	[tilespmem:$0x1FDD0] =	vst v10;
	v10 =	vld [tilespmem:s18+$0x770];
	v5 =	vadd.f32 v5, v13;
	v13 =	vadd.f32 v57, v55  }
0x1fc: {  	v0 =	vsub.f32 v0, v28;
	v28 =	vld [tilespmem:s18+$0x106A0]  }
0x1fd: {  	v42 =	vld [tilespmem:s18+$0x8780];
	v3 =	vadd.f32 v3, v37;
	v13 =	vsub.f32 v13, v23  }
0x1fe: {  	v37 =	vld [tilespmem:s18+$0x8660];
	v2 =	vadd.f32 v2, v53;
	v8 =	vadd.f32 v8, v17  }
0x1ff: {  	v53 =	vld [tilespmem:s18+$0x6A0];
	v26 =	vsub.f32 v26, v59;
	v9 =	vand.u32 $0x7FFFFFFF, v9;
	v13 =	vand.u32 $0x7FFFFFFF, v13  }
0x200: {  	v17 =	vadd.f32 v30, v24;
	v30 =	vld [tilespmem:s18+$0x6B0];
	v9 =	vadd.f32 v13, v9  }
0x201: {  	v24 =	vadd.f32 v52, v51;
	v51 =	vld [tilespmem:s18+$0x106C0];
	v26 =	vand.u32 $0x7FFFFFFF, v26  }
0x202: {  	v9 =	vadd.f32 v26, v9;
	v26 =	vand.u32 $0x7FFFFFFF, v27;
	v27 =	vld [tilespmem:$0x1FF50]  }
0x203: {  	v52 =	vld [tilespmem:s18+$0x106D0]  }
0x204: {  	v25 =	vand.u32 $0x7FFFFFFF, v25;
	v0 =	vand.u32 $0x7FFFFFFF, v0;
	v58 =	vld [tilespmem:$0x1FF20]  }
0x205: {  	v0 =	vadd.f32 v0, v25;
	v57 =	vld [tilespmem:$0x1FF10]  }
0x206: {  	v8 =	vsub.f32 v8, v43;
	v43 =	vld [tilespmem:s18+$0x86B0];
	v17 =	vsub.f32 v17, v44  }
0x207: {  	v15 =	vsub.f32 v24, v15;
	v61 =	vld [tilespmem:$0x1FF40];
	v1 =	vand.u32 $0x7FFFFFFF, v1;
	v35 =	vsub.f32 v35, v27  }
0x208: {  	v8 =	vand.u32 $0x7FFFFFFF, v8;
	v17 =	vand.u32 $0x7FFFFFFF, v17;
	v18 =	vld [tilespmem:s18+$0x780];
	v6 =	vadd.f32 v1, v6  }
0x209: {  	v44 =	vld [tilespmem:s18+$0x8700];
	v15 =	vand.u32 $0x7FFFFFFF, v15;
	v8 =	vadd.f32 v17, v8;
	v24 =	vand.u32 $0x7FFFFFFF, v35  }
0x20a: {  	v39 =	vadd.f32 v58, v57;
	v56 =	vperm.xlane v6, v38;
	v0 =	vadd.f32 v24, v0;
	v24 =	vld [tilespmem:$0x1FF60]  }
0x20b: {  	v41 =	vld [tilespmem:s18+$0x8760];
	v15 =	vadd.f32 v15, v8  }
0x20c: {  	v7 =	vld [tilespmem:s18+$0x760];
	v39 =	vsub.f32 v39, v61;
	v6 =	vadd.f32 v6, v56  }
0x20d: {  	v19 =	vld [tilespmem:s18+$0x10740];
	v18 =	vadd.f32 v42, v18;
	v9 =	vadd.f32 v26, v9  }
0x20e: {  	v42 =	vld [tilespmem:s18+$0x8710];
	v8 =	vperm.xlane v5, v36;
	v17 =	vand.u32 $0x7FFFFFFF, v39;
	v25 =	vperm.xlane v6, v40  }
0x20f: {  	v55 =	vld [tilespmem:s18+$0x8720];
	v63 =	vperm.xlane v9, v38;
	v0 =	vadd.f32 v17, v0;
	v24 =	vsub.f32 v31, v24  }
0x210: {  	v8 =	vadd.f32 v5, v8;
	v5 =	vld [tilespmem:s18+$0x710];
	v6 =	vadd.f32 v6, v25  }
0x211: {  	v20 =	vld [tilespmem:s18+$0x106B0];
	v9 =	vadd.f32 v9, v63;
	v17 =	vand.u32 $0x7FFFFFFF, v24;
	v24 =	vperm.xlane v0, v38  }
0x212: {  	v21 =	vld [tilespmem:s18+$0x106E0];
	v25 =	vadd.f32 v49, v45;
	v17 =	vadd.f32 v17, v15  }
0x213: {  	v54 =	vld [tilespmem:s18+$0x720];
	v31 =	vperm.xlane v9, v40;
	v0 =	vadd.f32 v0, v24  }
0x214: {  	v57 =	vld [tilespmem:s18+$0x86E0];
	v25 =	vsub.f32 v25, v48;
	v24 =	vsub.f32 v18, v46;
	v49 =	vperm.xlane v17, v38  }
0x215: {  	v2 =	vsub.f32 v2, v11;
	v58 =	vld [tilespmem:s18+$0x86A0];
	v31 =	vadd.f32 v9, v31;
	v9 =	vperm.xlane v0, v40  }
0x216: {  	v11 =	vand.u32 $0x7FFFFFFF, v24;
	v24 =	vand.u32 $0x7FFFFFFF, v25;
	v25 =	vadd.f32 v17, v49;
	v17 =	vld [tilespmem:$0x1FF70]  }
0x217: {  	v5 =	vadd.f32 v42, v5;
	v42 =	vld [tilespmem:s18+$0x640]  }
0x218: {  	v0 =	vadd.f32 v0, v9;
	v9 =	vld [tilespmem:$0x1FF80]  }
0x219: {  	v61 =	vld [tilespmem:s18+$0x86C0]  }
0x21a: {  	v39 =	vld [tilespmem:s18+$0x700]  }
0x21b: {  	v1 =	vld [tilespmem:s18+$0x10700];
	v12 =	vadd.f32 v12, v17  }
0x21c: {  	v4 =	vld [tilespmem:s18+$0x86F0];
	v11 =	vadd.f32 v24, v11;
	v24 =	vperm.xlane v6, v36  }
0x21d: {  	v2 =	vand.u32 $0x7FFFFFFF, v2;
	v56 =	vld [tilespmem:s18+$0x6E0];
	v12 =	vsub.f32 v12, v9  }
0x21e: {  	v45 =	vld [tilespmem:s18+$0x630];
	v2 =	vadd.f32 v2, v11;
	v9 =	vadd.f32 v6, v24;
	v24 =	vperm.xlane v31, v36  }
0x21f: {  	v22 =	vadd.f32 v22, v10;
	v59 =	vld [tilespmem:s18+$0x6C0];
	v10 =	vand.u32 $0x7FFFFFFF, v12  }
0x220: {  	v2 =	vadd.f32 v10, v2;
	v10 =	vadd.f32 v31, v24;
	v24 =	vld [tilespmem:$0x1FF90]  }
0x221: {  	v48 =	vld [tilespmem:s18+$0x670]  }
0x222: {  	v23 =	vld [tilespmem:s18+$0x10710];
	v11 =	vperm.xlane v0, v36  }
0x223: {  	v13 =	vld [tilespmem:s18+$0x740];
	v35 =	vperm.xlane v25, v40  }
0x224: {  	v26 =	vld [tilespmem:s18+$0x10630];
	v11 =	vadd.f32 v0, v11;
	v0 =	vadd.f32 v50, v47  }
0x225: {  	v27 =	vld [tilespmem:s18+$0x10670];
	v6 =	vadd.f32 v25, v35;
	v25 =	vsub.f32 v22, v24;
	v22 =	vperm.xlane v2, v38  }
0x226: {  	v15 =	vld [tilespmem:s18+$0x10620]  }
0x227: {  	v46 =	vld [tilespmem:s18+$0x8630];
	v24 =	vsub.f32 v0, v16;
	v0 =	vadd.f32 v2, v22  }
0x228: {  	v18 =	vld [tilespmem:s18+$0x10660]  }
0x229: {  	v49 =	vld [tilespmem:s18+$0x8670];
	v2 =	vadd.f32 v33, v13;
	v13 =	vperm.xlane v0, v40  }
0x22a: {  	v17 =	vld [tilespmem:s18+$0x10680]  }
0x22b: {  	v13 =	vadd.f32 v0, v13;
	v0 =	vld [tilespmem:$0x1FFA0]  }
0x22c: {  	v50 =	vld [tilespmem:s18+$0x6D0];
	v31 =	vadd.f32 v41, v7  }
0x22d: {  	v3 =	vsub.f32 v3, v32;
	v35 =	vld [tilespmem:s18+$0x620]  }
0x22e: {  	v12 =	vperm.xlane v6, v36;
	v36 =	vld [tilespmem:s18+$0x8620];
	v16 =	vsub.f32 v31, v14;
	v14 =	vadd.f32 v4, v29  }
0x22f: {  	v7 =	vadd.f32 v43, v30;
	v30 =	vld [tilespmem:s18+$0x600];
	v19 =	vsub.f32 v2, v19  }
0x230: {  	v3 =	vand.u32 $0x7FFFFFFF, v3;
	v14 =	vsub.f32 v14, v0;
	v0 =	vld [tilespmem:$0x1FFB0]  }
0x231: {  	v41 =	vld [tilespmem:s18+$0x8610];
	v12 =	vadd.f32 v6, v12;
	v4 =	vand.u32 $0x7FFFFFFF, v19;
	v19 =	vadd.f32 v57, v56  }
0x232: {  	v6 =	vld [tilespmem:s18+$0x10610];
	v29 =	vadd.f32 v55, v54;
	v3 =	vadd.f32 v3, v4  }
0x233: {  	v31 =	vld [tilespmem:s18+$0x660];
	v4 =	vand.u32 $0x7FFFFFFF, v16;
	v21 =	vsub.f32 v19, v21;
	v19 =	vadd.f32 v62, v50  }
0x234: {  	v38 =	vld [tilespmem:s18+$0x610];
	v16 =	vadd.f32 v4, v3;
	v3 =	vadd.f32 v61, v59  }
0x235: {  	v22 =	vld [tilespmem:s18+$0x10600];
	v2 =	vsub.f32 v29, v0;
	v0 =	vadd.f32 v44, v39  }
0x236: {  	v33 =	vld [tilespmem:s18+$0x8600];
	v4 =	vadd.f32 v49, v48;
	v43 =	vsub.f32 v19, v52  }
0x237: {  	v40 =	vld [tilespmem:s18+$0x8690];
	v0 =	vsub.f32 v0, v1;
	v1 =	vsub.f32 v5, v23  }
0x238: {  	v19 =	vld [tilespmem:s18+$0x8640];
	v63 =	vsub.f32 v3, v51;
	v5 =	vsub.f32 v7, v20  }
0x239: {  	v29 =	vld [tilespmem:s18+$0x680];
	v20 =	vadd.f32 v58, v53;
	v0 =	vand.u32 $0x7FFFFFFF, v0;
	v1 =	vand.u32 $0x7FFFFFFF, v1  }
0x23a: {  	v39 =	vld [tilespmem:s18+$0x8680];
	v0 =	vadd.f32 v1, v0;
	v1 =	vadd.f32 v46, v45  }
0x23b: {  	v23 =	vld [tilespmem:s18+$0x690];
	v3 =	vsub.f32 v20, v28  }
0x23c: {  	s19 =	simm.s32 $0x18600;
	s20 =	simm.s32 $0x2000;
	v7 =	vsub.f32 v1, v26;
	v1 =	vsub.f32 v4, v27;
	v26 =	vld [tilespmem:s18+$0x650];
	v4 =	vand.u32 $0x7FFFFFFF, v63  }
.LBB2_2:
0x23d: {  	v2 =	vand.u32 $0x7FFFFFFF, v2  }
0x23e: {  	v0 =	vadd.f32 v2, v0  }
0x23f: {  	v27 =	vld [tilespmem:s18+$0x8650];
	v20 =	vadd.f32 v36, v35;
	v28 =	vadd.f32 v37, v31  }
0x240: {  	v48 =	vld [tilespmem:s18+$0x10640];
	v29 =	vadd.f32 v39, v29;
	v23 =	vadd.f32 v40, v23  }
0x241: {  	v31 =	vand.u32 $0x7FFFFFFF, v43;
	v19 =	vadd.f32 v19, v42;
	v15 =	vsub.f32 v20, v15;
	v20 =	vld [tilespmem:s18+$0x10650]  }
0x242: {  	v4 =	vadd.f32 v31, v4;
	v18 =	vsub.f32 v28, v18;
	v28 =	vld [tilespmem:s18+$0x10690]  }
0x243: {  	v25 =	vand.u32 $0x7FFFFFFF, v25;
	v17 =	vsub.f32 v29, v17;
	v29 =	vadd.f32 v33, v30  }
0x244: {  	v24 =	vand.u32 $0x7FFFFFFF, v24;
	v26 =	vadd.f32 v27, v26;
	v30 =	vadd.f32 v41, v38  }
0x245: {  	v21 =	vand.u32 $0x7FFFFFFF, v21;
	v19 =	vsub.f32 v19, v48;
	v22 =	vsub.f32 v29, v22  }
0x246: {  	v7 =	vand.u32 $0x7FFFFFFF, v7;
	v6 =	vsub.f32 v30, v6;
	v20 =	vsub.f32 v26, v20  }
0x247: {  	v17 =	vand.u32 $0x7FFFFFFF, v17;
	v19 =	vand.u32 $0x7FFFFFFF, v19;
	v23 =	vsub.f32 v23, v28  }
0x248: {  	v22 =	vand.u32 $0x7FFFFFFF, v22;
	v6 =	vand.u32 $0x7FFFFFFF, v6;
	v20 =	vand.u32 $0x7FFFFFFF, v20  }
0x249: {  	v6 =	vadd.f32 v6, v22;
	v19 =	vadd.f32 v20, v19;
	v20 =	vand.u32 $0x7FFFFFFF, v23  }
0x24a: {  	v15 =	vand.u32 $0x7FFFFFFF, v15;
	v18 =	vand.u32 $0x7FFFFFFF, v18;
	v17 =	vadd.f32 v20, v17;
	v20 =	vld [tilespmem:$0x1FFC0]  }
0x24b: {  	v3 =	vand.u32 $0x7FFFFFFF, v3;
	v31 =	vld [tilespmem:$0x1FFE0];
	v6 =	vadd.f32 v15, v6;
	v15 =	vadd.f32 v18, v19  }
0x24c: {  	v1 =	vand.u32 $0x7FFFFFFF, v1;
	v4 =	vadd.f32 v21, v4;
	v3 =	vadd.f32 v3, v17  }
0x24d: {  	v5 =	vand.u32 $0x7FFFFFFF, v5;
	v6 =	vadd.f32 v7, v6;
	v1 =	vadd.f32 v1, v15  }
0x24e: {  	v0 =	vadd.f32 v24, v0;
	v21 =	vld [tilespmem:$0x1FFD0];
	v3 =	vadd.f32 v5, v3;
	v5 =	vand.u32 $0x7FFFFFFF, v14  }
0x24f: {  	v2 =	vperm.xlane v6, v20;
	v7 =	vperm.xlane v1, v20;
	v4 =	vadd.f32 v5, v4  }
0x250: {  	v32 =	vperm.xlane v13, v31;
	v14 =	vadd.f32 v25, v16;
	v5 =	vperm.xlane v3, v20  }
0x251: {  	v2 =	vadd.f32 v6, v2;
	v1 =	vadd.f32 v1, v7;
	v6 =	vperm.xlane v4, v20  }
0x252: {  	v7 =	vperm.xlane v14, v20;
	v3 =	vadd.f32 v3, v5;
	v5 =	vperm.xlane v0, v20  }
0x253: {  	v15 =	vperm.xlane v2, v21;
	v16 =	vperm.xlane v1, v21;
	v4 =	vadd.f32 v4, v6  }
0x254: {  	v6 =	vperm.xlane v3, v21;
	v0 =	vadd.f32 v0, v5;
	v5 =	vadd.f32 v14, v7  }
0x255: {  	v2 =	vadd.f32 v2, v15;
	v1 =	vadd.f32 v1, v16;
	v7 =	vperm.xlane v4, v21  }
0x256: {  	v17 =	vld [tilespmem:$0x1FFF0];
	v3 =	vadd.f32 v3, v6;
	v6 =	vperm.xlane v0, v21;
	v14 =	vperm.xlane v5, v21  }
0x257: {  	v15 =	vperm.xlane v2, v31;
	v16 =	vperm.xlane v1, v31;
	v4 =	vadd.f32 v4, v7  }
0x258: {  	v7 =	vperm.xlane v3, v31;
	v0 =	vadd.f32 v0, v6;
	v5 =	vadd.f32 v5, v14  }
0x259: {  	v2 =	vadd.f32 v2, v15;
	v1 =	vadd.f32 v1, v16;
	v6 =	vperm.xlane v4, v31  }
0x25a: {  	v3 =	vadd.f32 v3, v7;
	v7 =	vperm.xlane v0, v31;
	v14 =	vperm.xlane v5, v31  }
0x25b: {  	v15 =	vperm.xlane v2, v17;
	v16 =	vperm.xlane v1, v17;
	v4 =	vadd.f32 v4, v6  }
0x25c: {  	v6 =	vperm.xlane v3, v17;
	v0 =	vadd.f32 v0, v7;
	v5 =	vadd.f32 v5, v14  }
0x25d: {  	v2 =	vadd.f32 v2, v15;
	v1 =	vadd.f32 v1, v16;
	v7 =	vperm.xlane v4, v17  }
0x25e: {  	v13 =	vadd.f32 v13, v32;
	v3 =	vadd.f32 v3, v6;
	v6 =	vperm.xlane v0, v17  }
0x25f: {  	v1 =	vsel vm0, v2, v1;
	v2 =	vadd.f32 v4, v7;
	v4 =	vperm.xlane v5, v17  }
0x260: {  	v1 =	vsel vm1, v1, v3;
	v0 =	vadd.f32 v0, v6;
	v3 =	vperm.xlane v13, v17  }
0x261: {  	v1 =	vsel vm2, v1, v2;
	v2 =	vadd.f32 v5, v4;
	v4 =	vperm.xlane v12, v17  }
0x262: {  	v0 =	vsel vm3, v1, v0;
	v1 =	vadd.f32 v13, v3;
	v3 =	vperm.xlane v11, v17  }
0x263: {  	v6 =	vld [tilespmem:$0x1FE10];
	v0 =	vsel vm4, v0, v2;
	v2 =	vadd.f32 v12, v4;
	v4 =	vperm.xlane v10, v17  }
0x264: {  	v5 =	vld [tilespmem:$0x1FDD0];
	v0 =	vsel vm5, v0, v1;
	v1 =	vadd.f32 v11, v3;
	v3 =	vperm.xlane v9, v17  }
0x265: {  	v0 =	vsel vm6, v0, v2;
	v2 =	vadd.f32 v10, v4;
	v4 =	vperm.xlane v8, v17  }
0x266: {  	v0 =	vsel vm7, v0, v1;
	v1 =	vadd.f32 v9, v3;
	v3 =	vperm.xlane v34, v17  }
0x267: {  	v0 =	vsel vm8, v0, v2;
	v2 =	vadd.f32 v8, v4;
	v4 =	vperm.xlane v60, v17  }
0x268: {  	v0 =	vsel vm9, v0, v1;
	v1 =	vadd.f32 v34, v3;
	v3 =	vperm.xlane v6, v17  }
0x269: {  	v0 =	vsel vm10, v0, v2;
	v2 =	vadd.f32 v60, v4;
	v4 =	vperm.xlane v5, v17  }
0x26a: {  	v0 =	vsel vm11, v0, v1;
	v1 =	vadd.f32 v6, v3  }
0x26b: {  	v0 =	vsel vm12, v0, v2;
	v2 =	vadd.f32 v5, v4  }
0x26c: {  	v0 =	vsel vm13, v0, v1  }
0x26d: {  	s19 =	sadd.s32 $0x10, s19;
	v0 =	vsel vm14, v0, v2  }
0x26e: {  	s18 =	sshra.s32 s20, $0x2;
	[tilespmem:s19+$0x0] =	vst v0  }
0x26f: {  	v18 =	vld [tilespmem:s18+$0x109F0]  }
0x270: {  	v41 =	vld [tilespmem:s18+$0x109B0]  }
0x271: {  	v14 =	vld [tilespmem:s18+$0x109E0]  }
0x272: {  	v26 =	vld [tilespmem:s18+$0x9F0]  }
0x273: {  	v40 =	vld [tilespmem:s18+$0x89F0]  }
0x274: {  	v0 =	vld [tilespmem:s18+$0x10970]  }
0x275: {  	v37 =	vld [tilespmem:s18+$0x109A0]  }
0x276: {  	v30 =	vld [tilespmem:s18+$0x9B0]  }
0x277: {  	v29 =	vld [tilespmem:s18+$0x89B0]  }
0x278: {  	v43 =	vld [tilespmem:s18+$0x109C0]  }
0x279: {  	v61 =	vld [tilespmem:s18+$0x109D0]  }
0x27a: {  	v63 =	vld [tilespmem:s18+$0x9E0]  }
0x27b: {  	v11 =	vld [tilespmem:s18+$0x89E0]  }
0x27c: {  	v53 =	vld [tilespmem:s18+$0x970]  }
0x27d: {  	v55 =	vld [tilespmem:s18+$0x8970]  }
0x27e: {  	v48 =	vld [tilespmem:s18+$0x10980]  }
0x27f: {  	v25 =	vld [tilespmem:s18+$0x10990]  }
0x280: {  	v46 =	vld [tilespmem:s18+$0x9A0]  }
0x281: {  	v28 =	vld [tilespmem:s18+$0x89A0]  }
0x282: {  	v3 =	vld [tilespmem:s18+$0x9C0]  }
0x283: {  	v2 =	vld [tilespmem:s18+$0x89C0]  }
0x284: {  	v1 =	vld [tilespmem:s18+$0x9D0]  }
0x285: {  	v4 =	vld [tilespmem:s18+$0x108F0]  }
0x286: {  	v50 =	vld [tilespmem:s18+$0x930]  }
0x287: {  	v52 =	vld [tilespmem:s18+$0x8930]  }
0x288: {  	v15 =	vld [tilespmem:s18+$0x10940]  }
0x289: {  	v19 =	vld [tilespmem:s18+$0x10950]  }
0x28a: {  	v27 =	vld [tilespmem:s18+$0x960]  }
0x28b: {  	v12 =	vld [tilespmem:s18+$0x8960]  }
0x28c: {  	v9 =	vld [tilespmem:s18+$0x980]  }
0x28d: {  	v7 =	vld [tilespmem:s18+$0x8980]  }
0x28e: {  	v5 =	vld [tilespmem:s18+$0x990]  }
0x28f: {  	v6 =	vld [tilespmem:s18+$0x108B0]  }
0x290: {  	v33 =	vld [tilespmem:s18+$0x8F0]  }
0x291: {  	v44 =	vld [tilespmem:s18+$0x88F0]  }
0x292: {  	v54 =	vld [tilespmem:s18+$0x10900]  }
0x293: {  	v56 =	vld [tilespmem:s18+$0x10910]  }
0x294: {  	[tilespmem:$0x1F9D0] =	vst v0;
	v0 =	vld [tilespmem:s18+$0x10930]  }
0x295: {  	v57 =	vld [tilespmem:s18+$0x920]  }
0x296: {  	v59 =	vld [tilespmem:s18+$0x8920]  }
0x297: {  	v39 =	vld [tilespmem:s18+$0x940]  }
0x298: {  	v10 =	vld [tilespmem:s18+$0x8940]  }
0x299: {  	[tilespmem:$0x1F9E0] =	vst v0;
	v0 =	vld [tilespmem:s18+$0x10960]  }
0x29a: {  	v8 =	vld [tilespmem:s18+$0x950]  }
0x29b: {  	v13 =	vld [tilespmem:s18+$0x10870]  }
0x29c: {  	v45 =	vld [tilespmem:s18+$0x108C0]  }
0x29d: {  	v51 =	vld [tilespmem:s18+$0x108D0]  }
0x29e: {  	[tilespmem:$0x1F9C0] =	vst v0;
	v0 =	vld [tilespmem:s18+$0x89D0]  }
0x29f: {  	v58 =	vld [tilespmem:s18+$0x8E0]  }
0x2a0: {  	v2 =	vadd.f32 v2, v3;
	v3 =	vld [tilespmem:s18+$0x10800]  }
0x2a1: {  	v60 =	vld [tilespmem:s18+$0x88E0]  }
0x2a2: {  	v23 =	vld [tilespmem:s18+$0x900]  }
0x2a3: {  	v0 =	vadd.f32 v0, v1;
	v1 =	vld [tilespmem:s18+$0x87F0]  }
0x2a4: {  	[tilespmem:$0x1FA10] =	vst v4;
	v4 =	vld [tilespmem:s18+$0x10920]  }
0x2a5: {  	[tilespmem:$0x1FB60] =	vst v3;
	v3 =	vld [tilespmem:s18+$0x10810]  }
0x2a6: {  	v35 =	vld [tilespmem:s18+$0x8900]  }
0x2a7: {  	[tilespmem:$0x1FAA0] =	vst v13;
	v13 =	vld [tilespmem:s18+$0x108A0];
	v2 =	vsub.f32 v2, v43  }
0x2a8: {  	v36 =	vld [tilespmem:s18+$0x910];
	v0 =	vsub.f32 v0, v61;
	[tilespmem:$0x1FB30] =	vst v1;
	v1 =	vadd.f32 v11, v63  }
0x2a9: {  	v2 =	vand.u32 $0x7FFFFFFF, v2;
	[tilespmem:$0x1F9F0] =	vst v4;
	v4 =	vld [tilespmem:s18+$0x8990]  }
0x2aa: {  	v38 =	vld [tilespmem:s18+$0x8910];
	[tilespmem:$0x1FB70] =	vst v3;
	v3 =	vadd.f32 v40, v26;
	v0 =	vand.u32 $0x7FFFFFFF, v0;
	v1 =	vsub.f32 v1, v14  }
0x2ab: {  	[tilespmem:$0x1FA90] =	vst v6;
	v6 =	vld [tilespmem:s18+$0x108E0];
	v0 =	vadd.f32 v0, v2  }
0x2ac: {  	[tilespmem:$0x1FA80] =	vst v13;
	v13 =	vld [tilespmem:s18+$0x8B0];
	v2 =	vsub.f32 v3, v18;
	v1 =	vand.u32 $0x7FFFFFFF, v1  }
0x2ad: {  	v3 =	vld [tilespmem:s18+$0x7B0];
	v0 =	vadd.f32 v1, v0  }
0x2ae: {  	v4 =	vadd.f32 v4, v5;
	v5 =	vld [tilespmem:s18+$0x87B0];
	v1 =	vand.u32 $0x7FFFFFFF, v2  }
0x2af: {  	v47 =	vld [tilespmem:s18+$0x8A0];
	v0 =	vadd.f32 v1, v0  }
0x2b0: {  	[tilespmem:$0x1FA00] =	vst v6;
	v6 =	vld [tilespmem:s18+$0x8950]  }
0x2b1: {  	[tilespmem:$0x1FA20] =	vst v13;
	v1 =	vld [tilespmem:s18+$0x10770];
	v2 =	vperm.xlane v0, v20  }
0x2b2: {  	v13 =	vld [tilespmem:s18+$0x88B0];
	[tilespmem:$0x1FBB0] =	vst v3;
	v3 =	vadd.f32 v7, v9  }
0x2b3: {  	v49 =	vld [tilespmem:s18+$0x88A0];
	[tilespmem:$0x1FBC0] =	vst v5;
	v5 =	vadd.f32 v28, v46;
	v0 =	vadd.f32 v0, v2  }
0x2b4: {  	v24 =	vld [tilespmem:s18+$0x8C0];
	v2 =	vsub.f32 v3, v48;
	v3 =	vsub.f32 v4, v25  }
0x2b5: {  	v6 =	vadd.f32 v6, v8;
	v8 =	vld [tilespmem:s18+$0x10730]  }
0x2b6: {  	v5 =	vsub.f32 v5, v37;
	[tilespmem:$0x1FBE0] =	vst v1;
	v1 =	vld [tilespmem:s18+$0x107A0];
	v2 =	vand.u32 $0x7FFFFFFF, v2;
	v3 =	vand.u32 $0x7FFFFFFF, v3  }
0x2b7: {  	[tilespmem:$0x1FA30] =	vst v13;
	v13 =	vld [tilespmem:s18+$0x10830];
	v2 =	vadd.f32 v3, v2  }
0x2b8: {  	v32 =	vld [tilespmem:s18+$0x8D0];
	v5 =	vand.u32 $0x7FFFFFFF, v5;
	v3 =	vadd.f32 v10, v39  }
0x2b9: {  	v34 =	vld [tilespmem:s18+$0x88D0];
	v2 =	vadd.f32 v5, v2  }
0x2ba: {  	v16 =	vld [tilespmem:s18+$0x107F0];
	[tilespmem:$0x1FBF0] =	vst v8;
	v3 =	vsub.f32 v3, v15;
	v5 =	vsub.f32 v6, v19  }
0x2bb: {  	v8 =	vld [tilespmem:$0x1F9C0];
	[tilespmem:$0x1FBA0] =	vst v1;
	v1 =	vadd.f32 v29, v30  }
0x2bc: {  	[tilespmem:$0x1FB20] =	vst v13;
	v13 =	vld [tilespmem:s18+$0x10860];
	v7 =	vperm.xlane v0, v21;
	v3 =	vand.u32 $0x7FFFFFFF, v3;
	v5 =	vand.u32 $0x7FFFFFFF, v5  }
0x2bd: {  	v1 =	vsub.f32 v1, v41;
	v3 =	vadd.f32 v5, v3;
	v5 =	vld [tilespmem:$0x1F9D0]  }
0x2be: {  	v62 =	vld [tilespmem:s18+$0x880];
	v0 =	vadd.f32 v0, v7;
	v7 =	vadd.f32 v12, v27  }
0x2bf: {  	v42 =	vld [tilespmem:s18+$0x107B0];
	v4 =	vadd.f32 v55, v53;
	v1 =	vand.u32 $0x7FFFFFFF, v1  }
0x2c0: {  	v22 =	vld [tilespmem:s18+$0x8880];
	v7 =	vsub.f32 v7, v8;
	v1 =	vadd.f32 v1, v2  }
0x2c1: {  	[tilespmem:$0x1FB10] =	vst v13;
	v13 =	vld [tilespmem:s18+$0x870];
	v2 =	vperm.xlane v0, v31  }
0x2c2: {  	[tilespmem:$0x1FB90] =	vst v16;
	v16 =	vld [tilespmem:s18+$0x10820];
	v7 =	vand.u32 $0x7FFFFFFF, v7;
	v4 =	vsub.f32 v4, v5;
	v5 =	vperm.xlane v1, v20  }
0x2c3: {  	v17 =	vld [tilespmem:s18+$0x890];
	v0 =	vadd.f32 v0, v2;
	v2 =	vadd.f32 v7, v3  }
0x2c4: {  	[tilespmem:$0x1FBD0] =	vst v42;
	v42 =	vld [tilespmem:s18+$0x107E0];
	v1 =	vadd.f32 v1, v5;
	v5 =	vadd.f32 v38, v36  }
0x2c5: {  	v8 =	vld [tilespmem:s18+$0x10760];
	v4 =	vand.u32 $0x7FFFFFFF, v4  }
0x2c6: {  	[tilespmem:$0x1FA60] =	vst v13;
	v13 =	vld [tilespmem:s18+$0x8870];
	v2 =	vadd.f32 v4, v2;
	v4 =	vperm.xlane v1, v21;
	v5 =	vsub.f32 v5, v56  }
0x2c7: {  	[tilespmem:$0x1FB50] =	vst v16;
	v16 =	vld [tilespmem:s18+$0x830]  }
0x2c8: {  	v1 =	vadd.f32 v1, v4;
	v4 =	vand.u32 $0x7FFFFFFF, v5;
	v5 =	vld [tilespmem:$0x1F9F0]  }
0x2c9: {  	v43 =	vld [tilespmem:s18+$0x8820];
	v3 =	vadd.f32 v35, v23  }
0x2ca: {  	[tilespmem:$0x1FC00] =	vst v8;
	v8 =	vld [tilespmem:$0x1F9E0]  }
0x2cb: {  	[tilespmem:$0x1FA70] =	vst v13;
	v13 =	vld [tilespmem:s18+$0x10880];
	v7 =	vadd.f32 v59, v57;
	v3 =	vsub.f32 v3, v54  }
0x2cc: {  	[tilespmem:$0x1FAF0] =	vst v16;
	v16 =	vld [tilespmem:s18+$0x8830]  }
0x2cd: {  	[tilespmem:$0x1FB80] =	vst v42;
	v42 =	vld [tilespmem:s18+$0x7F0];
	v6 =	vadd.f32 v52, v50;
	v3 =	vand.u32 $0x7FFFFFFF, v3;
	v5 =	vsub.f32 v7, v5  }
0x2ce: {  	v40 =	vld [tilespmem:s18+$0x850];
	v3 =	vadd.f32 v4, v3  }
0x2cf: {  	v11 =	vld [tilespmem:s18+$0x820];
	v6 =	vsub.f32 v6, v8;
	v5 =	vand.u32 $0x7FFFFFFF, v5  }
0x2d0: {  	[tilespmem:$0x1FA40] =	vst v13;
	v13 =	vld [tilespmem:s18+$0x10890];
	v3 =	vadd.f32 v5, v3  }
0x2d1: {  	[tilespmem:$0x1FB00] =	vst v16;
	v16 =	vld [tilespmem:s18+$0x10840];
	v6 =	vand.u32 $0x7FFFFFFF, v6  }
0x2d2: {  	v3 =	vadd.f32 v6, v3;
	v6 =	vld [tilespmem:$0x1FA00]  }
0x2d3: {  	v26 =	vld [tilespmem:s18+$0x800];
	v10 =	vperm.xlane v2, v20  }
0x2d4: {  	v46 =	vld [tilespmem:s18+$0x107C0];
	[tilespmem:$0x1FB40] =	vst v11;
	v11 =	vadd.f32 v60, v58  }
0x2d5: {  	[tilespmem:$0x1FA50] =	vst v13;
	v13 =	vld [tilespmem:s18+$0x88C0];
	v2 =	vadd.f32 v2, v10;
	v7 =	vadd.f32 v34, v32  }
0x2d6: {  	[tilespmem:$0x1FAD0] =	vst v16;
	v16 =	vld [tilespmem:s18+$0x10850]  }
0x2d7: {  	v7 =	vsub.f32 v7, v51;
	v5 =	vperm.xlane v2, v21;
	v6 =	vsub.f32 v11, v6;
	v11 =	vld [tilespmem:$0x1FA10]  }
0x2d8: {  	v28 =	vld [tilespmem:s18+$0x106F0]  }
0x2d9: {  	v61 =	vld [tilespmem:s18+$0x840];
	v2 =	vadd.f32 v2, v5;
	v5 =	vand.u32 $0x7FFFFFFF, v7;
	v7 =	vperm.xlane v1, v31  }
0x2da: {  	v37 =	vld [tilespmem:s18+$0x6F0];
	v9 =	vadd.f32 v44, v33;
	v4 =	vadd.f32 v13, v24  }
0x2db: {  	v63 =	vld [tilespmem:s18+$0x8840];
	v1 =	vadd.f32 v1, v7  }
0x2dc: {  	[tilespmem:$0x1FAE0] =	vst v16;
	v16 =	vld [tilespmem:s18+$0x860];
	v4 =	vsub.f32 v4, v45;
	v9 =	vsub.f32 v9, v11;
	v11 =	vperm.xlane v2, v31  }
0x2dd: {  	[tilespmem:$0x1FE10] =	vst v1;
	v1 =	vld [tilespmem:$0x1FA20]  }
0x2de: {  	v4 =	vand.u32 $0x7FFFFFFF, v4;
	v60 =	vadd.f32 v2, v11;
	v2 =	vld [tilespmem:$0x1FA30]  }
0x2df: {  	v18 =	vld [tilespmem:s18+$0x8850];
	v4 =	vadd.f32 v5, v4;
	v5 =	vperm.xlane v3, v20  }
0x2e0: {  	v14 =	vld [tilespmem:s18+$0x790];
	v6 =	vand.u32 $0x7FFFFFFF, v6  }
0x2e1: {  	[tilespmem:$0x1FAB0] =	vst v16;
	v16 =	vld [tilespmem:s18+$0x8860];
	v3 =	vadd.f32 v3, v5;
	v4 =	vadd.f32 v6, v4  }
0x2e2: {  	v44 =	vld [tilespmem:s18+$0x10740];
	v5 =	vand.u32 $0x7FFFFFFF, v9  }
0x2e3: {  	v58 =	vld [tilespmem:s18+$0x8760];
	v1 =	vadd.f32 v2, v1;
	v2 =	vadd.f32 v5, v4;
	v4 =	vperm.xlane v3, v21  }
0x2e4: {  	v33 =	vld [tilespmem:s18+$0x10700]  }
0x2e5: {  	v3 =	vadd.f32 v3, v4;
	v4 =	vld [tilespmem:$0x1FA40]  }
0x2e6: {  	[tilespmem:$0x1FAC0] =	vst v16;
	v16 =	vld [tilespmem:s18+$0x8890]  }
0x2e7: {  	v48 =	vld [tilespmem:s18+$0x107D0]  }
0x2e8: {  	v53 =	vld [tilespmem:s18+$0x7E0];
	v5 =	vadd.f32 v22, v62  }
0x2e9: {  	v13 =	vld [tilespmem:$0x1FA60]  }
0x2ea: {  	v4 =	vsub.f32 v5, v4;
	v5 =	vld [tilespmem:$0x1FA50]  }
0x2eb: {  	v6 =	vadd.f32 v16, v17;
	v16 =	vld [tilespmem:$0x1FA70]  }
0x2ec: {  	v55 =	vld [tilespmem:s18+$0x87E0]  }
0x2ed: {  	v25 =	vld [tilespmem:s18+$0x8800]  }
0x2ee: {  	v39 =	vld [tilespmem:s18+$0x770]  }
0x2ef: {  	v27 =	vld [tilespmem:s18+$0x810];
	v5 =	vsub.f32 v6, v5  }
0x2f0: {  	v16 =	vadd.f32 v16, v13;
	v13 =	vld [tilespmem:$0x1FA80]  }
0x2f1: {  	v12 =	vld [tilespmem:s18+$0x87C0];
	v4 =	vand.u32 $0x7FFFFFFF, v4;
	v5 =	vand.u32 $0x7FFFFFFF, v5  }
0x2f2: {  	v4 =	vadd.f32 v5, v4;
	v5 =	vld [tilespmem:$0x1FA90]  }
0x2f3: {  	v19 =	vld [tilespmem:s18+$0x8810];
	v7 =	vadd.f32 v49, v47  }
0x2f4: {  	v50 =	vld [tilespmem:s18+$0x10780];
	v11 =	vperm.xlane v2, v20  }
0x2f5: {  	v52 =	vld [tilespmem:s18+$0x10790];
	v7 =	vsub.f32 v7, v13  }
0x2f6: {  	v15 =	vld [tilespmem:s18+$0x7D0];
	v2 =	vadd.f32 v2, v11;
	v11 =	vperm.xlane v3, v31  }
0x2f7: {  	v13 =	vld [tilespmem:$0x1FAA0];
	v7 =	vand.u32 $0x7FFFFFFF, v7;
	v1 =	vsub.f32 v1, v5  }
0x2f8: {  	v29 =	vld [tilespmem:s18+$0x10720];
	v34 =	vadd.f32 v3, v11;
	v3 =	vadd.f32 v7, v4  }
0x2f9: {  	v30 =	vld [tilespmem:s18+$0x106B0];
	v1 =	vand.u32 $0x7FFFFFFF, v1  }
0x2fa: {  	v3 =	vadd.f32 v1, v3;
	v1 =	vld [tilespmem:$0x1FAD0]  }
0x2fb: {  	v41 =	vld [tilespmem:s18+$0x86F0];
	v5 =	vperm.xlane v2, v21  }
0x2fc: {  	v19 =	vadd.f32 v19, v27;
	v27 =	vld [tilespmem:s18+$0x86B0];
	v16 =	vsub.f32 v16, v13  }
0x2fd: {  	v13 =	vld [tilespmem:$0x1FAC0];
	v11 =	vadd.f32 v2, v5;
	v2 =	vadd.f32 v63, v61  }
0x2fe: {  	v7 =	vld [tilespmem:$0x1FAB0]  }
0x2ff: {  	v2 =	vsub.f32 v2, v1;
	v1 =	vld [tilespmem:$0x1FAE0]  }
0x300: {  	v57 =	vld [tilespmem:s18+$0x7A0]  }
0x301: {  	v59 =	vld [tilespmem:s18+$0x87A0]  }
0x302: {  	v23 =	vld [tilespmem:s18+$0x720];
	v4 =	vadd.f32 v18, v40  }
0x303: {  	v7 =	vadd.f32 v13, v7;
	v13 =	vld [tilespmem:$0x1FB00]  }
0x304: {  	v4 =	vsub.f32 v4, v1;
	v1 =	vld [tilespmem:$0x1FAF0]  }
0x305: {  	v35 =	vld [tilespmem:s18+$0x8740]  }
0x306: {  	[tilespmem:$0x1FDD0] =	vst v0;
	v0 =	vld [tilespmem:s18+$0x8770]  }
0x307: {  	v54 =	vld [tilespmem:s18+$0x8730]  }
0x308: {  	v36 =	vld [tilespmem:s18+$0x8750]  }
0x309: {  	v17 =	vadd.f32 v13, v1;
	v13 =	vld [tilespmem:$0x1FB20]  }
0x30a: {  	v38 =	vld [tilespmem:s18+$0x6E0]  }
0x30b: {  	v8 =	vld [tilespmem:s18+$0x7C0];
	v18 =	vperm.xlane v3, v20  }
0x30c: {  	v56 =	vld [tilespmem:s18+$0x760]  }
0x30d: {  	v18 =	vadd.f32 v3, v18;
	v3 =	vld [tilespmem:$0x1FB40]  }
0x30e: {  	v17 =	vsub.f32 v17, v13;
	v13 =	vld [tilespmem:$0x1FB30]  }
0x30f: {  	v22 =	vld [tilespmem:$0x1FB50]  }
0x310: {  	v10 =	vld [tilespmem:s18+$0x87D0]  }
0x311: {  	v24 =	vld [tilespmem:s18+$0x780]  }
0x312: {  	v0 =	vadd.f32 v0, v39;
	v39 =	vld [tilespmem:s18+$0x8680];
	v3 =	vadd.f32 v43, v3  }
0x313: {  	v8 =	vadd.f32 v12, v8;
	v45 =	vld [tilespmem:s18+$0x10750];
	v42 =	vadd.f32 v13, v42  }
0x314: {  	v13 =	vadd.f32 v25, v26;
	v25 =	vsub.f32 v3, v22;
	v3 =	vld [tilespmem:$0x1FB60]  }
0x315: {  	v1 =	vld [tilespmem:$0x1FB10]  }
0x316: {  	v8 =	vsub.f32 v8, v46;
	v46 =	vld [tilespmem:s18+$0x710]  }
0x317: {  	v32 =	vld [tilespmem:s18+$0x106E0]  }
0x318: {  	v10 =	vadd.f32 v10, v15;
	v9 =	vld [tilespmem:s18+$0x8780]  }
0x319: {  	v15 =	vadd.f32 v55, v53;
	v13 =	vsub.f32 v13, v3;
	v3 =	vld [tilespmem:$0x1FB70]  }
0x31a: {  	v55 =	vld [tilespmem:s18+$0x86A0];
	v2 =	vand.u32 $0x7FFFFFFF, v2;
	v4 =	vand.u32 $0x7FFFFFFF, v4;
	v7 =	vsub.f32 v7, v1  }
0x31b: {  	v51 =	vld [tilespmem:s18+$0x730];
	v4 =	vadd.f32 v4, v2  }
0x31c: {  	v10 =	vsub.f32 v10, v48;
	v48 =	vld [tilespmem:s18+$0x630];
	v7 =	vand.u32 $0x7FFFFFFF, v7  }
0x31d: {  	v47 =	vld [tilespmem:s18+$0x8710];
	v4 =	vadd.f32 v7, v4  }
0x31e: {  	v62 =	vld [tilespmem:s18+$0x10670];
	v9 =	vadd.f32 v9, v24;
	v16 =	vand.u32 $0x7FFFFFFF, v16;
	v26 =	vsub.f32 v19, v3  }
0x31f: {  	v8 =	vand.u32 $0x7FFFFFFF, v8;
	v6 =	vld [tilespmem:s18+$0x8790];
	v16 =	vadd.f32 v16, v4  }
0x320: {  	v9 =	vsub.f32 v9, v50;
	v50 =	vld [tilespmem:s18+$0x670];
	v13 =	vand.u32 $0x7FFFFFFF, v13;
	v53 =	vand.u32 $0x7FFFFFFF, v26  }
0x321: {  	v10 =	vand.u32 $0x7FFFFFFF, v10;
	v22 =	vld [tilespmem:$0x1FB80];
	v49 =	vperm.xlane v16, v20;
	v13 =	vadd.f32 v53, v13  }
0x322: {  	v8 =	vadd.f32 v10, v8;
	v40 =	vld [tilespmem:s18+$0x700];
	v25 =	vand.u32 $0x7FFFFFFF, v25  }
0x323: {  	v16 =	vadd.f32 v16, v49;
	v10 =	vadd.f32 v25, v13;
	v13 =	vand.u32 $0x7FFFFFFF, v17;
	v17 =	vld [tilespmem:$0x1FB90]  }
0x324: {  	v6 =	vadd.f32 v6, v14;
	v14 =	vadd.f32 v59, v57;
	v57 =	vld [tilespmem:s18+$0x6C0]  }
0x325: {  	v59 =	vld [tilespmem:s18+$0x86C0];
	v10 =	vadd.f32 v13, v10;
	v13 =	vperm.xlane v16, v21  }
0x326: {  	v6 =	vsub.f32 v6, v52;
	v52 =	vld [tilespmem:s18+$0x8670];
	v15 =	vsub.f32 v15, v22  }
0x327: {  	v13 =	vadd.f32 v16, v13;
	v16 =	vld [tilespmem:$0x1FBA0]  }
0x328: {  	v5 =	vld [tilespmem:s18+$0x10710];
	v15 =	vand.u32 $0x7FFFFFFF, v15;
	v17 =	vsub.f32 v42, v17  }
0x329: {  	v63 =	vld [tilespmem:s18+$0x8720];
	v12 =	vperm.xlane v11, v31;
	v15 =	vadd.f32 v15, v8  }
0x32a: {  	v2 =	vld [tilespmem:s18+$0x750];
	v17 =	vand.u32 $0x7FFFFFFF, v17  }
0x32b: {  	v8 =	vadd.f32 v11, v12;
	v11 =	vadd.f32 v17, v15;
	v17 =	vld [tilespmem:$0x1FBC0]  }
0x32c: {  	v9 =	vand.u32 $0x7FFFFFFF, v9;
	v6 =	vand.u32 $0x7FFFFFFF, v6;
	v14 =	vsub.f32 v14, v16;
	v16 =	vld [tilespmem:$0x1FBB0]  }
0x32d: {  	v6 =	vadd.f32 v6, v9;
	v9 =	vld [tilespmem:$0x1FBD0];
	v12 =	vperm.xlane v10, v20  }
0x32e: {  	v61 =	vld [tilespmem:s18+$0x6D0]  }
0x32f: {  	v1 =	vld [tilespmem:s18+$0x740];
	v10 =	vadd.f32 v10, v12;
	v12 =	vperm.xlane v11, v20  }
0x330: {  	v43 =	vld [tilespmem:s18+$0x86E0];
	v2 =	vadd.f32 v36, v2  }
0x331: {  	v36 =	vld [tilespmem:s18+$0x8620];
	v11 =	vadd.f32 v11, v12;
	v16 =	vadd.f32 v17, v16  }
0x332: {  	v7 =	vld [tilespmem:s18+$0x10630]  }
0x333: {  	v4 =	vld [tilespmem:s18+$0x106A0];
	v12 =	vsub.f32 v16, v9;
	v16 =	vperm.xlane v11, v21  }
0x334: {  	v1 =	vadd.f32 v35, v1;
	v35 =	vld [tilespmem:s18+$0x620];
	v24 =	vperm.xlane v10, v21;
	v14 =	vand.u32 $0x7FFFFFFF, v14  }
0x335: {  	v49 =	vld [tilespmem:s18+$0x8630];
	v6 =	vadd.f32 v14, v6;
	v16 =	vadd.f32 v11, v16  }
0x336: {  	v22 =	vld [tilespmem:s18+$0x10600];
	v10 =	vadd.f32 v10, v24;
	v12 =	vand.u32 $0x7FFFFFFF, v12  }
0x337: {  	v3 =	vld [tilespmem:s18+$0x6B0];
	v6 =	vadd.f32 v12, v6;
	v12 =	vperm.xlane v16, v31  }
0x338: {  	v19 =	vld [tilespmem:s18+$0x106C0];
	v14 =	vperm.xlane v13, v31;
	v11 =	vperm.xlane v10, v31  }
0x339: {  	v25 =	vperm.xlane v18, v21;
	v12 =	vadd.f32 v16, v12;
	v16 =	vld [tilespmem:$0x1FBF0]  }
0x33a: {  	v11 =	vadd.f32 v10, v11;
	v10 =	vadd.f32 v13, v14;
	v14 =	vld [tilespmem:$0x1FBE0]  }
0x33b: {  	v26 =	vld [tilespmem:s18+$0x106D0];
	v25 =	vadd.f32 v18, v25  }
0x33c: {  	v53 =	vld [tilespmem:s18+$0x6A0];
	v13 =	vadd.f32 v54, v51  }
0x33d: {  	v18 =	vld [tilespmem:s18+$0x10660];
	v9 =	vperm.xlane v25, v31  }
0x33e: {  	v24 =	vsub.f32 v13, v16;
	v13 =	vld [tilespmem:$0x1FC00]  }
0x33f: {  	v42 =	vld [tilespmem:s18+$0x8700];
	v9 =	vadd.f32 v25, v9;
	v25 =	vsub.f32 v0, v14;
	v0 =	vperm.xlane v6, v20  }
0x340: {  	v23 =	vadd.f32 v63, v23;
	v15 =	vld [tilespmem:s18+$0x10620]  }
0x341: {  	v17 =	vld [tilespmem:s18+$0x10680];
	v14 =	vadd.f32 v58, v56;
	v0 =	vadd.f32 v6, v0  }
0x342: {  	v1 =	vsub.f32 v1, v44;
	v3 =	vadd.f32 v27, v3;
	v54 =	vld [tilespmem:s18+$0x86D0]  }
0x343: {  	v31 =	vld [tilespmem:s18+$0x660];
	v58 =	vsub.f32 v2, v45;
	v16 =	vsub.f32 v14, v13;
	v13 =	vperm.xlane v0, v21  }
0x344: {  	v2 =	vsub.f32 v23, v29;
	v29 =	vld [tilespmem:s18+$0x680];
	v14 =	vadd.f32 v41, v37  }
0x345: {  	v6 =	vld [tilespmem:s18+$0x10610];
	v13 =	vadd.f32 v0, v13;
	v0 =	vand.u32 $0x7FFFFFFF, v1;
	v1 =	vadd.f32 v42, v40  }
0x346: {  	v23 =	vand.u32 $0x7FFFFFFF, v58;
	v37 =	vld [tilespmem:s18+$0x8660];
	v14 =	vsub.f32 v14, v28;
	v28 =	vadd.f32 v47, v46  }
0x347: {  	v41 =	vld [tilespmem:s18+$0x8610];
	v0 =	vadd.f32 v23, v0;
	v1 =	vsub.f32 v1, v33  }
0x348: {  	v40 =	vld [tilespmem:s18+$0x8690];
	v27 =	vsub.f32 v28, v5;
	v5 =	vand.u32 $0x7FFFFFFF, v16;
	v28 =	vadd.f32 v43, v38  }
0x349: {  	v42 =	vld [tilespmem:s18+$0x640];
	v16 =	vadd.f32 v5, v0;
	v5 =	vsub.f32 v3, v30  }
0x34a: {  	p0 =	sne.s32 s20, $0x1F000;
	v23 =	vld [tilespmem:s18+$0x690];
	v3 =	vadd.f32 v59, v57;
	v0 =	vand.u32 $0x7FFFFFFF, v1;
	v21 =	vsub.f32 v28, v32  }
.Ltmp0:
0x34b: {  	v33 =	vld [tilespmem:s18+$0x8600];
	v1 =	vand.u32 $0x7FFFFFFF, v27;
	v27 =	vadd.f32 v52, v50;
	v28 =	vadd.f32 v54, v61;
	(pc) =	sbr.rel @p0 .LBB2_2-.Ltmp0, $4  }
0x34c: {  	v38 =	vld [tilespmem:s18+$0x610];
	v61 =	vadd.f32 v55, v53;
	v0 =	vadd.f32 v1, v0  }
0x34d: {  	v30 =	vld [tilespmem:s18+$0x600];
	v1 =	vadd.f32 v49, v48;
	v63 =	vsub.f32 v3, v19  }
0x34e: {  	v19 =	vld [tilespmem:s18+$0x8640];
	v43 =	vsub.f32 v28, v26;
	v3 =	vsub.f32 v61, v4  }
0x34f: {  	s20 =	sadd.s32 $0x1000, s20;
	v26 =	vld [tilespmem:s18+$0x650];
	v7 =	vsub.f32 v1, v7;
	v1 =	vsub.f32 v27, v62;
	v4 =	vand.u32 $0x7FFFFFFF, v63  }
0x350: {  	v20 =	vadd.f32 v36, v35;
	v28 =	vadd.f32 v37, v31;
	v47 =	vand.u32 $0x7FFFFFFF, v43  }
0x351: {  	v27 =	vld [tilespmem:s18+$0x8650];
	v29 =	vadd.f32 v39, v29;
	v25 =	vand.u32 $0x7FFFFFFF, v25;
	v23 =	vadd.f32 v40, v23  }
0x352: {  	v48 =	vld [tilespmem:s18+$0x10640];
	v2 =	vand.u32 $0x7FFFFFFF, v2;
	v4 =	vadd.f32 v47, v4;
	v52 =	vadd.f32 v41, v38  }
0x353: {  	v49 =	vld [tilespmem:s18+$0x10650];
	v0 =	vadd.f32 v2, v0;
	v62 =	vadd.f32 v25, v16  }
0x354: {  	v50 =	vld [tilespmem:s18+$0x10690];
	v15 =	vsub.f32 v20, v15;
	v18 =	vsub.f32 v28, v18  }
0x355: {  	v24 =	vand.u32 $0x7FFFFFFF, v24;
	v17 =	vsub.f32 v29, v17;
	v51 =	vadd.f32 v33, v30  }
0x356: {  	v21 =	vand.u32 $0x7FFFFFFF, v21;
	v19 =	vadd.f32 v19, v42;
	v26 =	vadd.f32 v27, v26  }
0x357: {  	v3 =	vand.u32 $0x7FFFFFFF, v3;
	v6 =	vsub.f32 v52, v6;
	v22 =	vsub.f32 v51, v22  }
0x358: {  	v5 =	vand.u32 $0x7FFFFFFF, v5;
	v19 =	vsub.f32 v19, v48;
	v20 =	vsub.f32 v26, v49  }
0x359: {  	v17 =	vand.u32 $0x7FFFFFFF, v17;
	v23 =	vsub.f32 v23, v50;
	v6 =	vand.u32 $0x7FFFFFFF, v6  }
0x35a: {  	v32 =	vld [tilespmem:$0x1FFE0];
	v22 =	vand.u32 $0x7FFFFFFF, v22;
	v19 =	vand.u32 $0x7FFFFFFF, v19;
	v20 =	vand.u32 $0x7FFFFFFF, v20  }
0x35b: {  	v57 =	vld [tilespmem:$0x1FFC0];
	v6 =	vadd.f32 v6, v22;
	v54 =	vand.u32 $0x7FFFFFFF, v23;
	v19 =	vadd.f32 v20, v19  }
0x35c: {  	v15 =	vand.u32 $0x7FFFFFFF, v15;
	v18 =	vand.u32 $0x7FFFFFFF, v18;
	v17 =	vadd.f32 v54, v17  }
0x35d: {  	v35 =	vld [tilespmem:$0x1FFF0];
	v7 =	vand.u32 $0x7FFFFFFF, v7;
	v6 =	vadd.f32 v15, v6;
	v55 =	vadd.f32 v18, v19  }
0x35e: {  	v1 =	vand.u32 $0x7FFFFFFF, v1;
	v4 =	vadd.f32 v21, v4;
	v3 =	vadd.f32 v3, v17  }
0x35f: {  	v56 =	vand.u32 $0x7FFFFFFF, v14;
	v6 =	vadd.f32 v7, v6;
	v1 =	vadd.f32 v1, v55  }
0x360: {  	v53 =	vperm.xlane v13, v32;
	v21 =	vperm.xlane v62, v57;
	v22 =	vld [tilespmem:$0x1FFD0];
	v3 =	vadd.f32 v5, v3  }
0x361: {  	v4 =	vadd.f32 v56, v4;
	v58 =	vperm.xlane v6, v57;
	v59 =	vperm.xlane v1, v57  }
0x362: {  	v0 =	vadd.f32 v24, v0;
	v43 =	vperm.xlane v12, v35;
	v61 =	vperm.xlane v3, v57  }
0x363: {  	v63 =	vperm.xlane v4, v57;
	v2 =	vadd.f32 v6, v58;
	v1 =	vadd.f32 v1, v59  }
0x364: {  	v45 =	vperm.xlane v11, v35;
	v20 =	vperm.xlane v0, v57;
	v3 =	vadd.f32 v3, v61  }
0x365: {  	v4 =	vadd.f32 v4, v63;
	v23 =	vperm.xlane v2, v22;
	v24 =	vperm.xlane v1, v22  }
0x366: {  	v26 =	vadd.f32 v62, v21;
	v0 =	vadd.f32 v0, v20;
	v25 =	vperm.xlane v3, v22  }
0x367: {  	v27 =	vperm.xlane v4, v22;
	v2 =	vadd.f32 v2, v23;
	v1 =	vadd.f32 v1, v24  }
0x368: {  	v14 =	vperm.xlane v26, v22;
	v28 =	vperm.xlane v0, v22;
	v3 =	vadd.f32 v3, v25  }
0x369: {  	v4 =	vadd.f32 v4, v27;
	v15 =	vperm.xlane v2, v32;
	v16 =	vperm.xlane v1, v32  }
0x36a: {  	v5 =	vadd.f32 v26, v14;
	v0 =	vadd.f32 v0, v28;
	v29 =	vperm.xlane v3, v32  }
0x36b: {  	v30 =	vperm.xlane v4, v32;
	v2 =	vadd.f32 v2, v15;
	v1 =	vadd.f32 v1, v16  }
0x36c: {  	v14 =	vperm.xlane v5, v32;
	v33 =	vperm.xlane v0, v32;
	v3 =	vadd.f32 v3, v29  }
0x36d: {  	v4 =	vadd.f32 v4, v30;
	v15 =	vperm.xlane v2, v35;
	v16 =	vperm.xlane v1, v35  }
0x36e: {  	v5 =	vadd.f32 v5, v14;
	v0 =	vadd.f32 v0, v33;
	v36 =	vperm.xlane v3, v35  }
0x36f: {  	v37 =	vperm.xlane v4, v35;
	v2 =	vadd.f32 v2, v15;
	v1 =	vadd.f32 v1, v16  }
0x370: {  	v13 =	vadd.f32 v13, v53;
	v38 =	vperm.xlane v0, v35;
	v3 =	vadd.f32 v3, v36  }
0x371: {  	v40 =	vperm.xlane v5, v35;
	v39 =	vadd.f32 v4, v37;
	v1 =	vsel vm0, v2, v1  }
0x372: {  	v41 =	vperm.xlane v13, v35;
	v0 =	vadd.f32 v0, v38;
	v1 =	vsel vm1, v1, v3  }
0x373: {  	v47 =	vperm.xlane v10, v35;
	v42 =	vadd.f32 v5, v40;
	v1 =	vsel vm2, v1, v39  }
0x374: {  	v44 =	vadd.f32 v13, v41;
	v55 =	vperm.xlane v60, v35;
	v0 =	vsel vm3, v1, v0  }
0x375: {  	v46 =	vadd.f32 v12, v43;
	v48 =	vadd.f32 v11, v45;
	v57 =	vld [tilespmem:$0x1FE10];
	v0 =	vsel vm4, v0, v42  }
0x376: {  	v49 =	vperm.xlane v9, v35;
	v59 =	vadd.f32 v60, v55;
	v60 =	vld [tilespmem:$0x1FDD0];
	v0 =	vsel vm5, v0, v44  }
0x377: {  	v51 =	vperm.xlane v8, v35;
	v50 =	vadd.f32 v10, v47;
	v0 =	vsel vm6, v0, v46  }
0x378: {  	v53 =	vperm.xlane v34, v35;
	v52 =	vadd.f32 v9, v49;
	v0 =	vsel vm7, v0, v48  }
0x379: {  	v54 =	vadd.f32 v8, v51;
	v0 =	vsel vm8, v0, v50  }
0x37a: {  	v56 =	vadd.f32 v34, v53;
	v58 =	vperm.xlane v57, v35;
	v0 =	vsel vm9, v0, v52  }
0x37b: {  	v61 =	vperm.xlane v60, v35;
	v0 =	vsel vm10, v0, v54  }
0x37c: {  	v62 =	vadd.f32 v57, v58;
	v0 =	vsel vm11, v0, v56  }
0x37d: {  	v63 =	vadd.f32 v60, v61;
	v0 =	vsel vm12, v0, v59  }
0x37e: {  	s17 =	sadd.s32 $0x1, s17;
	v0 =	vsel vm13, v0, v62  }
0x37f: {  	s20 =	sadd.s32 $0x10, s19;
	p0 =	sne.s32 s17, s9;
	v0 =	vsel vm14, v0, v63  }
.Ltmp1:
0x380: {  	[tilespmem:s20+$0x0] =	vst v0;
	(pc) =	sbr.rel @p0 .LBB2_1-.Ltmp1, $4  }
0x381: {  	[hbm4b:s8+s1] =	stream.linear.scatter [tilespmem:s16], [sflag:$0x2], $0x200, $0x38;
	[tilespmem:$0x18800] =	vst v63  }
0x382: {  	_ =	swait.ge [sflag:s10], $0x200  }
0x383: {  	[sflag:s10] =	ssyncset.done $0x0  }
0x384: {  	[sflag:s10] =	ssyncadd.s32 $0xFFFFFE00  }
0x385: {  	_ =	sfence.sel $0x180000  }
0x386: {  	[bflag:$0x0] =	sbarrier.arrive $0xFFFF  }
0x387: {  	_ =	strace $0x90000047  }
0x388: {  	s0 =	stileid.u32;
	[bflag:$0x2] =	sbarrier.arrive $0xFFFF  }
0x389: {  	p0 =	sne.s32 s0, $0x0;
	s0 =	rddreg [dreg:$0x5]  }
0x38a: {  	s0 =	sadd.s32 @!p0 $0x100000, s0  }
0x38b: {  	[sflag:s0] =	ssyncadd.tile.s32 @!p0 $0x1;
	_ =	shalt  }
.Lfunc_end2:
_tile_overlayer_lowered:
.L_overlay_start_2:
0x38c: {  	(tag) =	ssettag $0x2  }
0x38d: {  	s0 =	rddreg [dreg:$0x0];
	s2 =	stileid.u32  }
0x38e: {  	s1 =	rddreg [dreg:$0x1];
	p0 =	sne.s32 s2, $0x0  }
0x38f: {  	s3 =	rddreg [dreg:$0x2];
	[bflag:$0x3] =	sbarrier.arrive $0xFFFF;
	s2 =	simm.s32 @!p0 $0x1C02  }
0x390: {  	[timem:s3], [sflag:s2] =	dma.local @!p0 [hbm:s0], s1  }
0x391: {  	s0 =	simm.s32 @!p0 $0x2  }
0x392: {  	_ =	swait.ge @!p0 [sflag:s0], s1  }
0x393: {  	s1 =	ssub.s32 @!p0 $0x0, s1;
	[sflag:s0] =	ssyncset.done @!p0 $0x0  }
0x394: {  	[sflag:s0] =	ssyncadd.s32 @!p0 s1  }
0x395: {  	[bflag:$0x3] =	sbarrier.arrive $0xFFFF  }
0x396: {  	_ =	shalt  }

</sc_bundles>
